<compile_context>
chip_gen: v7x
topology: tpu7x:2x2x1
jax: 0.10.2.dev20260603
libtpu: 0.0.44.dev20260713+nightly
codegen_flags: <defaults>
</compile_context>

<pallas_src>
import functools

import jax
import jax.numpy as jnp
from jax import lax
from jax.experimental import pallas as pl
from jax.experimental.pallas import tpu as pltpu
from jax.experimental.pallas import tpu_sc as plsc

_NSUB = 16
_NCORE = 2



def _sc_deg(dst3, zeros16):
  _, CH, K = dst3.shape
  NP = zeros16.shape[0]
  rows_per_sub = NP // _NSUB
  GRP = 20

  mesh = plsc.VectorSubcoreMesh(core_axis_name="c", subcore_axis_name="s")

  @functools.partial(
      pl.kernel,
      out_type=jax.ShapeDtypeStruct((NP, 128), jnp.float32),
      mesh=mesh,
      scratch_types=[
          pltpu.VMEM((CH, K), jnp.int32),
          pltpu.VMEM((K, 16), jnp.float32),
          pltpu.VMEM_SHARED((NP, 16), jnp.float32),
          pltpu.SemaphoreType.DMA,
      ],
      compiler_params=pltpu.CompilerParams(use_tc_tiling_on_sc=False),
  )
  def kern(dst3_h, zeros_h, out_h, dst_v, ones_v, acc_sh, sem):
    c = lax.axis_index("c")
    s = lax.axis_index("s")
    wid = c * _NSUB + s
    row0 = s * rows_per_sub
    pltpu.sync_copy(zeros_h.at[pl.ds(row0, rows_per_sub)],
                    acc_sh.at[pl.ds(row0, rows_per_sub)])
    pltpu.sync_copy(dst3_h.at[wid], dst_v)

    def fill(i, carry):
      ones_v[i, :] = jnp.ones((16,), jnp.float32)
      return carry

    lax.fori_loop(0, K, fill, 0)
    plsc.subcore_barrier()

    def grp_body(g, carry):
      def fire(j, cc):
        pltpu.async_copy(ones_v, acc_sh.at[dst_v.at[g * GRP + j]], sem,
                         add=True)
        return cc

      lax.fori_loop(0, GRP, fire, 0)

      def drain(j, cc):
        pltpu.make_async_copy(ones_v, acc_sh.at[dst_v.at[0]], sem).wait()
        return cc

      lax.fori_loop(0, GRP, drain, 0)
      return carry

    lax.fori_loop(0, CH // GRP, grp_body, 0)
    plsc.subcore_barrier()
    pltpu.sync_copy(acc_sh.at[pl.ds(row0, rows_per_sub)],
                    out_h.at[pl.ds(row0, rows_per_sub), pl.ds(c * 16, 16)])

  return kern(dst3, zeros16)


def _sc_agg16(table, src3, dst3, zeros16):
  _, CH, K = src3.shape
  NP = zeros16.shape[0]
  rows_per_sub = NP // _NSUB
  R = 4

  mesh = plsc.VectorSubcoreMesh(core_axis_name="c", subcore_axis_name="s")

  @functools.partial(
      pl.kernel,
      out_type=jax.ShapeDtypeStruct((NP, 128), jnp.float32),
      mesh=mesh,
      scratch_types=[
          pltpu.VMEM((CH, K), jnp.int32),
          pltpu.VMEM((CH, K), jnp.int32),
          [pltpu.VMEM((K, 16), jnp.float32)] * R,
          [pltpu.SemaphoreType.DMA] * R,
          [pltpu.SemaphoreType.DMA] * R,
          pltpu.VMEM_SHARED((NP, 16), jnp.float32),
      ],
      compiler_params=pltpu.CompilerParams(use_tc_tiling_on_sc=False),
  )
  def kern(table_h, src3_h, dst3_h, zeros_h, out_h, src_v, dst_v, bufs,
           gsems, ssems, acc_sh):
    c = lax.axis_index("c")
    s = lax.axis_index("s")
    wid = c * _NSUB + s
    row0 = s * rows_per_sub
    pltpu.sync_copy(zeros_h.at[pl.ds(row0, rows_per_sub)],
                    acc_sh.at[pl.ds(row0, rows_per_sub)])
    pltpu.sync_copy(src3_h.at[wid], src_v)
    pltpu.sync_copy(dst3_h.at[wid], dst_v)
    plsc.subcore_barrier()

    for b in range(R):
      pltpu.async_copy(table_h.at[src_v.at[b]], bufs[b], gsems[b])

    def grp_body(g, carry):
      for b in range(R):
        ch = g * R + b
        pltpu.make_async_copy(table_h.at[src_v.at[0]], bufs[b],
                              gsems[b]).wait()
        pltpu.async_copy(bufs[b], acc_sh.at[dst_v.at[ch]], ssems[b],
                         add=True)
      for b in range(R):
        pltpu.make_async_copy(bufs[b], acc_sh.at[dst_v.at[0]],
                              ssems[b]).wait()
        pltpu.async_copy(table_h.at[src_v.at[(g + 1) * R + b]], bufs[b],
                         gsems[b])
      return carry

    lax.fori_loop(0, CH // R - 1, grp_body, 0)
    for b in range(R):
      ch = CH - R + b
      pltpu.make_async_copy(table_h.at[src_v.at[0]], bufs[b],
                            gsems[b]).wait()
      pltpu.async_copy(bufs[b], acc_sh.at[dst_v.at[ch]], ssems[b], add=True)
    for b in range(R):
      pltpu.make_async_copy(bufs[b], acc_sh.at[dst_v.at[0]], ssems[b]).wait()

    plsc.subcore_barrier()
    pltpu.sync_copy(acc_sh.at[pl.ds(row0, rows_per_sub)],
                    out_h.at[pl.ds(row0, rows_per_sub), pl.ds(c * 16, 16)])

  return kern(table, src3, dst3, zeros16)


def _sc_agg128(xscat, src3, dst3, zerosb):
  N = xscat.shape[0] // 2
  _, CH, K = src3.shape
  NPB = zerosb.shape[0]
  rows_per_sub = NPB // _NSUB
  R = 5

  mesh = plsc.VectorSubcoreMesh(core_axis_name="c", subcore_axis_name="s")

  @functools.partial(
      pl.kernel,
      out_type=[jax.ShapeDtypeStruct((NPB, 128), jnp.bfloat16),
                jax.ShapeDtypeStruct((NPB, 128), jnp.bfloat16)],
      mesh=mesh,
      scratch_types=[
          pltpu.VMEM((CH, K), jnp.int32),
          pltpu.VMEM((CH, K), jnp.int32),
          [pltpu.VMEM((K, 128), jnp.bfloat16)] * R,
          [pltpu.SemaphoreType.DMA] * R,
          [pltpu.SemaphoreType.DMA] * R,
          pltpu.VMEM_SHARED((NPB, 128), jnp.bfloat16),
      ],
      compiler_params=pltpu.CompilerParams(use_tc_tiling_on_sc=False),
  )
  def kern(xs_h, src3_h, dst3_h, zeros_h, out0_h, out1_h, src_v, dst_v,
           bufs, gsems, ssems, acc_sh):
    c = lax.axis_index("c")
    s = lax.axis_index("s")
    row0 = s * rows_per_sub
    cN = c * N
    pltpu.sync_copy(zeros_h.at[pl.ds(row0, rows_per_sub)],
                    acc_sh.at[pl.ds(row0, rows_per_sub)])
    pltpu.sync_copy(src3_h.at[s], src_v)
    pltpu.sync_copy(dst3_h.at[s], dst_v)
    plsc.subcore_barrier()

    def adjust(ch):
      for i in range(K // 16):
        sl = pl.ds(i * 16, 16)
        src_v[ch, sl] = src_v[ch, sl] + cN

    for b in range(R):
      adjust(b)
      pltpu.async_copy(xs_h.at[src_v.at[b]], bufs[b], gsems[b])

    def grp_body(g, carry):
      for b in range(R):
        ch = g * R + b
        pltpu.make_async_copy(xs_h.at[src_v.at[0]], bufs[b],
                              gsems[b]).wait()
        pltpu.async_copy(bufs[b], acc_sh.at[dst_v.at[ch]], ssems[b],
                         add=True)
      for b in range(R):
        ch_next = (g + 1) * R + b
        pltpu.make_async_copy(bufs[b], acc_sh.at[dst_v.at[0]],
                              ssems[b]).wait()
        adjust(ch_next)
        pltpu.async_copy(xs_h.at[src_v.at[ch_next]], bufs[b], gsems[b])
      return carry

    lax.fori_loop(0, CH // R - 1, grp_body, 0)
    for b in range(R):
      ch = CH - R + b
      pltpu.make_async_copy(xs_h.at[src_v.at[0]], bufs[b], gsems[b]).wait()
      pltpu.async_copy(bufs[b], acc_sh.at[dst_v.at[ch]], ssems[b], add=True)
    for b in range(R):
      pltpu.make_async_copy(bufs[b], acc_sh.at[dst_v.at[0]], ssems[b]).wait()

    plsc.subcore_barrier()

    @pl.when(c == 0)
    def _():
      pltpu.sync_copy(acc_sh.at[pl.ds(row0, rows_per_sub)],
                      out0_h.at[pl.ds(row0, rows_per_sub)])

    @pl.when(c == 1)
    def _():
      pltpu.sync_copy(acc_sh.at[pl.ds(row0, rows_per_sub)],
                      out1_h.at[pl.ds(row0, rows_per_sub)])

  return kern(xscat, src3, dst3, zerosb)



def _tc_prep(deg, x):
  N, D = x.shape
  B = 2000
  grid_i = N // B

  def body(deg_ref, x_ref, xs_ref, dinv_ref):
    d = deg_ref[:, 0:1] + deg_ref[:, 16:17] + 1.0
    dv = lax.rsqrt(d)
    dinv_ref[...] = dv
    xs_ref[...] = (x_ref[...] * dv).astype(jnp.bfloat16)

  return pl.pallas_call(
      body,
      grid=(grid_i, 2),
      in_specs=[
          pl.BlockSpec((B, 128), lambda i, h: (i, 0)),
          pl.BlockSpec((B, 128), lambda i, h: (i, h)),
      ],
      out_specs=[
          pl.BlockSpec((B, 128), lambda i, h: (h * (N // B) + i, 0)),
          pl.BlockSpec((B, 1), lambda i, h: (i, 0)),
      ],
      out_shape=[
          jax.ShapeDtypeStruct((2 * N, 128), jnp.bfloat16),
          jax.ShapeDtypeStruct((N, 1), jnp.float32),
      ],
  )(deg, x)


def _tc_main(agg0, agg1, xscat, dinv, W1, b1, W2p):
  N = dinv.shape[0]
  B = 1000
  grid = N // B
  nb = N // B

  def body(a0_ref, a1_ref, xsl_ref, xsr_ref, dinv_ref, w1_ref, b1_ref,
           w2_ref, hs_ref):
    dv = dinv_ref[...]
    f32 = jnp.float32
    pre = (jnp.concatenate(
        [a0_ref[...] + xsl_ref[...],
         a1_ref[...] + xsr_ref[...]], axis=1).astype(f32)
           * dv).astype(jnp.bfloat16)
    h = jnp.dot(pre, w1_ref[...].astype(jnp.bfloat16),
                preferred_element_type=jnp.float32)
    h = jnp.maximum(h + b1_ref[...], 0.0)
    hs_ref[...] = jnp.dot(
        h, w2_ref[...], preferred_element_type=jnp.float32) * dv

  return pl.pallas_call(
      body,
      grid=(grid,),
      in_specs=[
          pl.BlockSpec((B, 128), lambda i: (i, 0)),
          pl.BlockSpec((B, 128), lambda i: (i, 0)),
          pl.BlockSpec((B, 128), lambda i: (i, 0)),
          pl.BlockSpec((B, 128), lambda i: (nb + i, 0)),
          pl.BlockSpec((B, 1), lambda i: (i, 0)),
          pl.BlockSpec(W1.shape, lambda i: (0, 0)),
          pl.BlockSpec((1, W1.shape[1]), lambda i: (0, 0)),
          pl.BlockSpec(W2p.shape, lambda i: (0, 0)),
      ],
      out_specs=pl.BlockSpec((B, 16), lambda i: (i, 0)),
      out_shape=jax.ShapeDtypeStruct((N, 16), jnp.float32),
  )(agg0, agg1, xscat, xscat, dinv, W1, b1, W2p)


def _tc_final(agg2, hs, dinv, b2, batch, num_graphs):
  N = dinv.shape[0]
  B = 2000
  grid = N // B
  G = num_graphs

  def body(agg_ref, hs_ref, dinv_ref, b2_ref, batch_ref, out_ref, acc):
    i = pl.program_id(0)

    @pl.when(i == 0)
    def _():
      acc[...] = jnp.zeros_like(acc)

    z16 = (agg_ref[:, 0:16] + agg_ref[:, 16:32] + hs_ref[...]) * dinv_ref[...]
    z = z16[:, 0:2] + b2_ref[...]
    zc = jnp.concatenate([z, jnp.ones((B, 1), jnp.float32)], axis=1)
    oh = (batch_ref[...] ==
          lax.broadcasted_iota(jnp.int32, (B, G), 1)).astype(jnp.float32)
    acc[...] += lax.dot_general(
        oh, zc, (((0,), (0,)), ((), ())), preferred_element_type=jnp.float32)

    @pl.when(i == grid - 1)
    def _():
      sums = acc[:, 0:2]
      cnt = jnp.maximum(acc[:, 2:3], 1.0)
      pooled = sums / cnt
      m = jnp.max(pooled, axis=1, keepdims=True)
      e = jnp.exp(pooled - m)
      out_ref[...] = (pooled - m) - jnp.log(jnp.sum(e, axis=1, keepdims=True))

  return pl.pallas_call(
      body,
      grid=(grid,),
      in_specs=[
          pl.BlockSpec((B, 128), lambda i: (i, 0)),
          pl.BlockSpec((B, 16), lambda i: (i, 0)),
          pl.BlockSpec((B, 1), lambda i: (i, 0)),
          pl.BlockSpec((1, 2), lambda i: (0, 0)),
          pl.BlockSpec((B, 1), lambda i: (i, 0)),
      ],
      out_specs=pl.BlockSpec((G, 2), lambda i: (0, 0)),
      out_shape=jax.ShapeDtypeStruct((G, 2), jnp.float32),
      scratch_shapes=[pltpu.VMEM((G, 3), jnp.float32)],
  )(agg2, hs, dinv, b2, batch)



def kernel(x, edge_index, batch, W1, b1, W2, b2):
  N, D = x.shape
  G = 64
  NP = -(-N // 128) * 128

  src = edge_index[0]
  dst = edge_index[1]
  src16 = src.reshape(_NCORE * _NSUB, -1, 125)
  dst16 = dst.reshape(_NCORE * _NSUB, -1, 125)
  src128 = src.reshape(_NSUB, -1, 80)
  dst128 = dst.reshape(_NSUB, -1, 80)
  NPB = -(-N // 256) * 256
  zeros16 = jnp.zeros((NP, 16), jnp.float32)
  zerosb = jnp.zeros((NPB, 128), jnp.bfloat16)

  deg = _sc_deg(dst16, zeros16)

  xscat, dinv = _tc_prep(deg, x)

  agg0, agg1 = _sc_agg128(xscat, src128, dst128, zerosb)

  W2p = jnp.pad(W2, ((0, 0), (0, 16 - W2.shape[1])))
  hs = _tc_main(agg0, agg1, xscat, dinv, W1, b1.reshape(1, -1), W2p)

  agg2 = _sc_agg16(hs, src16, dst16, zeros16)

  return _tc_final(agg2, hs, dinv, b2.reshape(1, -1),
                   batch.reshape(N, 1).astype(jnp.int32), G)

# --- scband reference (transcript-rebuilt; emitter-appended) ---
"""Pipeline reference for scband-graph-sagemodel-11381663334734 (READ-ONLY COPY).

The authoritative reference and input builder live on the scoring server;
editing this copy changes nothing except your own understanding.
"""

import jax, jax.numpy as jnp
import numpy as np

N = 10000
E = 160000
D_IN = 256
D_H = 512
D_OUT = 2
G = 64


def setup_inputs(seed: int = 0) -> dict:
    key = jax.random.key(seed)
    k1, k2, k3, k4, k5 = jax.random.split(key, 5)
    x = jax.random.normal(k1, (N, D_IN), dtype=jnp.float32)
    edge_index = jax.random.randint(k2, (2, E), 0, N, dtype=jnp.int32)
    batch = jnp.sort(jax.random.randint(k3, (N,), 0, G, dtype=jnp.int32))
    W1 = jax.random.normal(k4, (D_IN, D_H), dtype=jnp.float32) * 0.05
    b1 = jnp.zeros((D_H,), dtype=jnp.float32)
    W2 = jax.random.normal(k5, (D_H, D_OUT), dtype=jnp.float32) * 0.05
    b2 = jnp.zeros((D_OUT,), dtype=jnp.float32)
    return {"x": x, "edge_index": edge_index, "batch": batch, "W1": W1, "b1": b1, "W2": W2, "b2": b2}


def gcn_conv(x, src, dst, W, b):
    # GCNConv: D^{-1/2} (A + I) D^{-1/2} X W + b with added self-loops
    n = x.shape[0]
    loop = jnp.arange(n, dtype=src.dtype)
    s = jnp.concatenate([src, loop])
    d = jnp.concatenate([dst, loop])
    deg = jnp.zeros((n,), dtype=x.dtype).at[d].add(1.0)
    deg_inv_sqrt = jnp.where(deg > 0, jax.lax.rsqrt(jnp.maximum(deg, 1e-12)), 0.0)
    norm = deg_inv_sqrt[s] * deg_inv_sqrt[d]
    xw = x @ W
    msg = jnp.take(xw, s, axis=0) * norm[:, None]
    out = jnp.zeros((n, W.shape[1]), dtype=x.dtype).at[d].add(msg)
    return out + b


def reference(x, edge_index, batch, W1, b1, W2, b2):
    src, dst = edge_index[0], edge_index[1]
    h = gcn_conv(x, src, dst, W1, b1)
    h = jax.nn.relu(h)
    # dropout is identity in eval mode
    h = gcn_conv(h, src, dst, W2, b2)
    # global_mean_pool over graph ids in `batch`
    sums = jax.ops.segment_sum(h, batch, num_segments=G)
    cnt = jax.ops.segment_sum(jnp.ones((h.shape[0], 1), dtype=h.dtype), batch, num_segments=G)
    pooled = sums / jnp.maximum(cnt, 1.0)
    return jax.nn.log_softmax(pooled, axis=1)

if __name__ == "__main__":
    import jax
    _d = setup_inputs()
    print(jax.jit(kernel)(*tuple(_d.values())))

</pallas_src>

<mosaic_0001>
#map = affine_map<(d0, d1) -> (0, 0, 0)>
#map1 = affine_map<(d0, d1) -> (0, 0)>
module attributes {stable_mosaic.version = 14 : i64} {
  func.func @kern(%arg0: i32, %arg1: i32, %arg2: memref<32x40x125xi32, #tpu.memory_space<hbm>>, %arg3: memref<10112x16xf32, #tpu.memory_space<hbm>>, %arg4: memref<10112x128xf32, #tpu.memory_space<hbm>>, %arg5: memref<40x125xi32, #tpu.memory_space<vmem>>, %arg6: memref<125x16xf32, #tpu.memory_space<vmem>>, %arg7: memref<10112x16xf32, #tpu.memory_space<vmem_shared>>, %arg8: memref<!tpu.dma_semaphore, #tpu.memory_space<semaphore_mem>>) attributes {dimension_semantics = [#tpu.dimension_semantics<core_parallel>, #tpu.dimension_semantics<subcore_parallel>], iteration_bounds = array<i64: 2, 16>, scalar_prefetch = 0 : i64, scratch_operands = 4 : i64, tpu.core_type = #tpu.core_type<sc_vector_subcore>, window_params = [{transform_indices = #map}, {transform_indices = #map1}, {transform_indices = #map1}]} {
    %mul3A = arith.constant 16 : i32
    %mul3A_0 = arith.muli %arg0, %mul3A : i32
    %add3A = arith.addi %mul3A_0, %arg1 : i32
    %mul3A_1 = arith.constant 632 : i32
    %mul3A_2 = arith.muli %arg1, %mul3A_1 : i32
    "tpu.region"() ({
      %run_scoped3A = tpu.sem_alloc : memref<!tpu.dma_semaphore, #tpu.memory_space<semaphore_mem>>
      %dma_start3A = arith.constant 0 : i32
      %dma_start3A_17 = tpu.memref_slice %arg7[%mul3A_2, %dma_start3A] : memref<10112x16xf32, #tpu.memory_space<vmem_shared>> -> memref<632x16xf32, #tpu.memory_space<vmem_shared>>
      %dma_start3A_18 = arith.constant 0 : i32
      %dma_start3A_19 = tpu.memref_slice %arg3[%mul3A_2, %dma_start3A_18] : memref<10112x16xf32, #tpu.memory_space<hbm>> -> memref<632x16xf32, #tpu.memory_space<hbm>>
      tpu.enqueue_dma source(%dma_start3A_19 : memref<632x16xf32, #tpu.memory_space<hbm>>) target(%dma_start3A_17 : memref<632x16xf32, #tpu.memory_space<vmem_shared>>) target_semaphore(%run_scoped3A : memref<!tpu.dma_semaphore, #tpu.memory_space<semaphore_mem>>)
      %dma_wait3A = arith.constant 0 : i32
      %dma_wait3A_20 = tpu.memref_slice %arg7[%mul3A_2, %dma_wait3A] : memref<10112x16xf32, #tpu.memory_space<vmem_shared>> -> memref<632x16xf32, #tpu.memory_space<vmem_shared>>
      %dma_wait3A_21 = arith.constant 0 : i32
      %dma_wait3A_22 = tpu.memref_slice %arg3[%mul3A_2, %dma_wait3A_21] : memref<10112x16xf32, #tpu.memory_space<hbm>> -> memref<632x16xf32, #tpu.memory_space<hbm>>
      tpu.wait_dma2 semaphore(%run_scoped3A : memref<!tpu.dma_semaphore, #tpu.memory_space<semaphore_mem>>) src(%dma_wait3A_22 : memref<632x16xf32, #tpu.memory_space<hbm>>) dst(%dma_wait3A_20 : memref<632x16xf32, #tpu.memory_space<vmem_shared>>)
      tpu.yield
    }) : () -> ()
    "tpu.region"() ({
      %run_scoped3A = tpu.sem_alloc : memref<!tpu.dma_semaphore, #tpu.memory_space<semaphore_mem>>
      %dma_start3A = arith.constant 0 : i32
      %dma_start3A_17 = arith.constant 0 : i32
      %dma_start3A_18 = tpu.memref_slice %arg2[%add3A, %dma_start3A, %dma_start3A_17] : memref<32x40x125xi32, #tpu.memory_space<hbm>> -> memref<1x40x125xi32, #tpu.memory_space<hbm>>
      %dma_start3A_19 = tpu.memref_squeeze %dma_start3A_18 : memref<1x40x125xi32, #tpu.memory_space<hbm>> -> memref<40x125xi32, #tpu.memory_space<hbm>>
      %dma_start3A_20 = arith.constant 0 : i32
      %dma_start3A_21 = arith.constant 0 : i32
      %dma_start3A_22 = tpu.memref_slice %arg2[%add3A, %dma_start3A_20, %dma_start3A_21] : memref<32x40x125xi32, #tpu.memory_space<hbm>> -> memref<1x40x125xi32, #tpu.memory_space<hbm>>
      %dma_start3A_23 = tpu.memref_squeeze %dma_start3A_22 : memref<1x40x125xi32, #tpu.memory_space<hbm>> -> memref<40x125xi32, #tpu.memory_space<hbm>>
      tpu.enqueue_dma source(%dma_start3A_23 : memref<40x125xi32, #tpu.memory_space<hbm>>) target(%arg5 : memref<40x125xi32, #tpu.memory_space<vmem>>) target_semaphore(%run_scoped3A : memref<!tpu.dma_semaphore, #tpu.memory_space<semaphore_mem>>)
      %dma_wait3A = arith.constant 0 : i32
      %dma_wait3A_24 = arith.constant 0 : i32
      %dma_wait3A_25 = tpu.memref_slice %arg2[%add3A, %dma_wait3A, %dma_wait3A_24] : memref<32x40x125xi32, #tpu.memory_space<hbm>> -> memref<1x40x125xi32, #tpu.memory_space<hbm>>
      %dma_wait3A_26 = tpu.memref_squeeze %dma_wait3A_25 : memref<1x40x125xi32, #tpu.memory_space<hbm>> -> memref<40x125xi32, #tpu.memory_space<hbm>>
      %dma_wait3A_27 = arith.constant 0 : i32
      %dma_wait3A_28 = arith.constant 0 : i32
      %dma_wait3A_29 = tpu.memref_slice %arg2[%add3A, %dma_wait3A_27, %dma_wait3A_28] : memref<32x40x125xi32, #tpu.memory_space<hbm>> -> memref<1x40x125xi32, #tpu.memory_space<hbm>>
      %dma_wait3A_30 = tpu.memref_squeeze %dma_wait3A_29 : memref<1x40x125xi32, #tpu.memory_space<hbm>> -> memref<40x125xi32, #tpu.memory_space<hbm>>
      tpu.wait_dma2 semaphore(%run_scoped3A : memref<!tpu.dma_semaphore, #tpu.memory_space<semaphore_mem>>) src(%dma_wait3A_30 : memref<40x125xi32, #tpu.memory_space<hbm>>) dst(%arg5 : memref<40x125xi32, #tpu.memory_space<vmem>>)
      tpu.yield
    }) : () -> ()
    %scan3A = arith.constant 0 : i32
    %scan3A_3 = arith.constant 0 : i32
    %scan3A_4 = arith.constant 125 : i32
    %scan3A_5 = arith.addi %scan3A_3, %scan3A_4 : i32
    %scan3A_6 = arith.constant 1 : i32
    scf.for %scan3A_17 = %scan3A_3 to %scan3A_5 step %scan3A_6  : i32 {
      %broadcast_in_dim3A = arith.constant 1.000000e+00 : f32
      %broadcast_in_dim3A_18 = vector.broadcast %broadcast_in_dim3A : f32 to vector<16xf32>
      %swap3A = arith.index_cast %scan3A_17 : i32 to index
      %swap3A_19 = arith.constant 0 : index
      %swap3A_20 = tpu.vector_load %arg6[%swap3A, %swap3A_19] {strides = array<i32>} : memref<125x16xf32, #tpu.memory_space<vmem>>, vector<1x16xf32>,
      %swap3A_21 = vector.shape_cast %swap3A_20 : vector<1x16xf32> to vector<16xf32>
      %swap3A_22 = vector.shape_cast %broadcast_in_dim3A_18 : vector<16xf32> to vector<1x16xf32>
      tpu.vector_store %arg6[%swap3A, %swap3A_19], %swap3A_22 {strides = array<i32>} : memref<125x16xf32, #tpu.memory_space<vmem>>, vector<1x16xf32>,
    }
    %scan3A_7 = arith.constant 125 : i32
    %barrier3A = arith.constant 0 : index
    tpu.barrier barrier_id(%barrier3A)
    %scan3A_8 = arith.constant 0 : i32
    %scan3A_9 = arith.constant 0 : i32
    %scan3A_10 = arith.constant 2 : i32
    %scan3A_11 = arith.addi %scan3A_9, %scan3A_10 : i32
    %scan3A_12 = arith.constant 1 : i32
    scf.for %scan3A_17 = %scan3A_9 to %scan3A_11 step %scan3A_12  : i32 {
      %scan3A_18 = arith.constant 0 : i32
      %scan3A_19 = arith.constant 0 : i32
      %scan3A_20 = arith.constant 20 : i32
      %scan3A_21 = arith.addi %scan3A_19, %scan3A_20 : i32
      %scan3A_22 = arith.constant 1 : i32
      scf.for %scan3A_30 = %scan3A_19 to %scan3A_21 step %scan3A_22  : i32 {
        %mul3A_31 = arith.constant 20 : i32
        %mul3A_32 = arith.muli %scan3A_17, %mul3A_31 : i32
        %add3A_33 = arith.addi %mul3A_32, %scan3A_30 : i32
        %dma_start3A = arith.constant 0 : i32
        %dma_start3A_34 = tpu.memref_slice %arg5[%add3A_33, %dma_start3A] : memref<40x125xi32, #tpu.memory_space<vmem>> -> memref<1x125xi32, #tpu.memory_space<vmem>>
        %dma_start3A_35 = tpu.memref_squeeze %dma_start3A_34 : memref<1x125xi32, #tpu.memory_space<vmem>> -> memref<125xi32, #tpu.memory_space<vmem>>
        %dma_start3A_36 = arith.constant 0 : i32
        %dma_start3A_37 = arith.constant 0 : i32
        %dma_start3A_38 = tpu.memref_slice %arg7[%dma_start3A_36, %dma_start3A_37] : memref<10112x16xf32, #tpu.memory_space<vmem_shared>> -> memref<10112x16xf32, #tpu.memory_space<vmem_shared>>
        tpu.enqueue_indirect_dma source(%arg6 : memref<125x16xf32, #tpu.memory_space<vmem>>) target(%dma_start3A_38 : memref<10112x16xf32, #tpu.memory_space<vmem_shared>>) offsets(%dma_start3A_35 : memref<125xi32, #tpu.memory_space<vmem>>) semaphore(%arg8 : memref<!tpu.dma_semaphore, #tpu.memory_space<semaphore_mem>>) {add = true}
      }
      %scan3A_23 = arith.constant 20 : i32
      %scan3A_24 = arith.constant 0 : i32
      %scan3A_25 = arith.constant 0 : i32
      %scan3A_26 = arith.constant 20 : i32
      %scan3A_27 = arith.addi %scan3A_25, %scan3A_26 : i32
      %scan3A_28 = arith.constant 1 : i32
      scf.for %scan3A_30 = %scan3A_25 to %scan3A_27 step %scan3A_28  : i32 {
        %dma_wait3A = arith.constant 0 : i32
        %dma_wait3A_31 = arith.constant 0 : i32
        %dma_wait3A_32 = tpu.memref_slice %arg5[%dma_wait3A, %dma_wait3A_31] : memref<40x125xi32, #tpu.memory_space<vmem>> -> memref<1x125xi32, #tpu.memory_space<vmem>>
        %dma_wait3A_33 = tpu.memref_squeeze %dma_wait3A_32 : memref<1x125xi32, #tpu.memory_space<vmem>> -> memref<125xi32, #tpu.memory_space<vmem>>
        %dma_wait3A_34 = arith.constant 0 : i32
        %dma_wait3A_35 = arith.constant 0 : i32
        %dma_wait3A_36 = tpu.memref_slice %arg7[%dma_wait3A_34, %dma_wait3A_35] : memref<10112x16xf32, #tpu.memory_space<vmem_shared>> -> memref<10112x16xf32, #tpu.memory_space<vmem_shared>>
        tpu.wait_indirect_dma semaphore(%arg8 : memref<!tpu.dma_semaphore, #tpu.memory_space<semaphore_mem>>) src(%arg6 : memref<125x16xf32, #tpu.memory_space<vmem>>) dst(%dma_wait3A_36 : memref<10112x16xf32, #tpu.memory_space<vmem_shared>>)
      }
      %scan3A_29 = arith.constant 20 : i32
    }
    %scan3A_13 = arith.constant 2 : i32
    %barrier3A_14 = arith.constant 0 : index
    tpu.barrier barrier_id(%barrier3A_14)
    %mul3A_15 = arith.constant 16 : i32
    %mul3A_16 = arith.muli %arg0, %mul3A_15 : i32
    "tpu.region"() ({
      %run_scoped3A = tpu.sem_alloc : memref<!tpu.dma_semaphore, #tpu.memory_space<semaphore_mem>>
      %dma_start3A = tpu.memref_slice %arg4[%mul3A_2, %mul3A_16] : memref<10112x128xf32, #tpu.memory_space<hbm>> -> memref<632x16xf32, #tpu.memory_space<hbm>>
      %dma_start3A_17 = arith.constant 0 : i32
      %dma_start3A_18 = tpu.memref_slice %arg7[%mul3A_2, %dma_start3A_17] : memref<10112x16xf32, #tpu.memory_space<vmem_shared>> -> memref<632x16xf32, #tpu.memory_space<vmem_shared>>
      tpu.enqueue_dma source(%dma_start3A_18 : memref<632x16xf32, #tpu.memory_space<vmem_shared>>) target(%dma_start3A : memref<632x16xf32, #tpu.memory_space<hbm>>) target_semaphore(%run_scoped3A : memref<!tpu.dma_semaphore, #tpu.memory_space<semaphore_mem>>)
      %dma_wait3A = tpu.memref_slice %arg4[%mul3A_2, %mul3A_16] : memref<10112x128xf32, #tpu.memory_space<hbm>> -> memref<632x16xf32, #tpu.memory_space<hbm>>
      %dma_wait3A_19 = arith.constant 0 : i32
      %dma_wait3A_20 = tpu.memref_slice %arg7[%mul3A_2, %dma_wait3A_19] : memref<10112x16xf32, #tpu.memory_space<vmem_shared>> -> memref<632x16xf32, #tpu.memory_space<vmem_shared>>
      tpu.wait_dma2 semaphore(%run_scoped3A : memref<!tpu.dma_semaphore, #tpu.memory_space<semaphore_mem>>) src(%dma_wait3A_20 : memref<632x16xf32, #tpu.memory_space<vmem_shared>>) dst(%dma_wait3A : memref<632x16xf32, #tpu.memory_space<hbm>>)
      tpu.yield
    }) : () -> ()
    return
  }
}

#map = affine_map<(d0, d1) -> (0, 0)>
#map1 = affine_map<(d0, d1) -> (0, 0, 0)>
module attributes {stable_mosaic.version = 14 : i64} {
  func.func @kern(%arg0: i32, %arg1: i32, %arg2: memref<20000x128xbf16, #tpu.memory_space<hbm>>, %arg3: memref<16x125x80xi32, #tpu.memory_space<hbm>>, %arg4: memref<16x125x80xi32, #tpu.memory_space<hbm>>, %arg5: memref<10240x128xbf16, #tpu.memory_space<hbm>>, %arg6: memref<10240x128xbf16, #tpu.memory_space<hbm>>, %arg7: memref<10240x128xbf16, #tpu.memory_space<hbm>>, %arg8: memref<125x80xi32, #tpu.memory_space<vmem>>, %arg9: memref<125x80xi32, #tpu.memory_space<vmem>>, %arg10: memref<80x128xbf16, #tpu.memory_space<vmem>>, %arg11: memref<80x128xbf16, #tpu.memory_space<vmem>>, %arg12: memref<80x128xbf16, #tpu.memory_space<vmem>>, %arg13: memref<80x128xbf16, #tpu.memory_space<vmem>>, %arg14: memref<80x128xbf16, #tpu.memory_space<vmem>>, %arg15: memref<!tpu.dma_semaphore, #tpu.memory_space<semaphore_mem>>, %arg16: memref<!tpu.dma_semaphore, #tpu.memory_space<semaphore_mem>>, %arg17: memref<!tpu.dma_semaphore, #tpu.memory_space<semaphore_mem>>, %arg18: memref<!tpu.dma_semaphore, #tpu.memory_space<semaphore_mem>>, %arg19: memref<!tpu.dma_semaphore, #tpu.memory_space<semaphore_mem>>, %arg20: memref<!tpu.dma_semaphore, #tpu.memory_space<semaphore_mem>>, %arg21: memref<!tpu.dma_semaphore, #tpu.memory_space<semaphore_mem>>, %arg22: memref<!tpu.dma_semaphore, #tpu.memory_space<semaphore_mem>>, %arg23: memref<!tpu.dma_semaphore, #tpu.memory_space<semaphore_mem>>, %arg24: memref<!tpu.dma_semaphore, #tpu.memory_space<semaphore_mem>>, %arg25: memref<10240x128xbf16, #tpu.memory_space<vmem_shared>>) attributes {dimension_semantics = [#tpu.dimension_semantics<core_parallel>, #tpu.dimension_semantics<subcore_parallel>], iteration_bounds = array<i64: 2, 16>, scalar_prefetch = 0 : i64, scratch_operands = 18 : i64, tpu.core_type = #tpu.core_type<sc_vector_subcore>, window_params = [{transform_indices = #map}, {transform_indices = #map1}, {transform_indices = #map1}, {transform_indices = #map}, {transform_indices = #map}, {transform_indices = #map}]} {
    %mul3A = arith.constant 640 : i32
    %mul3A_0 = arith.muli %arg1, %mul3A : i32
    %mul3A_1 = arith.constant 10000 : i32
    %mul3A_2 = arith.muli %arg0, %mul3A_1 : i32
    "tpu.region"() ({
      %run_scoped3A = tpu.sem_alloc : memref<!tpu.dma_semaphore, #tpu.memory_space<semaphore_mem>>
      %dma_start3A_476 = arith.constant 0 : i32
      %dma_start3A_477 = tpu.memref_slice %arg25[%mul3A_0, %dma_start3A_476] : memref<10240x128xbf16, #tpu.memory_space<vmem_shared>> -> memref<640x128xbf16, #tpu.memory_space<vmem_shared>>
      %dma_start3A_478 = arith.constant 0 : i32
      %dma_start3A_479 = tpu.memref_slice %arg5[%mul3A_0, %dma_start3A_478] : memref<10240x128xbf16, #tpu.memory_space<hbm>> -> memref<640x128xbf16, #tpu.memory_space<hbm>>
      tpu.enqueue_dma source(%dma_start3A_479 : memref<640x128xbf16, #tpu.memory_space<hbm>>) target(%dma_start3A_477 : memref<640x128xbf16, #tpu.memory_space<vmem_shared>>) target_semaphore(%run_scoped3A : memref<!tpu.dma_semaphore, #tpu.memory_space<semaphore_mem>>)
      %dma_wait3A_480 = arith.constant 0 : i32
      %dma_wait3A_481 = tpu.memref_slice %arg25[%mul3A_0, %dma_wait3A_480] : memref<10240x128xbf16, #tpu.memory_space<vmem_shared>> -> memref<640x128xbf16, #tpu.memory_space<vmem_shared>>
      %dma_wait3A_482 = arith.constant 0 : i32
      %dma_wait3A_483 = tpu.memref_slice %arg5[%mul3A_0, %dma_wait3A_482] : memref<10240x128xbf16, #tpu.memory_space<hbm>> -> memref<640x128xbf16, #tpu.memory_space<hbm>>
      tpu.wait_dma2 semaphore(%run_scoped3A : memref<!tpu.dma_semaphore, #tpu.memory_space<semaphore_mem>>) src(%dma_wait3A_483 : memref<640x128xbf16, #tpu.memory_space<hbm>>) dst(%dma_wait3A_481 : memref<640x128xbf16, #tpu.memory_space<vmem_shared>>)
      tpu.yield
    }) : () -> ()
    "tpu.region"() ({
      %run_scoped3A = tpu.sem_alloc : memref<!tpu.dma_semaphore, #tpu.memory_space<semaphore_mem>>
      %dma_start3A_476 = arith.constant 0 : i32
      %dma_start3A_477 = arith.constant 0 : i32
      %dma_start3A_478 = tpu.memref_slice %arg3[%arg1, %dma_start3A_476, %dma_start3A_477] : memref<16x125x80xi32, #tpu.memory_space<hbm>> -> memref<1x125x80xi32, #tpu.memory_space<hbm>>
      %dma_start3A_479 = tpu.memref_squeeze %dma_start3A_478 : memref<1x125x80xi32, #tpu.memory_space<hbm>> -> memref<125x80xi32, #tpu.memory_space<hbm>>
      %dma_start3A_480 = arith.constant 0 : i32
      %dma_start3A_481 = arith.constant 0 : i32
      %dma_start3A_482 = tpu.memref_slice %arg3[%arg1, %dma_start3A_480, %dma_start3A_481] : memref<16x125x80xi32, #tpu.memory_space<hbm>> -> memref<1x125x80xi32, #tpu.memory_space<hbm>>
      %dma_start3A_483 = tpu.memref_squeeze %dma_start3A_482 : memref<1x125x80xi32, #tpu.memory_space<hbm>> -> memref<125x80xi32, #tpu.memory_space<hbm>>
      tpu.enqueue_dma source(%dma_start3A_483 : memref<125x80xi32, #tpu.memory_space<hbm>>) target(%arg8 : memref<125x80xi32, #tpu.memory_space<vmem>>) target_semaphore(%run_scoped3A : memref<!tpu.dma_semaphore, #tpu.memory_space<semaphore_mem>>)
      %dma_wait3A_484 = arith.constant 0 : i32
      %dma_wait3A_485 = arith.constant 0 : i32
      %dma_wait3A_486 = tpu.memref_slice %arg3[%arg1, %dma_wait3A_484, %dma_wait3A_485] : memref<16x125x80xi32, #tpu.memory_space<hbm>> -> memref<1x125x80xi32, #tpu.memory_space<hbm>>
      %dma_wait3A_487 = tpu.memref_squeeze %dma_wait3A_486 : memref<1x125x80xi32, #tpu.memory_space<hbm>> -> memref<125x80xi32, #tpu.memory_space<hbm>>
      %dma_wait3A_488 = arith.constant 0 : i32
      %dma_wait3A_489 = arith.constant 0 : i32
      %dma_wait3A_490 = tpu.memref_slice %arg3[%arg1, %dma_wait3A_488, %dma_wait3A_489] : memref<16x125x80xi32, #tpu.memory_space<hbm>> -> memref<1x125x80xi32, #tpu.memory_space<hbm>>
      %dma_wait3A_491 = tpu.memref_squeeze %dma_wait3A_490 : memref<1x125x80xi32, #tpu.memory_space<hbm>> -> memref<125x80xi32, #tpu.memory_space<hbm>>
      tpu.wait_dma2 semaphore(%run_scoped3A : memref<!tpu.dma_semaphore, #tpu.memory_space<semaphore_mem>>) src(%dma_wait3A_491 : memref<125x80xi32, #tpu.memory_space<hbm>>) dst(%arg8 : memref<125x80xi32, #tpu.memory_space<vmem>>)
      tpu.yield
    }) : () -> ()
    "tpu.region"() ({
      %run_scoped3A = tpu.sem_alloc : memref<!tpu.dma_semaphore, #tpu.memory_space<semaphore_mem>>
      %dma_start3A_476 = arith.constant 0 : i32
      %dma_start3A_477 = arith.constant 0 : i32
      %dma_start3A_478 = tpu.memref_slice %arg4[%arg1, %dma_start3A_476, %dma_start3A_477] : memref<16x125x80xi32, #tpu.memory_space<hbm>> -> memref<1x125x80xi32, #tpu.memory_space<hbm>>
      %dma_start3A_479 = tpu.memref_squeeze %dma_start3A_478 : memref<1x125x80xi32, #tpu.memory_space<hbm>> -> memref<125x80xi32, #tpu.memory_space<hbm>>
      %dma_start3A_480 = arith.constant 0 : i32
      %dma_start3A_481 = arith.constant 0 : i32
      %dma_start3A_482 = tpu.memref_slice %arg4[%arg1, %dma_start3A_480, %dma_start3A_481] : memref<16x125x80xi32, #tpu.memory_space<hbm>> -> memref<1x125x80xi32, #tpu.memory_space<hbm>>
      %dma_start3A_483 = tpu.memref_squeeze %dma_start3A_482 : memref<1x125x80xi32, #tpu.memory_space<hbm>> -> memref<125x80xi32, #tpu.memory_space<hbm>>
      tpu.enqueue_dma source(%dma_start3A_483 : memref<125x80xi32, #tpu.memory_space<hbm>>) target(%arg9 : memref<125x80xi32, #tpu.memory_space<vmem>>) target_semaphore(%run_scoped3A : memref<!tpu.dma_semaphore, #tpu.memory_space<semaphore_mem>>)
      %dma_wait3A_484 = arith.constant 0 : i32
      %dma_wait3A_485 = arith.constant 0 : i32
      %dma_wait3A_486 = tpu.memref_slice %arg4[%arg1, %dma_wait3A_484, %dma_wait3A_485] : memref<16x125x80xi32, #tpu.memory_space<hbm>> -> memref<1x125x80xi32, #tpu.memory_space<hbm>>
      %dma_wait3A_487 = tpu.memref_squeeze %dma_wait3A_486 : memref<1x125x80xi32, #tpu.memory_space<hbm>> -> memref<125x80xi32, #tpu.memory_space<hbm>>
      %dma_wait3A_488 = arith.constant 0 : i32
      %dma_wait3A_489 = arith.constant 0 : i32
      %dma_wait3A_490 = tpu.memref_slice %arg4[%arg1, %dma_wait3A_488, %dma_wait3A_489] : memref<16x125x80xi32, #tpu.memory_space<hbm>> -> memref<1x125x80xi32, #tpu.memory_space<hbm>>
      %dma_wait3A_491 = tpu.memref_squeeze %dma_wait3A_490 : memref<1x125x80xi32, #tpu.memory_space<hbm>> -> memref<125x80xi32, #tpu.memory_space<hbm>>
      tpu.wait_dma2 semaphore(%run_scoped3A : memref<!tpu.dma_semaphore, #tpu.memory_space<semaphore_mem>>) src(%dma_wait3A_491 : memref<125x80xi32, #tpu.memory_space<hbm>>) dst(%arg9 : memref<125x80xi32, #tpu.memory_space<vmem>>)
      tpu.yield
    }) : () -> ()
    %barrier3A = arith.constant 0 : index
    tpu.barrier barrier_id(%barrier3A)
    %get3A = arith.constant 0 : i32
    %get3A_3 = arith.index_cast %get3A : i32 to index
    %get3A_4 = arith.constant 0 : index
    %get3A_5 = tpu.vector_load %arg8[%get3A_3, %get3A_4] {strides = array<i32>} : memref<125x80xi32, #tpu.memory_space<vmem>>, vector<1x16xi32>,
    %get3A_6 = vector.shape_cast %get3A_5 : vector<1x16xi32> to vector<16xi32>
    %add3A = vector.broadcast %mul3A_2 : i32 to vector<16xi32>
    %add3A_7 = arith.addi %get3A_6, %add3A : vector<16xi32>
    %swap3A = arith.constant 0 : i32
    %swap3A_8 = arith.index_cast %swap3A : i32 to index
    %swap3A_9 = arith.constant 0 : index
    %swap3A_10 = tpu.vector_load %arg8[%swap3A_8, %swap3A_9] {strides = array<i32>} : memref<125x80xi32, #tpu.memory_space<vmem>>, vector<1x16xi32>,
    %swap3A_11 = vector.shape_cast %swap3A_10 : vector<1x16xi32> to vector<16xi32>
    %swap3A_12 = vector.shape_cast %add3A_7 : vector<16xi32> to vector<1x16xi32>
    tpu.vector_store %arg8[%swap3A_8, %swap3A_9], %swap3A_12 {strides = array<i32>} : memref<125x80xi32, #tpu.memory_space<vmem>>, vector<1x16xi32>,
    %get3A_13 = arith.constant 0 : i32
    %get3A_14 = arith.index_cast %get3A_13 : i32 to index
    %get3A_15 = arith.constant 16 : index
    %get3A_16 = tpu.vector_load %arg8[%get3A_14, %get3A_15] {strides = array<i32>} : memref<125x80xi32, #tpu.memory_space<vmem>>, vector<1x16xi32>,
    %get3A_17 = vector.shape_cast %get3A_16 : vector<1x16xi32> to vector<16xi32>
    %add3A_18 = vector.broadcast %mul3A_2 : i32 to vector<16xi32>
    %add3A_19 = arith.addi %get3A_17, %add3A_18 : vector<16xi32>
    %swap3A_20 = arith.constant 0 : i32
    %swap3A_21 = arith.index_cast %swap3A_20 : i32 to index
    %swap3A_22 = arith.constant 16 : index
    %swap3A_23 = tpu.vector_load %arg8[%swap3A_21, %swap3A_22] {strides = array<i32>} : memref<125x80xi32, #tpu.memory_space<vmem>>, vector<1x16xi32>,
    %swap3A_24 = vector.shape_cast %swap3A_23 : vector<1x16xi32> to vector<16xi32>
    %swap3A_25 = vector.shape_cast %add3A_19 : vector<16xi32> to vector<1x16xi32>
    tpu.vector_store %arg8[%swap3A_21, %swap3A_22], %swap3A_25 {strides = array<i32>} : memref<125x80xi32, #tpu.memory_space<vmem>>, vector<1x16xi32>,
    %get3A_26 = arith.constant 0 : i32
    %get3A_27 = arith.index_cast %get3A_26 : i32 to index
    %get3A_28 = arith.constant 32 : index
    %get3A_29 = tpu.vector_load %arg8[%get3A_27, %get3A_28] {strides = array<i32>} : memref<125x80xi32, #tpu.memory_space<vmem>>, vector<1x16xi32>,
    %get3A_30 = vector.shape_cast %get3A_29 : vector<1x16xi32> to vector<16xi32>
    %add3A_31 = vector.broadcast %mul3A_2 : i32 to vector<16xi32>
    %add3A_32 = arith.addi %get3A_30, %add3A_31 : vector<16xi32>
    %swap3A_33 = arith.constant 0 : i32
    %swap3A_34 = arith.index_cast %swap3A_33 : i32 to index
    %swap3A_35 = arith.constant 32 : index
    %swap3A_36 = tpu.vector_load %arg8[%swap3A_34, %swap3A_35] {strides = array<i32>} : memref<125x80xi32, #tpu.memory_space<vmem>>, vector<1x16xi32>,
    %swap3A_37 = vector.shape_cast %swap3A_36 : vector<1x16xi32> to vector<16xi32>
    %swap3A_38 = vector.shape_cast %add3A_32 : vector<16xi32> to vector<1x16xi32>
    tpu.vector_store %arg8[%swap3A_34, %swap3A_35], %swap3A_38 {strides = array<i32>} : memref<125x80xi32, #tpu.memory_space<vmem>>, vector<1x16xi32>,
    %get3A_39 = arith.constant 0 : i32
    %get3A_40 = arith.index_cast %get3A_39 : i32 to index
    %get3A_41 = arith.constant 48 : index
    %get3A_42 = tpu.vector_load %arg8[%get3A_40, %get3A_41] {strides = array<i32>} : memref<125x80xi32, #tpu.memory_space<vmem>>, vector<1x16xi32>,
    %get3A_43 = vector.shape_cast %get3A_42 : vector<1x16xi32> to vector<16xi32>
    %add3A_44 = vector.broadcast %mul3A_2 : i32 to vector<16xi32>
    %add3A_45 = arith.addi %get3A_43, %add3A_44 : vector<16xi32>
    %swap3A_46 = arith.constant 0 : i32
    %swap3A_47 = arith.index_cast %swap3A_46 : i32 to index
    %swap3A_48 = arith.constant 48 : index
    %swap3A_49 = tpu.vector_load %arg8[%swap3A_47, %swap3A_48] {strides = array<i32>} : memref<125x80xi32, #tpu.memory_space<vmem>>, vector<1x16xi32>,
    %swap3A_50 = vector.shape_cast %swap3A_49 : vector<1x16xi32> to vector<16xi32>
    %swap3A_51 = vector.shape_cast %add3A_45 : vector<16xi32> to vector<1x16xi32>
    tpu.vector_store %arg8[%swap3A_47, %swap3A_48], %swap3A_51 {strides = array<i32>} : memref<125x80xi32, #tpu.memory_space<vmem>>, vector<1x16xi32>,
    %get3A_52 = arith.constant 0 : i32
    %get3A_53 = arith.index_cast %get3A_52 : i32 to index
    %get3A_54 = arith.constant 64 : index
    %get3A_55 = tpu.vector_load %arg8[%get3A_53, %get3A_54] {strides = array<i32>} : memref<125x80xi32, #tpu.memory_space<vmem>>, vector<1x16xi32>,
    %get3A_56 = vector.shape_cast %get3A_55 : vector<1x16xi32> to vector<16xi32>
    %add3A_57 = vector.broadcast %mul3A_2 : i32 to vector<16xi32>
    %add3A_58 = arith.addi %get3A_56, %add3A_57 : vector<16xi32>
    %swap3A_59 = arith.constant 0 : i32
    %swap3A_60 = arith.index_cast %swap3A_59 : i32 to index
    %swap3A_61 = arith.constant 64 : index
    %swap3A_62 = tpu.vector_load %arg8[%swap3A_60, %swap3A_61] {strides = array<i32>} : memref<125x80xi32, #tpu.memory_space<vmem>>, vector<1x16xi32>,
    %swap3A_63 = vector.shape_cast %swap3A_62 : vector<1x16xi32> to vector<16xi32>
    %swap3A_64 = vector.shape_cast %add3A_58 : vector<16xi32> to vector<1x16xi32>
    tpu.vector_store %arg8[%swap3A_60, %swap3A_61], %swap3A_64 {strides = array<i32>} : memref<125x80xi32, #tpu.memory_space<vmem>>, vector<1x16xi32>,
    %dma_start3A = arith.constant 0 : i32
    %dma_start3A_65 = arith.constant 0 : i32
    %dma_start3A_66 = tpu.memref_slice %arg8[%dma_start3A, %dma_start3A_65] : memref<125x80xi32, #tpu.memory_space<vmem>> -> memref<1x80xi32, #tpu.memory_space<vmem>>
    %dma_start3A_67 = tpu.memref_squeeze %dma_start3A_66 : memref<1x80xi32, #tpu.memory_space<vmem>> -> memref<80xi32, #tpu.memory_space<vmem>>
    %dma_start3A_68 = arith.constant 0 : i32
    %dma_start3A_69 = arith.constant 0 : i32
    %dma_start3A_70 = tpu.memref_slice %arg2[%dma_start3A_68, %dma_start3A_69] : memref<20000x128xbf16, #tpu.memory_space<hbm>> -> memref<20000x128xbf16, #tpu.memory_space<hbm>>
    tpu.enqueue_indirect_dma source(%dma_start3A_70 : memref<20000x128xbf16, #tpu.memory_space<hbm>>) target(%arg10 : memref<80x128xbf16, #tpu.memory_space<vmem>>) offsets(%dma_start3A_67 : memref<80xi32, #tpu.memory_space<vmem>>) semaphore(%arg15 : memref<!tpu.dma_semaphore, #tpu.memory_space<semaphore_mem>>)
    %get3A_71 = arith.constant 1 : i32
    %get3A_72 = arith.index_cast %get3A_71 : i32 to index
    %get3A_73 = arith.constant 0 : index
    %get3A_74 = tpu.vector_load %arg8[%get3A_72, %get3A_73] {strides = array<i32>} : memref<125x80xi32, #tpu.memory_space<vmem>>, vector<1x16xi32>,
    %get3A_75 = vector.shape_cast %get3A_74 : vector<1x16xi32> to vector<16xi32>
    %add3A_76 = vector.broadcast %mul3A_2 : i32 to vector<16xi32>
    %add3A_77 = arith.addi %get3A_75, %add3A_76 : vector<16xi32>
    %swap3A_78 = arith.constant 1 : i32
    %swap3A_79 = arith.index_cast %swap3A_78 : i32 to index
    %swap3A_80 = arith.constant 0 : index
    %swap3A_81 = tpu.vector_load %arg8[%swap3A_79, %swap3A_80] {strides = array<i32>} : memref<125x80xi32, #tpu.memory_space<vmem>>, vector<1x16xi32>,
    %swap3A_82 = vector.shape_cast %swap3A_81 : vector<1x16xi32> to vector<16xi32>
    %swap3A_83 = vector.shape_cast %add3A_77 : vector<16xi32> to vector<1x16xi32>
    tpu.vector_store %arg8[%swap3A_79, %swap3A_80], %swap3A_83 {strides = array<i32>} : memref<125x80xi32, #tpu.memory_space<vmem>>, vector<1x16xi32>,
    %get3A_84 = arith.constant 1 : i32
    %get3A_85 = arith.index_cast %get3A_84 : i32 to index
    %get3A_86 = arith.constant 16 : index
    %get3A_87 = tpu.vector_load %arg8[%get3A_85, %get3A_86] {strides = array<i32>} : memref<125x80xi32, #tpu.memory_space<vmem>>, vector<1x16xi32>,
    %get3A_88 = vector.shape_cast %get3A_87 : vector<1x16xi32> to vector<16xi32>
    %add3A_89 = vector.broadcast %mul3A_2 : i32 to vector<16xi32>
    %add3A_90 = arith.addi %get3A_88, %add3A_89 : vector<16xi32>
    %swap3A_91 = arith.constant 1 : i32
    %swap3A_92 = arith.index_cast %swap3A_91 : i32 to index
    %swap3A_93 = arith.constant 16 : index
    %swap3A_94 = tpu.vector_load %arg8[%swap3A_92, %swap3A_93] {strides = array<i32>} : memref<125x80xi32, #tpu.memory_space<vmem>>, vector<1x16xi32>,
    %swap3A_95 = vector.shape_cast %swap3A_94 : vector<1x16xi32> to vector<16xi32>
    %swap3A_96 = vector.shape_cast %add3A_90 : vector<16xi32> to vector<1x16xi32>
    tpu.vector_store %arg8[%swap3A_92, %swap3A_93], %swap3A_96 {strides = array<i32>} : memref<125x80xi32, #tpu.memory_space<vmem>>, vector<1x16xi32>,
    %get3A_97 = arith.constant 1 : i32
    %get3A_98 = arith.index_cast %get3A_97 : i32 to index
    %get3A_99 = arith.constant 32 : index
    %get3A_100 = tpu.vector_load %arg8[%get3A_98, %get3A_99] {strides = array<i32>} : memref<125x80xi32, #tpu.memory_space<vmem>>, vector<1x16xi32>,
    %get3A_101 = vector.shape_cast %get3A_100 : vector<1x16xi32> to vector<16xi32>
    %add3A_102 = vector.broadcast %mul3A_2 : i32 to vector<16xi32>
    %add3A_103 = arith.addi %get3A_101, %add3A_102 : vector<16xi32>
    %swap3A_104 = arith.constant 1 : i32
    %swap3A_105 = arith.index_cast %swap3A_104 : i32 to index
    %swap3A_106 = arith.constant 32 : index
    %swap3A_107 = tpu.vector_load %arg8[%swap3A_105, %swap3A_106] {strides = array<i32>} : memref<125x80xi32, #tpu.memory_space<vmem>>, vector<1x16xi32>,
    %swap3A_108 = vector.shape_cast %swap3A_107 : vector<1x16xi32> to vector<16xi32>
    %swap3A_109 = vector.shape_cast %add3A_103 : vector<16xi32> to vector<1x16xi32>
    tpu.vector_store %arg8[%swap3A_105, %swap3A_106], %swap3A_109 {strides = array<i32>} : memref<125x80xi32, #tpu.memory_space<vmem>>, vector<1x16xi32>,
    %get3A_110 = arith.constant 1 : i32
    %get3A_111 = arith.index_cast %get3A_110 : i32 to index
    %get3A_112 = arith.constant 48 : index
    %get3A_113 = tpu.vector_load %arg8[%get3A_111, %get3A_112] {strides = array<i32>} : memref<125x80xi32, #tpu.memory_space<vmem>>, vector<1x16xi32>,
    %get3A_114 = vector.shape_cast %get3A_113 : vector<1x16xi32> to vector<16xi32>
    %add3A_115 = vector.broadcast %mul3A_2 : i32 to vector<16xi32>
    %add3A_116 = arith.addi %get3A_114, %add3A_115 : vector<16xi32>
    %swap3A_117 = arith.constant 1 : i32
    %swap3A_118 = arith.index_cast %swap3A_117 : i32 to index
    %swap3A_119 = arith.constant 48 : index
    %swap3A_120 = tpu.vector_load %arg8[%swap3A_118, %swap3A_119] {strides = array<i32>} : memref<125x80xi32, #tpu.memory_space<vmem>>, vector<1x16xi32>,
    %swap3A_121 = vector.shape_cast %swap3A_120 : vector<1x16xi32> to vector<16xi32>
    %swap3A_122 = vector.shape_cast %add3A_116 : vector<16xi32> to vector<1x16xi32>
    tpu.vector_store %arg8[%swap3A_118, %swap3A_119], %swap3A_122 {strides = array<i32>} : memref<125x80xi32, #tpu.memory_space<vmem>>, vector<1x16xi32>,
    %get3A_123 = arith.constant 1 : i32
    %get3A_124 = arith.index_cast %get3A_123 : i32 to index
    %get3A_125 = arith.constant 64 : index
    %get3A_126 = tpu.vector_load %arg8[%get3A_124, %get3A_125] {strides = array<i32>} : memref<125x80xi32, #tpu.memory_space<vmem>>, vector<1x16xi32>,
    %get3A_127 = vector.shape_cast %get3A_126 : vector<1x16xi32> to vector<16xi32>
    %add3A_128 = vector.broadcast %mul3A_2 : i32 to vector<16xi32>
    %add3A_129 = arith.addi %get3A_127, %add3A_128 : vector<16xi32>
    %swap3A_130 = arith.constant 1 : i32
    %swap3A_131 = arith.index_cast %swap3A_130 : i32 to index
    %swap3A_132 = arith.constant 64 : index
    %swap3A_133 = tpu.vector_load %arg8[%swap3A_131, %swap3A_132] {strides = array<i32>} : memref<125x80xi32, #tpu.memory_space<vmem>>, vector<1x16xi32>,
    %swap3A_134 = vector.shape_cast %swap3A_133 : vector<1x16xi32> to vector<16xi32>
    %swap3A_135 = vector.shape_cast %add3A_129 : vector<16xi32> to vector<1x16xi32>
    tpu.vector_store %arg8[%swap3A_131, %swap3A_132], %swap3A_135 {strides = array<i32>} : memref<125x80xi32, #tpu.memory_space<vmem>>, vector<1x16xi32>,
    %dma_start3A_136 = arith.constant 1 : i32
    %dma_start3A_137 = arith.constant 0 : i32
    %dma_start3A_138 = tpu.memref_slice %arg8[%dma_start3A_136, %dma_start3A_137] : memref<125x80xi32, #tpu.memory_space<vmem>> -> memref<1x80xi32, #tpu.memory_space<vmem>>
    %dma_start3A_139 = tpu.memref_squeeze %dma_start3A_138 : memref<1x80xi32, #tpu.memory_space<vmem>> -> memref<80xi32, #tpu.memory_space<vmem>>
    %dma_start3A_140 = arith.constant 0 : i32
    %dma_start3A_141 = arith.constant 0 : i32
    %dma_start3A_142 = tpu.memref_slice %arg2[%dma_start3A_140, %dma_start3A_141] : memref<20000x128xbf16, #tpu.memory_space<hbm>> -> memref<20000x128xbf16, #tpu.memory_space<hbm>>
    tpu.enqueue_indirect_dma source(%dma_start3A_142 : memref<20000x128xbf16, #tpu.memory_space<hbm>>) target(%arg11 : memref<80x128xbf16, #tpu.memory_space<vmem>>) offsets(%dma_start3A_139 : memref<80xi32, #tpu.memory_space<vmem>>) semaphore(%arg16 : memref<!tpu.dma_semaphore, #tpu.memory_space<semaphore_mem>>)
    %get3A_143 = arith.constant 2 : i32
    %get3A_144 = arith.index_cast %get3A_143 : i32 to index
    %get3A_145 = arith.constant 0 : index
    %get3A_146 = tpu.vector_load %arg8[%get3A_144, %get3A_145] {strides = array<i32>} : memref<125x80xi32, #tpu.memory_space<vmem>>, vector<1x16xi32>,
    %get3A_147 = vector.shape_cast %get3A_146 : vector<1x16xi32> to vector<16xi32>
    %add3A_148 = vector.broadcast %mul3A_2 : i32 to vector<16xi32>
    %add3A_149 = arith.addi %get3A_147, %add3A_148 : vector<16xi32>
    %swap3A_150 = arith.constant 2 : i32
    %swap3A_151 = arith.index_cast %swap3A_150 : i32 to index
    %swap3A_152 = arith.constant 0 : index
    %swap3A_153 = tpu.vector_load %arg8[%swap3A_151, %swap3A_152] {strides = array<i32>} : memref<125x80xi32, #tpu.memory_space<vmem>>, vector<1x16xi32>,
    %swap3A_154 = vector.shape_cast %swap3A_153 : vector<1x16xi32> to vector<16xi32>
    %swap3A_155 = vector.shape_cast %add3A_149 : vector<16xi32> to vector<1x16xi32>
    tpu.vector_store %arg8[%swap3A_151, %swap3A_152], %swap3A_155 {strides = array<i32>} : memref<125x80xi32, #tpu.memory_space<vmem>>, vector<1x16xi32>,
    %get3A_156 = arith.constant 2 : i32
    %get3A_157 = arith.index_cast %get3A_156 : i32 to index
    %get3A_158 = arith.constant 16 : index
    %get3A_159 = tpu.vector_load %arg8[%get3A_157, %get3A_158] {strides = array<i32>} : memref<125x80xi32, #tpu.memory_space<vmem>>, vector<1x16xi32>,
    %get3A_160 = vector.shape_cast %get3A_159 : vector<1x16xi32> to vector<16xi32>
    %add3A_161 = vector.broadcast %mul3A_2 : i32 to vector<16xi32>
    %add3A_162 = arith.addi %get3A_160, %add3A_161 : vector<16xi32>
    %swap3A_163 = arith.constant 2 : i32
    %swap3A_164 = arith.index_cast %swap3A_163 : i32 to index
    %swap3A_165 = arith.constant 16 : index
    %swap3A_166 = tpu.vector_load %arg8[%swap3A_164, %swap3A_165] {strides = array<i32>} : memref<125x80xi32, #tpu.memory_space<vmem>>, vector<1x16xi32>,
    %swap3A_167 = vector.shape_cast %swap3A_166 : vector<1x16xi32> to vector<16xi32>
    %swap3A_168 = vector.shape_cast %add3A_162 : vector<16xi32> to vector<1x16xi32>
    tpu.vector_store %arg8[%swap3A_164, %swap3A_165], %swap3A_168 {strides = array<i32>} : memref<125x80xi32, #tpu.memory_space<vmem>>, vector<1x16xi32>,
    %get3A_169 = arith.constant 2 : i32
    %get3A_170 = arith.index_cast %get3A_169 : i32 to index
    %get3A_171 = arith.constant 32 : index
    %get3A_172 = tpu.vector_load %arg8[%get3A_170, %get3A_171] {strides = array<i32>} : memref<125x80xi32, #tpu.memory_space<vmem>>, vector<1x16xi32>,
    %get3A_173 = vector.shape_cast %get3A_172 : vector<1x16xi32> to vector<16xi32>
    %add3A_174 = vector.broadcast %mul3A_2 : i32 to vector<16xi32>
    %add3A_175 = arith.addi %get3A_173, %add3A_174 : vector<16xi32>
    %swap3A_176 = arith.constant 2 : i32
    %swap3A_177 = arith.index_cast %swap3A_176 : i32 to index
    %swap3A_178 = arith.constant 32 : index
    %swap3A_179 = tpu.vector_load %arg8[%swap3A_177, %swap3A_178] {strides = array<i32>} : memref<125x80xi32, #tpu.memory_space<vmem>>, vector<1x16xi32>,
    %swap3A_180 = vector.shape_cast %swap3A_179 : vector<1x16xi32> to vector<16xi32>
    %swap3A_181 = vector.shape_cast %add3A_175 : vector<16xi32> to vector<1x16xi32>
    tpu.vector_store %arg8[%swap3A_177, %swap3A_178], %swap3A_181 {strides = array<i32>} : memref<125x80xi32, #tpu.memory_space<vmem>>, vector<1x16xi32>,
    %get3A_182 = arith.constant 2 : i32
    %get3A_183 = arith.index_cast %get3A_182 : i32 to index
    %get3A_184 = arith.constant 48 : index
    %get3A_185 = tpu.vector_load %arg8[%get3A_183, %get3A_184] {strides = array<i32>} : memref<125x80xi32, #tpu.memory_space<vmem>>, vector<1x16xi32>,
    %get3A_186 = vector.shape_cast %get3A_185 : vector<1x16xi32> to vector<16xi32>
    %add3A_187 = vector.broadcast %mul3A_2 : i32 to vector<16xi32>
    %add3A_188 = arith.addi %get3A_186, %add3A_187 : vector<16xi32>
    %swap3A_189 = arith.constant 2 : i32
    %swap3A_190 = arith.index_cast %swap3A_189 : i32 to index
    %swap3A_191 = arith.constant 48 : index
    %swap3A_192 = tpu.vector_load %arg8[%swap3A_190, %swap3A_191] {strides = array<i32>} : memref<125x80xi32, #tpu.memory_space<vmem>>, vector<1x16xi32>,
    %swap3A_193 = vector.shape_cast %swap3A_192 : vector<1x16xi32> to vector<16xi32>
    %swap3A_194 = vector.shape_cast %add3A_188 : vector<16xi32> to vector<1x16xi32>
    tpu.vector_store %arg8[%swap3A_190, %swap3A_191], %swap3A_194 {strides = array<i32>} : memref<125x80xi32, #tpu.memory_space<vmem>>, vector<1x16xi32>,
    %get3A_195 = arith.constant 2 : i32
    %get3A_196 = arith.index_cast %get3A_195 : i32 to index
    %get3A_197 = arith.constant 64 : index
    %get3A_198 = tpu.vector_load %arg8[%get3A_196, %get3A_197] {strides = array<i32>} : memref<125x80xi32, #tpu.memory_space<vmem>>, vector<1x16xi32>,
    %get3A_199 = vector.shape_cast %get3A_198 : vector<1x16xi32> to vector<16xi32>
    %add3A_200 = vector.broadcast %mul3A_2 : i32 to vector<16xi32>
    %add3A_201 = arith.addi %get3A_199, %add3A_200 : vector<16xi32>
    %swap3A_202 = arith.constant 2 : i32
    %swap3A_203 = arith.index_cast %swap3A_202 : i32 to index
    %swap3A_204 = arith.constant 64 : index
    %swap3A_205 = tpu.vector_load %arg8[%swap3A_203, %swap3A_204] {strides = array<i32>} : memref<125x80xi32, #tpu.memory_space<vmem>>, vector<1x16xi32>,
    %swap3A_206 = vector.shape_cast %swap3A_205 : vector<1x16xi32> to vector<16xi32>
    %swap3A_207 = vector.shape_cast %add3A_201 : vector<16xi32> to vector<1x16xi32>
    tpu.vector_store %arg8[%swap3A_203, %swap3A_204], %swap3A_207 {strides = array<i32>} : memref<125x80xi32, #tpu.memory_space<vmem>>, vector<1x16xi32>,
    %dma_start3A_208 = arith.constant 2 : i32
    %dma_start3A_209 = arith.constant 0 : i32
    %dma_start3A_210 = tpu.memref_slice %arg8[%dma_start3A_208, %dma_start3A_209] : memref<125x80xi32, #tpu.memory_space<vmem>> -> memref<1x80xi32, #tpu.memory_space<vmem>>
    %dma_start3A_211 = tpu.memref_squeeze %dma_start3A_210 : memref<1x80xi32, #tpu.memory_space<vmem>> -> memref<80xi32, #tpu.memory_space<vmem>>
    %dma_start3A_212 = arith.constant 0 : i32
    %dma_start3A_213 = arith.constant 0 : i32
    %dma_start3A_214 = tpu.memref_slice %arg2[%dma_start3A_212, %dma_start3A_213] : memref<20000x128xbf16, #tpu.memory_space<hbm>> -> memref<20000x128xbf16, #tpu.memory_space<hbm>>
    tpu.enqueue_indirect_dma source(%dma_start3A_214 : memref<20000x128xbf16, #tpu.memory_space<hbm>>) target(%arg12 : memref<80x128xbf16, #tpu.memory_space<vmem>>) offsets(%dma_start3A_211 : memref<80xi32, #tpu.memory_space<vmem>>) semaphore(%arg17 : memref<!tpu.dma_semaphore, #tpu.memory_space<semaphore_mem>>)
    %get3A_215 = arith.constant 3 : i32
    %get3A_216 = arith.index_cast %get3A_215 : i32 to index
    %get3A_217 = arith.constant 0 : index
    %get3A_218 = tpu.vector_load %arg8[%get3A_216, %get3A_217] {strides = array<i32>} : memref<125x80xi32, #tpu.memory_space<vmem>>, vector<1x16xi32>,
    %get3A_219 = vector.shape_cast %get3A_218 : vector<1x16xi32> to vector<16xi32>
    %add3A_220 = vector.broadcast %mul3A_2 : i32 to vector<16xi32>
    %add3A_221 = arith.addi %get3A_219, %add3A_220 : vector<16xi32>
    %swap3A_222 = arith.constant 3 : i32
    %swap3A_223 = arith.index_cast %swap3A_222 : i32 to index
    %swap3A_224 = arith.constant 0 : index
    %swap3A_225 = tpu.vector_load %arg8[%swap3A_223, %swap3A_224] {strides = array<i32>} : memref<125x80xi32, #tpu.memory_space<vmem>>, vector<1x16xi32>,
    %swap3A_226 = vector.shape_cast %swap3A_225 : vector<1x16xi32> to vector<16xi32>
    %swap3A_227 = vector.shape_cast %add3A_221 : vector<16xi32> to vector<1x16xi32>
    tpu.vector_store %arg8[%swap3A_223, %swap3A_224], %swap3A_227 {strides = array<i32>} : memref<125x80xi32, #tpu.memory_space<vmem>>, vector<1x16xi32>,
    %get3A_228 = arith.constant 3 : i32
    %get3A_229 = arith.index_cast %get3A_228 : i32 to index
    %get3A_230 = arith.constant 16 : index
    %get3A_231 = tpu.vector_load %arg8[%get3A_229, %get3A_230] {strides = array<i32>} : memref<125x80xi32, #tpu.memory_space<vmem>>, vector<1x16xi32>,
    %get3A_232 = vector.shape_cast %get3A_231 : vector<1x16xi32> to vector<16xi32>
    %add3A_233 = vector.broadcast %mul3A_2 : i32 to vector<16xi32>
    %add3A_234 = arith.addi %get3A_232, %add3A_233 : vector<16xi32>
    %swap3A_235 = arith.constant 3 : i32
    %swap3A_236 = arith.index_cast %swap3A_235 : i32 to index
    %swap3A_237 = arith.constant 16 : index
    %swap3A_238 = tpu.vector_load %arg8[%swap3A_236, %swap3A_237] {strides = array<i32>} : memref<125x80xi32, #tpu.memory_space<vmem>>, vector<1x16xi32>,
    %swap3A_239 = vector.shape_cast %swap3A_238 : vector<1x16xi32> to vector<16xi32>
    %swap3A_240 = vector.shape_cast %add3A_234 : vector<16xi32> to vector<1x16xi32>
    tpu.vector_store %arg8[%swap3A_236, %swap3A_237], %swap3A_240 {strides = array<i32>} : memref<125x80xi32, #tpu.memory_space<vmem>>, vector<1x16xi32>,
    %get3A_241 = arith.constant 3 : i32
    %get3A_242 = arith.index_cast %get3A_241 : i32 to index
    %get3A_243 = arith.constant 32 : index
    %get3A_244 = tpu.vector_load %arg8[%get3A_242, %get3A_243] {strides = array<i32>} : memref<125x80xi32, #tpu.memory_space<vmem>>, vector<1x16xi32>,
    %get3A_245 = vector.shape_cast %get3A_244 : vector<1x16xi32> to vector<16xi32>
    %add3A_246 = vector.broadcast %mul3A_2 : i32 to vector<16xi32>
    %add3A_247 = arith.addi %get3A_245, %add3A_246 : vector<16xi32>
    %swap3A_248 = arith.constant 3 : i32
    %swap3A_249 = arith.index_cast %swap3A_248 : i32 to index
    %swap3A_250 = arith.constant 32 : index
    %swap3A_251 = tpu.vector_load %arg8[%swap3A_249, %swap3A_250] {strides = array<i32>} : memref<125x80xi32, #tpu.memory_space<vmem>>, vector<1x16xi32>,
    %swap3A_252 = vector.shape_cast %swap3A_251 : vector<1x16xi32> to vector<16xi32>
    %swap3A_253 = vector.shape_cast %add3A_247 : vector<16xi32> to vector<1x16xi32>
    tpu.vector_store %arg8[%swap3A_249, %swap3A_250], %swap3A_253 {strides = array<i32>} : memref<125x80xi32, #tpu.memory_space<vmem>>, vector<1x16xi32>,
    %get3A_254 = arith.constant 3 : i32
    %get3A_255 = arith.index_cast %get3A_254 : i32 to index
    %get3A_256 = arith.constant 48 : index
    %get3A_257 = tpu.vector_load %arg8[%get3A_255, %get3A_256] {strides = array<i32>} : memref<125x80xi32, #tpu.memory_space<vmem>>, vector<1x16xi32>,
    %get3A_258 = vector.shape_cast %get3A_257 : vector<1x16xi32> to vector<16xi32>
    %add3A_259 = vector.broadcast %mul3A_2 : i32 to vector<16xi32>
    %add3A_260 = arith.addi %get3A_258, %add3A_259 : vector<16xi32>
    %swap3A_261 = arith.constant 3 : i32
    %swap3A_262 = arith.index_cast %swap3A_261 : i32 to index
    %swap3A_263 = arith.constant 48 : index
    %swap3A_264 = tpu.vector_load %arg8[%swap3A_262, %swap3A_263] {strides = array<i32>} : memref<125x80xi32, #tpu.memory_space<vmem>>, vector<1x16xi32>,
    %swap3A_265 = vector.shape_cast %swap3A_264 : vector<1x16xi32> to vector<16xi32>
    %swap3A_266 = vector.shape_cast %add3A_260 : vector<16xi32> to vector<1x16xi32>
    tpu.vector_store %arg8[%swap3A_262, %swap3A_263], %swap3A_266 {strides = array<i32>} : memref<125x80xi32, #tpu.memory_space<vmem>>, vector<1x16xi32>,
    %get3A_267 = arith.constant 3 : i32
    %get3A_268 = arith.index_cast %get3A_267 : i32 to index
    %get3A_269 = arith.constant 64 : index
    %get3A_270 = tpu.vector_load %arg8[%get3A_268, %get3A_269] {strides = array<i32>} : memref<125x80xi32, #tpu.memory_space<vmem>>, vector<1x16xi32>,
    %get3A_271 = vector.shape_cast %get3A_270 : vector<1x16xi32> to vector<16xi32>
    %add3A_272 = vector.broadcast %mul3A_2 : i32 to vector<16xi32>
    %add3A_273 = arith.addi %get3A_271, %add3A_272 : vector<16xi32>
    %swap3A_274 = arith.constant 3 : i32
    %swap3A_275 = arith.index_cast %swap3A_274 : i32 to index
    %swap3A_276 = arith.constant 64 : index
    %swap3A_277 = tpu.vector_load %arg8[%swap3A_275, %swap3A_276] {strides = array<i32>} : memref<125x80xi32, #tpu.memory_space<vmem>>, vector<1x16xi32>,
    %swap3A_278 = vector.shape_cast %swap3A_277 : vector<1x16xi32> to vector<16xi32>
    %swap3A_279 = vector.shape_cast %add3A_273 : vector<16xi32> to vector<1x16xi32>
    tpu.vector_store %arg8[%swap3A_275, %swap3A_276], %swap3A_279 {strides = array<i32>} : memref<125x80xi32, #tpu.memory_space<vmem>>, vector<1x16xi32>,
    %dma_start3A_280 = arith.constant 3 : i32
    %dma_start3A_281 = arith.constant 0 : i32
    %dma_start3A_282 = tpu.memref_slice %arg8[%dma_start3A_280, %dma_start3A_281] : memref<125x80xi32, #tpu.memory_space<vmem>> -> memref<1x80xi32, #tpu.memory_space<vmem>>
    %dma_start3A_283 = tpu.memref_squeeze %dma_start3A_282 : memref<1x80xi32, #tpu.memory_space<vmem>> -> memref<80xi32, #tpu.memory_space<vmem>>
    %dma_start3A_284 = arith.constant 0 : i32
    %dma_start3A_285 = arith.constant 0 : i32
    %dma_start3A_286 = tpu.memref_slice %arg2[%dma_start3A_284, %dma_start3A_285] : memref<20000x128xbf16, #tpu.memory_space<hbm>> -> memref<20000x128xbf16, #tpu.memory_space<hbm>>
    tpu.enqueue_indirect_dma source(%dma_start3A_286 : memref<20000x128xbf16, #tpu.memory_space<hbm>>) target(%arg13 : memref<80x128xbf16, #tpu.memory_space<vmem>>) offsets(%dma_start3A_283 : memref<80xi32, #tpu.memory_space<vmem>>) semaphore(%arg18 : memref<!tpu.dma_semaphore, #tpu.memory_space<semaphore_mem>>)
    %get3A_287 = arith.constant 4 : i32
    %get3A_288 = arith.index_cast %get3A_287 : i32 to index
    %get3A_289 = arith.constant 0 : index
    %get3A_290 = tpu.vector_load %arg8[%get3A_288, %get3A_289] {strides = array<i32>} : memref<125x80xi32, #tpu.memory_space<vmem>>, vector<1x16xi32>,
    %get3A_291 = vector.shape_cast %get3A_290 : vector<1x16xi32> to vector<16xi32>
    %add3A_292 = vector.broadcast %mul3A_2 : i32 to vector<16xi32>
    %add3A_293 = arith.addi %get3A_291, %add3A_292 : vector<16xi32>
    %swap3A_294 = arith.constant 4 : i32
    %swap3A_295 = arith.index_cast %swap3A_294 : i32 to index
    %swap3A_296 = arith.constant 0 : index
    %swap3A_297 = tpu.vector_load %arg8[%swap3A_295, %swap3A_296] {strides = array<i32>} : memref<125x80xi32, #tpu.memory_space<vmem>>, vector<1x16xi32>,
    %swap3A_298 = vector.shape_cast %swap3A_297 : vector<1x16xi32> to vector<16xi32>
    %swap3A_299 = vector.shape_cast %add3A_293 : vector<16xi32> to vector<1x16xi32>
    tpu.vector_store %arg8[%swap3A_295, %swap3A_296], %swap3A_299 {strides = array<i32>} : memref<125x80xi32, #tpu.memory_space<vmem>>, vector<1x16xi32>,
    %get3A_300 = arith.constant 4 : i32
    %get3A_301 = arith.index_cast %get3A_300 : i32 to index
    %get3A_302 = arith.constant 16 : index
    %get3A_303 = tpu.vector_load %arg8[%get3A_301, %get3A_302] {strides = array<i32>} : memref<125x80xi32, #tpu.memory_space<vmem>>, vector<1x16xi32>,
    %get3A_304 = vector.shape_cast %get3A_303 : vector<1x16xi32> to vector<16xi32>
    %add3A_305 = vector.broadcast %mul3A_2 : i32 to vector<16xi32>
    %add3A_306 = arith.addi %get3A_304, %add3A_305 : vector<16xi32>
    %swap3A_307 = arith.constant 4 : i32
    %swap3A_308 = arith.index_cast %swap3A_307 : i32 to index
    %swap3A_309 = arith.constant 16 : index
    %swap3A_310 = tpu.vector_load %arg8[%swap3A_308, %swap3A_309] {strides = array<i32>} : memref<125x80xi32, #tpu.memory_space<vmem>>, vector<1x16xi32>,
    %swap3A_311 = vector.shape_cast %swap3A_310 : vector<1x16xi32> to vector<16xi32>
    %swap3A_312 = vector.shape_cast %add3A_306 : vector<16xi32> to vector<1x16xi32>
    tpu.vector_store %arg8[%swap3A_308, %swap3A_309], %swap3A_312 {strides = array<i32>} : memref<125x80xi32, #tpu.memory_space<vmem>>, vector<1x16xi32>,
    %get3A_313 = arith.constant 4 : i32
    %get3A_314 = arith.index_cast %get3A_313 : i32 to index
    %get3A_315 = arith.constant 32 : index
    %get3A_316 = tpu.vector_load %arg8[%get3A_314, %get3A_315] {strides = array<i32>} : memref<125x80xi32, #tpu.memory_space<vmem>>, vector<1x16xi32>,
    %get3A_317 = vector.shape_cast %get3A_316 : vector<1x16xi32> to vector<16xi32>
    %add3A_318 = vector.broadcast %mul3A_2 : i32 to vector<16xi32>
    %add3A_319 = arith.addi %get3A_317, %add3A_318 : vector<16xi32>
    %swap3A_320 = arith.constant 4 : i32
    %swap3A_321 = arith.index_cast %swap3A_320 : i32 to index
    %swap3A_322 = arith.constant 32 : index
    %swap3A_323 = tpu.vector_load %arg8[%swap3A_321, %swap3A_322] {strides = array<i32>} : memref<125x80xi32, #tpu.memory_space<vmem>>, vector<1x16xi32>,
    %swap3A_324 = vector.shape_cast %swap3A_323 : vector<1x16xi32> to vector<16xi32>
    %swap3A_325 = vector.shape_cast %add3A_319 : vector<16xi32> to vector<1x16xi32>
    tpu.vector_store %arg8[%swap3A_321, %swap3A_322], %swap3A_325 {strides = array<i32>} : memref<125x80xi32, #tpu.memory_space<vmem>>, vector<1x16xi32>,
    %get3A_326 = arith.constant 4 : i32
    %get3A_327 = arith.index_cast %get3A_326 : i32 to index
    %get3A_328 = arith.constant 48 : index
    %get3A_329 = tpu.vector_load %arg8[%get3A_327, %get3A_328] {strides = array<i32>} : memref<125x80xi32, #tpu.memory_space<vmem>>, vector<1x16xi32>,
    %get3A_330 = vector.shape_cast %get3A_329 : vector<1x16xi32> to vector<16xi32>
    %add3A_331 = vector.broadcast %mul3A_2 : i32 to vector<16xi32>
    %add3A_332 = arith.addi %get3A_330, %add3A_331 : vector<16xi32>
    %swap3A_333 = arith.constant 4 : i32
    %swap3A_334 = arith.index_cast %swap3A_333 : i32 to index
    %swap3A_335 = arith.constant 48 : index
    %swap3A_336 = tpu.vector_load %arg8[%swap3A_334, %swap3A_335] {strides = array<i32>} : memref<125x80xi32, #tpu.memory_space<vmem>>, vector<1x16xi32>,
    %swap3A_337 = vector.shape_cast %swap3A_336 : vector<1x16xi32> to vector<16xi32>
    %swap3A_338 = vector.shape_cast %add3A_332 : vector<16xi32> to vector<1x16xi32>
    tpu.vector_store %arg8[%swap3A_334, %swap3A_335], %swap3A_338 {strides = array<i32>} : memref<125x80xi32, #tpu.memory_space<vmem>>, vector<1x16xi32>,
    %get3A_339 = arith.constant 4 : i32
    %get3A_340 = arith.index_cast %get3A_339 : i32 to index
    %get3A_341 = arith.constant 64 : index
    %get3A_342 = tpu.vector_load %arg8[%get3A_340, %get3A_341] {strides = array<i32>} : memref<125x80xi32, #tpu.memory_space<vmem>>, vector<1x16xi32>,
    %get3A_343 = vector.shape_cast %get3A_342 : vector<1x16xi32> to vector<16xi32>
    %add3A_344 = vector.broadcast %mul3A_2 : i32 to vector<16xi32>
    %add3A_345 = arith.addi %get3A_343, %add3A_344 : vector<16xi32>
    %swap3A_346 = arith.constant 4 : i32
    %swap3A_347 = arith.index_cast %swap3A_346 : i32 to index
    %swap3A_348 = arith.constant 64 : index
    %swap3A_349 = tpu.vector_load %arg8[%swap3A_347, %swap3A_348] {strides = array<i32>} : memref<125x80xi32, #tpu.memory_space<vmem>>, vector<1x16xi32>,
    %swap3A_350 = vector.shape_cast %swap3A_349 : vector<1x16xi32> to vector<16xi32>
    %swap3A_351 = vector.shape_cast %add3A_345 : vector<16xi32> to vector<1x16xi32>
    tpu.vector_store %arg8[%swap3A_347, %swap3A_348], %swap3A_351 {strides = array<i32>} : memref<125x80xi32, #tpu.memory_space<vmem>>, vector<1x16xi32>,
    %dma_start3A_352 = arith.constant 4 : i32
    %dma_start3A_353 = arith.constant 0 : i32
    %dma_start3A_354 = tpu.memref_slice %arg8[%dma_start3A_352, %dma_start3A_353] : memref<125x80xi32, #tpu.memory_space<vmem>> -> memref<1x80xi32, #tpu.memory_space<vmem>>
    %dma_start3A_355 = tpu.memref_squeeze %dma_start3A_354 : memref<1x80xi32, #tpu.memory_space<vmem>> -> memref<80xi32, #tpu.memory_space<vmem>>
    %dma_start3A_356 = arith.constant 0 : i32
    %dma_start3A_357 = arith.constant 0 : i32
    %dma_start3A_358 = tpu.memref_slice %arg2[%dma_start3A_356, %dma_start3A_357] : memref<20000x128xbf16, #tpu.memory_space<hbm>> -> memref<20000x128xbf16, #tpu.memory_space<hbm>>
    tpu.enqueue_indirect_dma source(%dma_start3A_358 : memref<20000x128xbf16, #tpu.memory_space<hbm>>) target(%arg14 : memref<80x128xbf16, #tpu.memory_space<vmem>>) offsets(%dma_start3A_355 : memref<80xi32, #tpu.memory_space<vmem>>) semaphore(%arg19 : memref<!tpu.dma_semaphore, #tpu.memory_space<semaphore_mem>>)
    %scan3A = arith.constant 0 : i32
    %scan3A_359 = arith.constant 0 : i32
    %scan3A_360 = arith.constant 24 : i32
    %scan3A_361 = arith.addi %scan3A_359, %scan3A_360 : i32
    %scan3A_362 = arith.constant 1 : i32
    scf.for %scan3A_476 = %scan3A_359 to %scan3A_361 step %scan3A_362  : i32 {
      %mul3A_477 = arith.constant 5 : i32
      %mul3A_478 = arith.muli %scan3A_476, %mul3A_477 : i32
      %add3A_479 = arith.constant 0 : i32
      %add3A_480 = arith.addi %mul3A_478, %add3A_479 : i32
      %dma_wait3A_481 = arith.constant 0 : i32
      %dma_wait3A_482 = arith.constant 0 : i32
      %dma_wait3A_483 = tpu.memref_slice %arg8[%dma_wait3A_481, %dma_wait3A_482] : memref<125x80xi32, #tpu.memory_space<vmem>> -> memref<1x80xi32, #tpu.memory_space<vmem>>
      %dma_wait3A_484 = tpu.memref_squeeze %dma_wait3A_483 : memref<1x80xi32, #tpu.memory_space<vmem>> -> memref<80xi32, #tpu.memory_space<vmem>>
      %dma_wait3A_485 = arith.constant 0 : i32
      %dma_wait3A_486 = arith.constant 0 : i32
      %dma_wait3A_487 = tpu.memref_slice %arg2[%dma_wait3A_485, %dma_wait3A_486] : memref<20000x128xbf16, #tpu.memory_space<hbm>> -> memref<20000x128xbf16, #tpu.memory_space<hbm>>
      tpu.wait_indirect_dma semaphore(%arg15 : memref<!tpu.dma_semaphore, #tpu.memory_space<semaphore_mem>>) src(%dma_wait3A_487 : memref<20000x128xbf16, #tpu.memory_space<hbm>>) dst(%arg10 : memref<80x128xbf16, #tpu.memory_space<vmem>>)
      %dma_start3A_488 = arith.constant 0 : i32
      %dma_start3A_489 = tpu.memref_slice %arg9[%add3A_480, %dma_start3A_488] : memref<125x80xi32, #tpu.memory_space<vmem>> -> memref<1x80xi32, #tpu.memory_space<vmem>>
      %dma_start3A_490 = tpu.memref_squeeze %dma_start3A_489 : memref<1x80xi32, #tpu.memory_space<vmem>> -> memref<80xi32, #tpu.memory_space<vmem>>
      %dma_start3A_491 = arith.constant 0 : i32
      %dma_start3A_492 = arith.constant 0 : i32
      %dma_start3A_493 = tpu.memref_slice %arg25[%dma_start3A_491, %dma_start3A_492] : memref<10240x128xbf16, #tpu.memory_space<vmem_shared>> -> memref<10240x128xbf16, #tpu.memory_space<vmem_shared>>
      tpu.enqueue_indirect_dma source(%arg10 : memref<80x128xbf16, #tpu.memory_space<vmem>>) target(%dma_start3A_493 : memref<10240x128xbf16, #tpu.memory_space<vmem_shared>>) offsets(%dma_start3A_490 : memref<80xi32, #tpu.memory_space<vmem>>) semaphore(%arg20 : memref<!tpu.dma_semaphore, #tpu.memory_space<semaphore_mem>>) {add = true}
      %mul3A_494 = arith.constant 5 : i32
      %mul3A_495 = arith.muli %scan3A_476, %mul3A_494 : i32
      %add3A_496 = arith.constant 1 : i32
      %add3A_497 = arith.addi %mul3A_495, %add3A_496 : i32
      %dma_wait3A_498 = arith.constant 0 : i32
      %dma_wait3A_499 = arith.constant 0 : i32
      %dma_wait3A_500 = tpu.memref_slice %arg8[%dma_wait3A_498, %dma_wait3A_499] : memref<125x80xi32, #tpu.memory_space<vmem>> -> memref<1x80xi32, #tpu.memory_space<vmem>>
      %dma_wait3A_501 = tpu.memref_squeeze %dma_wait3A_500 : memref<1x80xi32, #tpu.memory_space<vmem>> -> memref<80xi32, #tpu.memory_space<vmem>>
      %dma_wait3A_502 = arith.constant 0 : i32
      %dma_wait3A_503 = arith.constant 0 : i32
      %dma_wait3A_504 = tpu.memref_slice %arg2[%dma_wait3A_502, %dma_wait3A_503] : memref<20000x128xbf16, #tpu.memory_space<hbm>> -> memref<20000x128xbf16, #tpu.memory_space<hbm>>
      tpu.wait_indirect_dma semaphore(%arg16 : memref<!tpu.dma_semaphore, #tpu.memory_space<semaphore_mem>>) src(%dma_wait3A_504 : memref<20000x128xbf16, #tpu.memory_space<hbm>>) dst(%arg11 : memref<80x128xbf16, #tpu.memory_space<vmem>>)
      %dma_start3A_505 = arith.constant 0 : i32
      %dma_start3A_506 = tpu.memref_slice %arg9[%add3A_497, %dma_start3A_505] : memref<125x80xi32, #tpu.memory_space<vmem>> -> memref<1x80xi32, #tpu.memory_space<vmem>>
      %dma_start3A_507 = tpu.memref_squeeze %dma_start3A_506 : memref<1x80xi32, #tpu.memory_space<vmem>> -> memref<80xi32, #tpu.memory_space<vmem>>
      %dma_start3A_508 = arith.constant 0 : i32
      %dma_start3A_509 = arith.constant 0 : i32
      %dma_start3A_510 = tpu.memref_slice %arg25[%dma_start3A_508, %dma_start3A_509] : memref<10240x128xbf16, #tpu.memory_space<vmem_shared>> -> memref<10240x128xbf16, #tpu.memory_space<vmem_shared>>
      tpu.enqueue_indirect_dma source(%arg11 : memref<80x128xbf16, #tpu.memory_space<vmem>>) target(%dma_start3A_510 : memref<10240x128xbf16, #tpu.memory_space<vmem_shared>>) offsets(%dma_start3A_507 : memref<80xi32, #tpu.memory_space<vmem>>) semaphore(%arg21 : memref<!tpu.dma_semaphore, #tpu.memory_space<semaphore_mem>>) {add = true}
      %mul3A_511 = arith.constant 5 : i32
      %mul3A_512 = arith.muli %scan3A_476, %mul3A_511 : i32
      %add3A_513 = arith.constant 2 : i32
      %add3A_514 = arith.addi %mul3A_512, %add3A_513 : i32
      %dma_wait3A_515 = arith.constant 0 : i32
      %dma_wait3A_516 = arith.constant 0 : i32
      %dma_wait3A_517 = tpu.memref_slice %arg8[%dma_wait3A_515, %dma_wait3A_516] : memref<125x80xi32, #tpu.memory_space<vmem>> -> memref<1x80xi32, #tpu.memory_space<vmem>>
      %dma_wait3A_518 = tpu.memref_squeeze %dma_wait3A_517 : memref<1x80xi32, #tpu.memory_space<vmem>> -> memref<80xi32, #tpu.memory_space<vmem>>
      %dma_wait3A_519 = arith.constant 0 : i32
      %dma_wait3A_520 = arith.constant 0 : i32
      %dma_wait3A_521 = tpu.memref_slice %arg2[%dma_wait3A_519, %dma_wait3A_520] : memref<20000x128xbf16, #tpu.memory_space<hbm>> -> memref<20000x128xbf16, #tpu.memory_space<hbm>>
      tpu.wait_indirect_dma semaphore(%arg17 : memref<!tpu.dma_semaphore, #tpu.memory_space<semaphore_mem>>) src(%dma_wait3A_521 : memref<20000x128xbf16, #tpu.memory_space<hbm>>) dst(%arg12 : memref<80x128xbf16, #tpu.memory_space<vmem>>)
      %dma_start3A_522 = arith.constant 0 : i32
      %dma_start3A_523 = tpu.memref_slice %arg9[%add3A_514, %dma_start3A_522] : memref<125x80xi32, #tpu.memory_space<vmem>> -> memref<1x80xi32, #tpu.memory_space<vmem>>
      %dma_start3A_524 = tpu.memref_squeeze %dma_start3A_523 : memref<1x80xi32, #tpu.memory_space<vmem>> -> memref<80xi32, #tpu.memory_space<vmem>>
      %dma_start3A_525 = arith.constant 0 : i32
      %dma_start3A_526 = arith.constant 0 : i32
      %dma_start3A_527 = tpu.memref_slice %arg25[%dma_start3A_525, %dma_start3A_526] : memref<10240x128xbf16, #tpu.memory_space<vmem_shared>> -> memref<10240x128xbf16, #tpu.memory_space<vmem_shared>>
      tpu.enqueue_indirect_dma source(%arg12 : memref<80x128xbf16, #tpu.memory_space<vmem>>) target(%dma_start3A_527 : memref<10240x128xbf16, #tpu.memory_space<vmem_shared>>) offsets(%dma_start3A_524 : memref<80xi32, #tpu.memory_space<vmem>>) semaphore(%arg22 : memref<!tpu.dma_semaphore, #tpu.memory_space<semaphore_mem>>) {add = true}
      %mul3A_528 = arith.constant 5 : i32
      %mul3A_529 = arith.muli %scan3A_476, %mul3A_528 : i32
      %add3A_530 = arith.constant 3 : i32
      %add3A_531 = arith.addi %mul3A_529, %add3A_530 : i32
      %dma_wait3A_532 = arith.constant 0 : i32
      %dma_wait3A_533 = arith.constant 0 : i32
      %dma_wait3A_534 = tpu.memref_slice %arg8[%dma_wait3A_532, %dma_wait3A_533] : memref<125x80xi32, #tpu.memory_space<vmem>> -> memref<1x80xi32, #tpu.memory_space<vmem>>
      %dma_wait3A_535 = tpu.memref_squeeze %dma_wait3A_534 : memref<1x80xi32, #tpu.memory_space<vmem>> -> memref<80xi32, #tpu.memory_space<vmem>>
      %dma_wait3A_536 = arith.constant 0 : i32
      %dma_wait3A_537 = arith.constant 0 : i32
      %dma_wait3A_538 = tpu.memref_slice %arg2[%dma_wait3A_536, %dma_wait3A_537] : memref<20000x128xbf16, #tpu.memory_space<hbm>> -> memref<20000x128xbf16, #tpu.memory_space<hbm>>
      tpu.wait_indirect_dma semaphore(%arg18 : memref<!tpu.dma_semaphore, #tpu.memory_space<semaphore_mem>>) src(%dma_wait3A_538 : memref<20000x128xbf16, #tpu.memory_space<hbm>>) dst(%arg13 : memref<80x128xbf16, #tpu.memory_space<vmem>>)
      %dma_start3A_539 = arith.constant 0 : i32
      %dma_start3A_540 = tpu.memref_slice %arg9[%add3A_531, %dma_start3A_539] : memref<125x80xi32, #tpu.memory_space<vmem>> -> memref<1x80xi32, #tpu.memory_space<vmem>>
      %dma_start3A_541 = tpu.memref_squeeze %dma_start3A_540 : memref<1x80xi32, #tpu.memory_space<vmem>> -> memref<80xi32, #tpu.memory_space<vmem>>
      %dma_start3A_542 = arith.constant 0 : i32
      %dma_start3A_543 = arith.constant 0 : i32
      %dma_start3A_544 = tpu.memref_slice %arg25[%dma_start3A_542, %dma_start3A_543] : memref<10240x128xbf16, #tpu.memory_space<vmem_shared>> -> memref<10240x128xbf16, #tpu.memory_space<vmem_shared>>
      tpu.enqueue_indirect_dma source(%arg13 : memref<80x128xbf16, #tpu.memory_space<vmem>>) target(%dma_start3A_544 : memref<10240x128xbf16, #tpu.memory_space<vmem_shared>>) offsets(%dma_start3A_541 : memref<80xi32, #tpu.memory_space<vmem>>) semaphore(%arg23 : memref<!tpu.dma_semaphore, #tpu.memory_space<semaphore_mem>>) {add = true}
      %mul3A_545 = arith.constant 5 : i32
      %mul3A_546 = arith.muli %scan3A_476, %mul3A_545 : i32
      %add3A_547 = arith.constant 4 : i32
      %add3A_548 = arith.addi %mul3A_546, %add3A_547 : i32
      %dma_wait3A_549 = arith.constant 0 : i32
      %dma_wait3A_550 = arith.constant 0 : i32
      %dma_wait3A_551 = tpu.memref_slice %arg8[%dma_wait3A_549, %dma_wait3A_550] : memref<125x80xi32, #tpu.memory_space<vmem>> -> memref<1x80xi32, #tpu.memory_space<vmem>>
      %dma_wait3A_552 = tpu.memref_squeeze %dma_wait3A_551 : memref<1x80xi32, #tpu.memory_space<vmem>> -> memref<80xi32, #tpu.memory_space<vmem>>
      %dma_wait3A_553 = arith.constant 0 : i32
      %dma_wait3A_554 = arith.constant 0 : i32
      %dma_wait3A_555 = tpu.memref_slice %arg2[%dma_wait3A_553, %dma_wait3A_554] : memref<20000x128xbf16, #tpu.memory_space<hbm>> -> memref<20000x128xbf16, #tpu.memory_space<hbm>>
      tpu.wait_indirect_dma semaphore(%arg19 : memref<!tpu.dma_semaphore, #tpu.memory_space<semaphore_mem>>) src(%dma_wait3A_555 : memref<20000x128xbf16, #tpu.memory_space<hbm>>) dst(%arg14 : memref<80x128xbf16, #tpu.memory_space<vmem>>)
      %dma_start3A_556 = arith.constant 0 : i32
      %dma_start3A_557 = tpu.memref_slice %arg9[%add3A_548, %dma_start3A_556] : memref<125x80xi32, #tpu.memory_space<vmem>> -> memref<1x80xi32, #tpu.memory_space<vmem>>
      %dma_start3A_558 = tpu.memref_squeeze %dma_start3A_557 : memref<1x80xi32, #tpu.memory_space<vmem>> -> memref<80xi32, #tpu.memory_space<vmem>>
      %dma_start3A_559 = arith.constant 0 : i32
      %dma_start3A_560 = arith.constant 0 : i32
      %dma_start3A_561 = tpu.memref_slice %arg25[%dma_start3A_559, %dma_start3A_560] : memref<10240x128xbf16, #tpu.memory_space<vmem_shared>> -> memref<10240x128xbf16, #tpu.memory_space<vmem_shared>>
      tpu.enqueue_indirect_dma source(%arg14 : memref<80x128xbf16, #tpu.memory_space<vmem>>) target(%dma_start3A_561 : memref<10240x128xbf16, #tpu.memory_space<vmem_shared>>) offsets(%dma_start3A_558 : memref<80xi32, #tpu.memory_space<vmem>>) semaphore(%arg24 : memref<!tpu.dma_semaphore, #tpu.memory_space<semaphore_mem>>) {add = true}
      %add3A_562 = arith.constant 1 : i32
      %add3A_563 = arith.addi %scan3A_476, %add3A_562 : i32
      %mul3A_564 = arith.constant 5 : i32
      %mul3A_565 = arith.muli %add3A_563, %mul3A_564 : i32
      %add3A_566 = arith.constant 0 : i32
      %add3A_567 = arith.addi %mul3A_565, %add3A_566 : i32
      %dma_wait3A_568 = arith.constant 0 : i32
      %dma_wait3A_569 = arith.constant 0 : i32
      %dma_wait3A_570 = tpu.memref_slice %arg9[%dma_wait3A_568, %dma_wait3A_569] : memref<125x80xi32, #tpu.memory_space<vmem>> -> memref<1x80xi32, #tpu.memory_space<vmem>>
      %dma_wait3A_571 = tpu.memref_squeeze %dma_wait3A_570 : memref<1x80xi32, #tpu.memory_space<vmem>> -> memref<80xi32, #tpu.memory_space<vmem>>
      %dma_wait3A_572 = arith.constant 0 : i32
      %dma_wait3A_573 = arith.constant 0 : i32
      %dma_wait3A_574 = tpu.memref_slice %arg25[%dma_wait3A_572, %dma_wait3A_573] : memref<10240x128xbf16, #tpu.memory_space<vmem_shared>> -> memref<10240x128xbf16, #tpu.memory_space<vmem_shared>>
      tpu.wait_indirect_dma semaphore(%arg20 : memref<!tpu.dma_semaphore, #tpu.memory_space<semaphore_mem>>) src(%arg10 : memref<80x128xbf16, #tpu.memory_space<vmem>>) dst(%dma_wait3A_574 : memref<10240x128xbf16, #tpu.memory_space<vmem_shared>>)
      %get3A_575 = arith.index_cast %add3A_567 : i32 to index
      %get3A_576 = arith.constant 0 : index
      %get3A_577 = tpu.vector_load %arg8[%get3A_575, %get3A_576] {strides = array<i32>} : memref<125x80xi32, #tpu.memory_space<vmem>>, vector<1x16xi32>,
      %get3A_578 = vector.shape_cast %get3A_577 : vector<1x16xi32> to vector<16xi32>
      %add3A_579 = vector.broadcast %mul3A_2 : i32 to vector<16xi32>
      %add3A_580 = arith.addi %get3A_578, %add3A_579 : vector<16xi32>
      %swap3A_581 = arith.index_cast %add3A_567 : i32 to index
      %swap3A_582 = arith.constant 0 : index
      %swap3A_583 = tpu.vector_load %arg8[%swap3A_581, %swap3A_582] {strides = array<i32>} : memref<125x80xi32, #tpu.memory_space<vmem>>, vector<1x16xi32>,
      %swap3A_584 = vector.shape_cast %swap3A_583 : vector<1x16xi32> to vector<16xi32>
      %swap3A_585 = vector.shape_cast %add3A_580 : vector<16xi32> to vector<1x16xi32>
      tpu.vector_store %arg8[%swap3A_581, %swap3A_582], %swap3A_585 {strides = array<i32>} : memref<125x80xi32, #tpu.memory_space<vmem>>, vector<1x16xi32>,
      %get3A_586 = arith.index_cast %add3A_567 : i32 to index
      %get3A_587 = arith.constant 16 : index
      %get3A_588 = tpu.vector_load %arg8[%get3A_586, %get3A_587] {strides = array<i32>} : memref<125x80xi32, #tpu.memory_space<vmem>>, vector<1x16xi32>,
      %get3A_589 = vector.shape_cast %get3A_588 : vector<1x16xi32> to vector<16xi32>
      %add3A_590 = vector.broadcast %mul3A_2 : i32 to vector<16xi32>
      %add3A_591 = arith.addi %get3A_589, %add3A_590 : vector<16xi32>
      %swap3A_592 = arith.index_cast %add3A_567 : i32 to index
      %swap3A_593 = arith.constant 16 : index
      %swap3A_594 = tpu.vector_load %arg8[%swap3A_592, %swap3A_593] {strides = array<i32>} : memref<125x80xi32, #tpu.memory_space<vmem>>, vector<1x16xi32>,
      %swap3A_595 = vector.shape_cast %swap3A_594 : vector<1x16xi32> to vector<16xi32>
      %swap3A_596 = vector.shape_cast %add3A_591 : vector<16xi32> to vector<1x16xi32>
      tpu.vector_store %arg8[%swap3A_592, %swap3A_593], %swap3A_596 {strides = array<i32>} : memref<125x80xi32, #tpu.memory_space<vmem>>, vector<1x16xi32>,
      %get3A_597 = arith.index_cast %add3A_567 : i32 to index
      %get3A_598 = arith.constant 32 : index
      %get3A_599 = tpu.vector_load %arg8[%get3A_597, %get3A_598] {strides = array<i32>} : memref<125x80xi32, #tpu.memory_space<vmem>>, vector<1x16xi32>,
      %get3A_600 = vector.shape_cast %get3A_599 : vector<1x16xi32> to vector<16xi32>
      %add3A_601 = vector.broadcast %mul3A_2 : i32 to vector<16xi32>
      %add3A_602 = arith.addi %get3A_600, %add3A_601 : vector<16xi32>
      %swap3A_603 = arith.index_cast %add3A_567 : i32 to index
      %swap3A_604 = arith.constant 32 : index
      %swap3A_605 = tpu.vector_load %arg8[%swap3A_603, %swap3A_604] {strides = array<i32>} : memref<125x80xi32, #tpu.memory_space<vmem>>, vector<1x16xi32>,
      %swap3A_606 = vector.shape_cast %swap3A_605 : vector<1x16xi32> to vector<16xi32>
      %swap3A_607 = vector.shape_cast %add3A_602 : vector<16xi32> to vector<1x16xi32>
      tpu.vector_store %arg8[%swap3A_603, %swap3A_604], %swap3A_607 {strides = array<i32>} : memref<125x80xi32, #tpu.memory_space<vmem>>, vector<1x16xi32>,
      %get3A_608 = arith.index_cast %add3A_567 : i32 to index
      %get3A_609 = arith.constant 48 : index
      %get3A_610 = tpu.vector_load %arg8[%get3A_608, %get3A_609] {strides = array<i32>} : memref<125x80xi32, #tpu.memory_space<vmem>>, vector<1x16xi32>,
      %get3A_611 = vector.shape_cast %get3A_610 : vector<1x16xi32> to vector<16xi32>
      %add3A_612 = vector.broadcast %mul3A_2 : i32 to vector<16xi32>
      %add3A_613 = arith.addi %get3A_611, %add3A_612 : vector<16xi32>
      %swap3A_614 = arith.index_cast %add3A_567 : i32 to index
      %swap3A_615 = arith.constant 48 : index
      %swap3A_616 = tpu.vector_load %arg8[%swap3A_614, %swap3A_615] {strides = array<i32>} : memref<125x80xi32, #tpu.memory_space<vmem>>, vector<1x16xi32>,
      %swap3A_617 = vector.shape_cast %swap3A_616 : vector<1x16xi32> to vector<16xi32>
      %swap3A_618 = vector.shape_cast %add3A_613 : vector<16xi32> to vector<1x16xi32>
      tpu.vector_store %arg8[%swap3A_614, %swap3A_615], %swap3A_618 {strides = array<i32>} : memref<125x80xi32, #tpu.memory_space<vmem>>, vector<1x16xi32>,
      %get3A_619 = arith.index_cast %add3A_567 : i32 to index
      %get3A_620 = arith.constant 64 : index
      %get3A_621 = tpu.vector_load %arg8[%get3A_619, %get3A_620] {strides = array<i32>} : memref<125x80xi32, #tpu.memory_space<vmem>>, vector<1x16xi32>,
      %get3A_622 = vector.shape_cast %get3A_621 : vector<1x16xi32> to vector<16xi32>
      %add3A_623 = vector.broadcast %mul3A_2 : i32 to vector<16xi32>
      %add3A_624 = arith.addi %get3A_622, %add3A_623 : vector<16xi32>
      %swap3A_625 = arith.index_cast %add3A_567 : i32 to index
      %swap3A_626 = arith.constant 64 : index
      %swap3A_627 = tpu.vector_load %arg8[%swap3A_625, %swap3A_626] {strides = array<i32>} : memref<125x80xi32, #tpu.memory_space<vmem>>, vector<1x16xi32>,
      %swap3A_628 = vector.shape_cast %swap3A_627 : vector<1x16xi32> to vector<16xi32>
      %swap3A_629 = vector.shape_cast %add3A_624 : vector<16xi32> to vector<1x16xi32>
      tpu.vector_store %arg8[%swap3A_625, %swap3A_626], %swap3A_629 {strides = array<i32>} : memref<125x80xi32, #tpu.memory_space<vmem>>, vector<1x16xi32>,
      %dma_start3A_630 = arith.constant 0 : i32
      %dma_start3A_631 = tpu.memref_slice %arg8[%add3A_567, %dma_start3A_630] : memref<125x80xi32, #tpu.memory_space<vmem>> -> memref<1x80xi32, #tpu.memory_space<vmem>>
      %dma_start3A_632 = tpu.memref_squeeze %dma_start3A_631 : memref<1x80xi32, #tpu.memory_space<vmem>> -> memref<80xi32, #tpu.memory_space<vmem>>
      %dma_start3A_633 = arith.constant 0 : i32
      %dma_start3A_634 = arith.constant 0 : i32
      %dma_start3A_635 = tpu.memref_slice %arg2[%dma_start3A_633, %dma_start3A_634] : memref<20000x128xbf16, #tpu.memory_space<hbm>> -> memref<20000x128xbf16, #tpu.memory_space<hbm>>
      tpu.enqueue_indirect_dma source(%dma_start3A_635 : memref<20000x128xbf16, #tpu.memory_space<hbm>>) target(%arg10 : memref<80x128xbf16, #tpu.memory_space<vmem>>) offsets(%dma_start3A_632 : memref<80xi32, #tpu.memory_space<vmem>>) semaphore(%arg15 : memref<!tpu.dma_semaphore, #tpu.memory_space<semaphore_mem>>)
      %add3A_636 = arith.constant 1 : i32
      %add3A_637 = arith.addi %scan3A_476, %add3A_636 : i32
      %mul3A_638 = arith.constant 5 : i32
      %mul3A_639 = arith.muli %add3A_637, %mul3A_638 : i32
      %add3A_640 = arith.constant 1 : i32
      %add3A_641 = arith.addi %mul3A_639, %add3A_640 : i32
      %dma_wait3A_642 = arith.constant 0 : i32
      %dma_wait3A_643 = arith.constant 0 : i32
      %dma_wait3A_644 = tpu.memref_slice %arg9[%dma_wait3A_642, %dma_wait3A_643] : memref<125x80xi32, #tpu.memory_space<vmem>> -> memref<1x80xi32, #tpu.memory_space<vmem>>
      %dma_wait3A_645 = tpu.memref_squeeze %dma_wait3A_644 : memref<1x80xi32, #tpu.memory_space<vmem>> -> memref<80xi32, #tpu.memory_space<vmem>>
      %dma_wait3A_646 = arith.constant 0 : i32
      %dma_wait3A_647 = arith.constant 0 : i32
      %dma_wait3A_648 = tpu.memref_slice %arg25[%dma_wait3A_646, %dma_wait3A_647] : memref<10240x128xbf16, #tpu.memory_space<vmem_shared>> -> memref<10240x128xbf16, #tpu.memory_space<vmem_shared>>
      tpu.wait_indirect_dma semaphore(%arg21 : memref<!tpu.dma_semaphore, #tpu.memory_space<semaphore_mem>>) src(%arg11 : memref<80x128xbf16, #tpu.memory_space<vmem>>) dst(%dma_wait3A_648 : memref<10240x128xbf16, #tpu.memory_space<vmem_shared>>)
      %get3A_649 = arith.index_cast %add3A_641 : i32 to index
      %get3A_650 = arith.constant 0 : index
      %get3A_651 = tpu.vector_load %arg8[%get3A_649, %get3A_650] {strides = array<i32>} : memref<125x80xi32, #tpu.memory_space<vmem>>, vector<1x16xi32>,
      %get3A_652 = vector.shape_cast %get3A_651 : vector<1x16xi32> to vector<16xi32>
      %add3A_653 = vector.broadcast %mul3A_2 : i32 to vector<16xi32>
      %add3A_654 = arith.addi %get3A_652, %add3A_653 : vector<16xi32>
      %swap3A_655 = arith.index_cast %add3A_641 : i32 to index
      %swap3A_656 = arith.constant 0 : index
      %swap3A_657 = tpu.vector_load %arg8[%swap3A_655, %swap3A_656] {strides = array<i32>} : memref<125x80xi32, #tpu.memory_space<vmem>>, vector<1x16xi32>,
      %swap3A_658 = vector.shape_cast %swap3A_657 : vector<1x16xi32> to vector<16xi32>
      %swap3A_659 = vector.shape_cast %add3A_654 : vector<16xi32> to vector<1x16xi32>
      tpu.vector_store %arg8[%swap3A_655, %swap3A_656], %swap3A_659 {strides = array<i32>} : memref<125x80xi32, #tpu.memory_space<vmem>>, vector<1x16xi32>,
      %get3A_660 = arith.index_cast %add3A_641 : i32 to index
      %get3A_661 = arith.constant 16 : index
      %get3A_662 = tpu.vector_load %arg8[%get3A_660, %get3A_661] {strides = array<i32>} : memref<125x80xi32, #tpu.memory_space<vmem>>, vector<1x16xi32>,
      %get3A_663 = vector.shape_cast %get3A_662 : vector<1x16xi32> to vector<16xi32>
      %add3A_664 = vector.broadcast %mul3A_2 : i32 to vector<16xi32>
      %add3A_665 = arith.addi %get3A_663, %add3A_664 : vector<16xi32>
      %swap3A_666 = arith.index_cast %add3A_641 : i32 to index
      %swap3A_667 = arith.constant 16 : index
      %swap3A_668 = tpu.vector_load %arg8[%swap3A_666, %swap3A_667] {strides = array<i32>} : memref<125x80xi32, #tpu.memory_space<vmem>>, vector<1x16xi32>,
      %swap3A_669 = vector.shape_cast %swap3A_668 : vector<1x16xi32> to vector<16xi32>
      %swap3A_670 = vector.shape_cast %add3A_665 : vector<16xi32> to vector<1x16xi32>
      tpu.vector_store %arg8[%swap3A_666, %swap3A_667], %swap3A_670 {strides = array<i32>} : memref<125x80xi32, #tpu.memory_space<vmem>>, vector<1x16xi32>,
      %get3A_671 = arith.index_cast %add3A_641 : i32 to index
      %get3A_672 = arith.constant 32 : index
      %get3A_673 = tpu.vector_load %arg8[%get3A_671, %get3A_672] {strides = array<i32>} : memref<125x80xi32, #tpu.memory_space<vmem>>, vector<1x16xi32>,
      %get3A_674 = vector.shape_cast %get3A_673 : vector<1x16xi32> to vector<16xi32>
      %add3A_675 = vector.broadcast %mul3A_2 : i32 to vector<16xi32>
      %add3A_676 = arith.addi %get3A_674, %add3A_675 : vector<16xi32>
      %swap3A_677 = arith.index_cast %add3A_641 : i32 to index
      %swap3A_678 = arith.constant 32 : index
      %swap3A_679 = tpu.vector_load %arg8[%swap3A_677, %swap3A_678] {strides = array<i32>} : memref<125x80xi32, #tpu.memory_space<vmem>>, vector<1x16xi32>,
      %swap3A_680 = vector.shape_cast %swap3A_679 : vector<1x16xi32> to vector<16xi32>
      %swap3A_681 = vector.shape_cast %add3A_676 : vector<16xi32> to vector<1x16xi32>
      tpu.vector_store %arg8[%swap3A_677, %swap3A_678], %swap3A_681 {strides = array<i32>} : memref<125x80xi32, #tpu.memory_space<vmem>>, vector<1x16xi32>,
      %get3A_682 = arith.index_cast %add3A_641 : i32 to index
      %get3A_683 = arith.constant 48 : index
      %get3A_684 = tpu.vector_load %arg8[%get3A_682, %get3A_683] {strides = array<i32>} : memref<125x80xi32, #tpu.memory_space<vmem>>, vector<1x16xi32>,
      %get3A_685 = vector.shape_cast %get3A_684 : vector<1x16xi32> to vector<16xi32>
      %add3A_686 = vector.broadcast %mul3A_2 : i32 to vector<16xi32>
      %add3A_687 = arith.addi %get3A_685, %add3A_686 : vector<16xi32>
      %swap3A_688 = arith.index_cast %add3A_641 : i32 to index
      %swap3A_689 = arith.constant 48 : index
      %swap3A_690 = tpu.vector_load %arg8[%swap3A_688, %swap3A_689] {strides = array<i32>} : memref<125x80xi32, #tpu.memory_space<vmem>>, vector<1x16xi32>,
      %swap3A_691 = vector.shape_cast %swap3A_690 : vector<1x16xi32> to vector<16xi32>
      %swap3A_692 = vector.shape_cast %add3A_687 : vector<16xi32> to vector<1x16xi32>
      tpu.vector_store %arg8[%swap3A_688, %swap3A_689], %swap3A_692 {strides = array<i32>} : memref<125x80xi32, #tpu.memory_space<vmem>>, vector<1x16xi32>,
      %get3A_693 = arith.index_cast %add3A_641 : i32 to index
      %get3A_694 = arith.constant 64 : index
      %get3A_695 = tpu.vector_load %arg8[%get3A_693, %get3A_694] {strides = array<i32>} : memref<125x80xi32, #tpu.memory_space<vmem>>, vector<1x16xi32>,
      %get3A_696 = vector.shape_cast %get3A_695 : vector<1x16xi32> to vector<16xi32>
      %add3A_697 = vector.broadcast %mul3A_2 : i32 to vector<16xi32>
      %add3A_698 = arith.addi %get3A_696, %add3A_697 : vector<16xi32>
      %swap3A_699 = arith.index_cast %add3A_641 : i32 to index
      %swap3A_700 = arith.constant 64 : index
      %swap3A_701 = tpu.vector_load %arg8[%swap3A_699, %swap3A_700] {strides = array<i32>} : memref<125x80xi32, #tpu.memory_space<vmem>>, vector<1x16xi32>,
      %swap3A_702 = vector.shape_cast %swap3A_701 : vector<1x16xi32> to vector<16xi32>
      %swap3A_703 = vector.shape_cast %add3A_698 : vector<16xi32> to vector<1x16xi32>
      tpu.vector_store %arg8[%swap3A_699, %swap3A_700], %swap3A_703 {strides = array<i32>} : memref<125x80xi32, #tpu.memory_space<vmem>>, vector<1x16xi32>,
      %dma_start3A_704 = arith.constant 0 : i32
      %dma_start3A_705 = tpu.memref_slice %arg8[%add3A_641, %dma_start3A_704] : memref<125x80xi32, #tpu.memory_space<vmem>> -> memref<1x80xi32, #tpu.memory_space<vmem>>
      %dma_start3A_706 = tpu.memref_squeeze %dma_start3A_705 : memref<1x80xi32, #tpu.memory_space<vmem>> -> memref<80xi32, #tpu.memory_space<vmem>>
      %dma_start3A_707 = arith.constant 0 : i32
      %dma_start3A_708 = arith.constant 0 : i32
      %dma_start3A_709 = tpu.memref_slice %arg2[%dma_start3A_707, %dma_start3A_708] : memref<20000x128xbf16, #tpu.memory_space<hbm>> -> memref<20000x128xbf16, #tpu.memory_space<hbm>>
      tpu.enqueue_indirect_dma source(%dma_start3A_709 : memref<20000x128xbf16, #tpu.memory_space<hbm>>) target(%arg11 : memref<80x128xbf16, #tpu.memory_space<vmem>>) offsets(%dma_start3A_706 : memref<80xi32, #tpu.memory_space<vmem>>) semaphore(%arg16 : memref<!tpu.dma_semaphore, #tpu.memory_space<semaphore_mem>>)
      %add3A_710 = arith.constant 1 : i32
      %add3A_711 = arith.addi %scan3A_476, %add3A_710 : i32
      %mul3A_712 = arith.constant 5 : i32
      %mul3A_713 = arith.muli %add3A_711, %mul3A_712 : i32
      %add3A_714 = arith.constant 2 : i32
      %add3A_715 = arith.addi %mul3A_713, %add3A_714 : i32
      %dma_wait3A_716 = arith.constant 0 : i32
      %dma_wait3A_717 = arith.constant 0 : i32
      %dma_wait3A_718 = tpu.memref_slice %arg9[%dma_wait3A_716, %dma_wait3A_717] : memref<125x80xi32, #tpu.memory_space<vmem>> -> memref<1x80xi32, #tpu.memory_space<vmem>>
      %dma_wait3A_719 = tpu.memref_squeeze %dma_wait3A_718 : memref<1x80xi32, #tpu.memory_space<vmem>> -> memref<80xi32, #tpu.memory_space<vmem>>
      %dma_wait3A_720 = arith.constant 0 : i32
      %dma_wait3A_721 = arith.constant 0 : i32
      %dma_wait3A_722 = tpu.memref_slice %arg25[%dma_wait3A_720, %dma_wait3A_721] : memref<10240x128xbf16, #tpu.memory_space<vmem_shared>> -> memref<10240x128xbf16, #tpu.memory_space<vmem_shared>>
      tpu.wait_indirect_dma semaphore(%arg22 : memref<!tpu.dma_semaphore, #tpu.memory_space<semaphore_mem>>) src(%arg12 : memref<80x128xbf16, #tpu.memory_space<vmem>>) dst(%dma_wait3A_722 : memref<10240x128xbf16, #tpu.memory_space<vmem_shared>>)
      %get3A_723 = arith.index_cast %add3A_715 : i32 to index
      %get3A_724 = arith.constant 0 : index
      %get3A_725 = tpu.vector_load %arg8[%get3A_723, %get3A_724] {strides = array<i32>} : memref<125x80xi32, #tpu.memory_space<vmem>>, vector<1x16xi32>,
      %get3A_726 = vector.shape_cast %get3A_725 : vector<1x16xi32> to vector<16xi32>
      %add3A_727 = vector.broadcast %mul3A_2 : i32 to vector<16xi32>
      %add3A_728 = arith.addi %get3A_726, %add3A_727 : vector<16xi32>
      %swap3A_729 = arith.index_cast %add3A_715 : i32 to index
      %swap3A_730 = arith.constant 0 : index
      %swap3A_731 = tpu.vector_load %arg8[%swap3A_729, %swap3A_730] {strides = array<i32>} : memref<125x80xi32, #tpu.memory_space<vmem>>, vector<1x16xi32>,
      %swap3A_732 = vector.shape_cast %swap3A_731 : vector<1x16xi32> to vector<16xi32>
      %swap3A_733 = vector.shape_cast %add3A_728 : vector<16xi32> to vector<1x16xi32>
      tpu.vector_store %arg8[%swap3A_729, %swap3A_730], %swap3A_733 {strides = array<i32>} : memref<125x80xi32, #tpu.memory_space<vmem>>, vector<1x16xi32>,
      %get3A_734 = arith.index_cast %add3A_715 : i32 to index
      %get3A_735 = arith.constant 16 : index
      %get3A_736 = tpu.vector_load %arg8[%get3A_734, %get3A_735] {strides = array<i32>} : memref<125x80xi32, #tpu.memory_space<vmem>>, vector<1x16xi32>,
      %get3A_737 = vector.shape_cast %get3A_736 : vector<1x16xi32> to vector<16xi32>
      %add3A_738 = vector.broadcast %mul3A_2 : i32 to vector<16xi32>
      %add3A_739 = arith.addi %get3A_737, %add3A_738 : vector<16xi32>
      %swap3A_740 = arith.index_cast %add3A_715 : i32 to index
      %swap3A_741 = arith.constant 16 : index
      %swap3A_742 = tpu.vector_load %arg8[%swap3A_740, %swap3A_741] {strides = array<i32>} : memref<125x80xi32, #tpu.memory_space<vmem>>, vector<1x16xi32>,
      %swap3A_743 = vector.shape_cast %swap3A_742 : vector<1x16xi32> to vector<16xi32>
      %swap3A_744 = vector.shape_cast %add3A_739 : vector<16xi32> to vector<1x16xi32>
      tpu.vector_store %arg8[%swap3A_740, %swap3A_741], %swap3A_744 {strides = array<i32>} : memref<125x80xi32, #tpu.memory_space<vmem>>, vector<1x16xi32>,
      %get3A_745 = arith.index_cast %add3A_715 : i32 to index
      %get3A_746 = arith.constant 32 : index
      %get3A_747 = tpu.vector_load %arg8[%get3A_745, %get3A_746] {strides = array<i32>} : memref<125x80xi32, #tpu.memory_space<vmem>>, vector<1x16xi32>,
      %get3A_748 = vector.shape_cast %get3A_747 : vector<1x16xi32> to vector<16xi32>
      %add3A_749 = vector.broadcast %mul3A_2 : i32 to vector<16xi32>
      %add3A_750 = arith.addi %get3A_748, %add3A_749 : vector<16xi32>
      %swap3A_751 = arith.index_cast %add3A_715 : i32 to index
      %swap3A_752 = arith.constant 32 : index
      %swap3A_753 = tpu.vector_load %arg8[%swap3A_751, %swap3A_752] {strides = array<i32>} : memref<125x80xi32, #tpu.memory_space<vmem>>, vector<1x16xi32>,
      %swap3A_754 = vector.shape_cast %swap3A_753 : vector<1x16xi32> to vector<16xi32>
      %swap3A_755 = vector.shape_cast %add3A_750 : vector<16xi32> to vector<1x16xi32>
      tpu.vector_store %arg8[%swap3A_751, %swap3A_752], %swap3A_755 {strides = array<i32>} : memref<125x80xi32, #tpu.memory_space<vmem>>, vector<1x16xi32>,
      %get3A_756 = arith.index_cast %add3A_715 : i32 to index
      %get3A_757 = arith.constant 48 : index
      %get3A_758 = tpu.vector_load %arg8[%get3A_756, %get3A_757] {strides = array<i32>} : memref<125x80xi32, #tpu.memory_space<vmem>>, vector<1x16xi32>,
      %get3A_759 = vector.shape_cast %get3A_758 : vector<1x16xi32> to vector<16xi32>
      %add3A_760 = vector.broadcast %mul3A_2 : i32 to vector<16xi32>
      %add3A_761 = arith.addi %get3A_759, %add3A_760 : vector<16xi32>
      %swap3A_762 = arith.index_cast %add3A_715 : i32 to index
      %swap3A_763 = arith.constant 48 : index
      %swap3A_764 = tpu.vector_load %arg8[%swap3A_762, %swap3A_763] {strides = array<i32>} : memref<125x80xi32, #tpu.memory_space<vmem>>, vector<1x16xi32>,
      %swap3A_765 = vector.shape_cast %swap3A_764 : vector<1x16xi32> to vector<16xi32>
      %swap3A_766 = vector.shape_cast %add3A_761 : vector<16xi32> to vector<1x16xi32>
      tpu.vector_store %arg8[%swap3A_762, %swap3A_763], %swap3A_766 {strides = array<i32>} : memref<125x80xi32, #tpu.memory_space<vmem>>, vector<1x16xi32>,
      %get3A_767 = arith.index_cast %add3A_715 : i32 to index
      %get3A_768 = arith.constant 64 : index
      %get3A_769 = tpu.vector_load %arg8[%get3A_767, %get3A_768] {strides = array<i32>} : memref<125x80xi32, #tpu.memory_space<vmem>>, vector<1x16xi32>,
      %get3A_770 = vector.shape_cast %get3A_769 : vector<1x16xi32> to vector<16xi32>
      %add3A_771 = vector.broadcast %mul3A_2 : i32 to vector<16xi32>
      %add3A_772 = arith.addi %get3A_770, %add3A_771 : vector<16xi32>
      %swap3A_773 = arith.index_cast %add3A_715 : i32 to index
      %swap3A_774 = arith.constant 64 : index
      %swap3A_775 = tpu.vector_load %arg8[%swap3A_773, %swap3A_774] {strides = array<i32>} : memref<125x80xi32, #tpu.memory_space<vmem>>, vector<1x16xi32>,
      %swap3A_776 = vector.shape_cast %swap3A_775 : vector<1x16xi32> to vector<16xi32>
      %swap3A_777 = vector.shape_cast %add3A_772 : vector<16xi32> to vector<1x16xi32>
      tpu.vector_store %arg8[%swap3A_773, %swap3A_774], %swap3A_777 {strides = array<i32>} : memref<125x80xi32, #tpu.memory_space<vmem>>, vector<1x16xi32>,
      %dma_start3A_778 = arith.constant 0 : i32
      %dma_start3A_779 = tpu.memref_slice %arg8[%add3A_715, %dma_start3A_778] : memref<125x80xi32, #tpu.memory_space<vmem>> -> memref<1x80xi32, #tpu.memory_space<vmem>>
      %dma_start3A_780 = tpu.memref_squeeze %dma_start3A_779 : memref<1x80xi32, #tpu.memory_space<vmem>> -> memref<80xi32, #tpu.memory_space<vmem>>
      %dma_start3A_781 = arith.constant 0 : i32
      %dma_start3A_782 = arith.constant 0 : i32
      %dma_start3A_783 = tpu.memref_slice %arg2[%dma_start3A_781, %dma_start3A_782] : memref<20000x128xbf16, #tpu.memory_space<hbm>> -> memref<20000x128xbf16, #tpu.memory_space<hbm>>
      tpu.enqueue_indirect_dma source(%dma_start3A_783 : memref<20000x128xbf16, #tpu.memory_space<hbm>>) target(%arg12 : memref<80x128xbf16, #tpu.memory_space<vmem>>) offsets(%dma_start3A_780 : memref<80xi32, #tpu.memory_space<vmem>>) semaphore(%arg17 : memref<!tpu.dma_semaphore, #tpu.memory_space<semaphore_mem>>)
      %add3A_784 = arith.constant 1 : i32
      %add3A_785 = arith.addi %scan3A_476, %add3A_784 : i32
      %mul3A_786 = arith.constant 5 : i32
      %mul3A_787 = arith.muli %add3A_785, %mul3A_786 : i32
      %add3A_788 = arith.constant 3 : i32
      %add3A_789 = arith.addi %mul3A_787, %add3A_788 : i32
      %dma_wait3A_790 = arith.constant 0 : i32
      %dma_wait3A_791 = arith.constant 0 : i32
      %dma_wait3A_792 = tpu.memref_slice %arg9[%dma_wait3A_790, %dma_wait3A_791] : memref<125x80xi32, #tpu.memory_space<vmem>> -> memref<1x80xi32, #tpu.memory_space<vmem>>
      %dma_wait3A_793 = tpu.memref_squeeze %dma_wait3A_792 : memref<1x80xi32, #tpu.memory_space<vmem>> -> memref<80xi32, #tpu.memory_space<vmem>>
      %dma_wait3A_794 = arith.constant 0 : i32
      %dma_wait3A_795 = arith.constant 0 : i32
      %dma_wait3A_796 = tpu.memref_slice %arg25[%dma_wait3A_794, %dma_wait3A_795] : memref<10240x128xbf16, #tpu.memory_space<vmem_shared>> -> memref<10240x128xbf16, #tpu.memory_space<vmem_shared>>
      tpu.wait_indirect_dma semaphore(%arg23 : memref<!tpu.dma_semaphore, #tpu.memory_space<semaphore_mem>>) src(%arg13 : memref<80x128xbf16, #tpu.memory_space<vmem>>) dst(%dma_wait3A_796 : memref<10240x128xbf16, #tpu.memory_space<vmem_shared>>)
      %get3A_797 = arith.index_cast %add3A_789 : i32 to index
      %get3A_798 = arith.constant 0 : index
      %get3A_799 = tpu.vector_load %arg8[%get3A_797, %get3A_798] {strides = array<i32>} : memref<125x80xi32, #tpu.memory_space<vmem>>, vector<1x16xi32>,
      %get3A_800 = vector.shape_cast %get3A_799 : vector<1x16xi32> to vector<16xi32>
      %add3A_801 = vector.broadcast %mul3A_2 : i32 to vector<16xi32>
      %add3A_802 = arith.addi %get3A_800, %add3A_801 : vector<16xi32>
      %swap3A_803 = arith.index_cast %add3A_789 : i32 to index
      %swap3A_804 = arith.constant 0 : index
      %swap3A_805 = tpu.vector_load %arg8[%swap3A_803, %swap3A_804] {strides = array<i32>} : memref<125x80xi32, #tpu.memory_space<vmem>>, vector<1x16xi32>,
      %swap3A_806 = vector.shape_cast %swap3A_805 : vector<1x16xi32> to vector<16xi32>
      %swap3A_807 = vector.shape_cast %add3A_802 : vector<16xi32> to vector<1x16xi32>
      tpu.vector_store %arg8[%swap3A_803, %swap3A_804], %swap3A_807 {strides = array<i32>} : memref<125x80xi32, #tpu.memory_space<vmem>>, vector<1x16xi32>,
      %get3A_808 = arith.index_cast %add3A_789 : i32 to index
      %get3A_809 = arith.constant 16 : index
      %get3A_810 = tpu.vector_load %arg8[%get3A_808, %get3A_809] {strides = array<i32>} : memref<125x80xi32, #tpu.memory_space<vmem>>, vector<1x16xi32>,
      %get3A_811 = vector.shape_cast %get3A_810 : vector<1x16xi32> to vector<16xi32>
      %add3A_812 = vector.broadcast %mul3A_2 : i32 to vector<16xi32>
      %add3A_813 = arith.addi %get3A_811, %add3A_812 : vector<16xi32>
      %swap3A_814 = arith.index_cast %add3A_789 : i32 to index
      %swap3A_815 = arith.constant 16 : index
      %swap3A_816 = tpu.vector_load %arg8[%swap3A_814, %swap3A_815] {strides = array<i32>} : memref<125x80xi32, #tpu.memory_space<vmem>>, vector<1x16xi32>,
      %swap3A_817 = vector.shape_cast %swap3A_816 : vector<1x16xi32> to vector<16xi32>
      %swap3A_818 = vector.shape_cast %add3A_813 : vector<16xi32> to vector<1x16xi32>
      tpu.vector_store %arg8[%swap3A_814, %swap3A_815], %swap3A_818 {strides = array<i32>} : memref<125x80xi32, #tpu.memory_space<vmem>>, vector<1x16xi32>,
      %get3A_819 = arith.index_cast %add3A_789 : i32 to index
      %get3A_820 = arith.constant 32 : index
      %get3A_821 = tpu.vector_load %arg8[%get3A_819, %get3A_820] {strides = array<i32>} : memref<125x80xi32, #tpu.memory_space<vmem>>, vector<1x16xi32>,
      %get3A_822 = vector.shape_cast %get3A_821 : vector<1x16xi32> to vector<16xi32>
      %add3A_823 = vector.broadcast %mul3A_2 : i32 to vector<16xi32>
      %add3A_824 = arith.addi %get3A_822, %add3A_823 : vector<16xi32>
      %swap3A_825 = arith.index_cast %add3A_789 : i32 to index
      %swap3A_826 = arith.constant 32 : index
      %swap3A_827 = tpu.vector_load %arg8[%swap3A_825, %swap3A_826] {strides = array<i32>} : memref<125x80xi32, #tpu.memory_space<vmem>>, vector<1x16xi32>,
      %swap3A_828 = vector.shape_cast %swap3A_827 : vector<1x16xi32> to vector<16xi32>
      %swap3A_829 = vector.shape_cast %add3A_824 : vector<16xi32> to vector<1x16xi32>
      tpu.vector_store %arg8[%swap3A_825, %swap3A_826], %swap3A_829 {strides = array<i32>} : memref<125x80xi32, #tpu.memory_space<vmem>>, vector<1x16xi32>,
      %get3A_830 = arith.index_cast %add3A_789 : i32 to index
      %get3A_831 = arith.constant 48 : index
      %get3A_832 = tpu.vector_load %arg8[%get3A_830, %get3A_831] {strides = array<i32>} : memref<125x80xi32, #tpu.memory_space<vmem>>, vector<1x16xi32>,
      %get3A_833 = vector.shape_cast %get3A_832 : vector<1x16xi32> to vector<16xi32>
      %add3A_834 = vector.broadcast %mul3A_2 : i32 to vector<16xi32>
      %add3A_835 = arith.addi %get3A_833, %add3A_834 : vector<16xi32>
      %swap3A_836 = arith.index_cast %add3A_789 : i32 to index
      %swap3A_837 = arith.constant 48 : index
      %swap3A_838 = tpu.vector_load %arg8[%swap3A_836, %swap3A_837] {strides = array<i32>} : memref<125x80xi32, #tpu.memory_space<vmem>>, vector<1x16xi32>,
      %swap3A_839 = vector.shape_cast %swap3A_838 : vector<1x16xi32> to vector<16xi32>
      %swap3A_840 = vector.shape_cast %add3A_835 : vector<16xi32> to vector<1x16xi32>
      tpu.vector_store %arg8[%swap3A_836, %swap3A_837], %swap3A_840 {strides = array<i32>} : memref<125x80xi32, #tpu.memory_space<vmem>>, vector<1x16xi32>,
      %get3A_841 = arith.index_cast %add3A_789 : i32 to index
      %get3A_842 = arith.constant 64 : index
      %get3A_843 = tpu.vector_load %arg8[%get3A_841, %get3A_842] {strides = array<i32>} : memref<125x80xi32, #tpu.memory_space<vmem>>, vector<1x16xi32>,
      %get3A_844 = vector.shape_cast %get3A_843 : vector<1x16xi32> to vector<16xi32>
      %add3A_845 = vector.broadcast %mul3A_2 : i32 to vector<16xi32>
      %add3A_846 = arith.addi %get3A_844, %add3A_845 : vector<16xi32>
      %swap3A_847 = arith.index_cast %add3A_789 : i32 to index
      %swap3A_848 = arith.constant 64 : index
      %swap3A_849 = tpu.vector_load %arg8[%swap3A_847, %swap3A_848] {strides = array<i32>} : memref<125x80xi32, #tpu.memory_space<vmem>>, vector<1x16xi32>,
      %swap3A_850 = vector.shape_cast %swap3A_849 : vector<1x16xi32> to vector<16xi32>
      %swap3A_851 = vector.shape_cast %add3A_846 : vector<16xi32> to vector<1x16xi32>
      tpu.vector_store %arg8[%swap3A_847, %swap3A_848], %swap3A_851 {strides = array<i32>} : memref<125x80xi32, #tpu.memory_space<vmem>>, vector<1x16xi32>,
      %dma_start3A_852 = arith.constant 0 : i32
      %dma_start3A_853 = tpu.memref_slice %arg8[%add3A_789, %dma_start3A_852] : memref<125x80xi32, #tpu.memory_space<vmem>> -> memref<1x80xi32, #tpu.memory_space<vmem>>
      %dma_start3A_854 = tpu.memref_squeeze %dma_start3A_853 : memref<1x80xi32, #tpu.memory_space<vmem>> -> memref<80xi32, #tpu.memory_space<vmem>>
      %dma_start3A_855 = arith.constant 0 : i32
      %dma_start3A_856 = arith.constant 0 : i32
      %dma_start3A_857 = tpu.memref_slice %arg2[%dma_start3A_855, %dma_start3A_856] : memref<20000x128xbf16, #tpu.memory_space<hbm>> -> memref<20000x128xbf16, #tpu.memory_space<hbm>>
      tpu.enqueue_indirect_dma source(%dma_start3A_857 : memref<20000x128xbf16, #tpu.memory_space<hbm>>) target(%arg13 : memref<80x128xbf16, #tpu.memory_space<vmem>>) offsets(%dma_start3A_854 : memref<80xi32, #tpu.memory_space<vmem>>) semaphore(%arg18 : memref<!tpu.dma_semaphore, #tpu.memory_space<semaphore_mem>>)
      %add3A_858 = arith.constant 1 : i32
      %add3A_859 = arith.addi %scan3A_476, %add3A_858 : i32
      %mul3A_860 = arith.constant 5 : i32
      %mul3A_861 = arith.muli %add3A_859, %mul3A_860 : i32
      %add3A_862 = arith.constant 4 : i32
      %add3A_863 = arith.addi %mul3A_861, %add3A_862 : i32
      %dma_wait3A_864 = arith.constant 0 : i32
      %dma_wait3A_865 = arith.constant 0 : i32
      %dma_wait3A_866 = tpu.memref_slice %arg9[%dma_wait3A_864, %dma_wait3A_865] : memref<125x80xi32, #tpu.memory_space<vmem>> -> memref<1x80xi32, #tpu.memory_space<vmem>>
      %dma_wait3A_867 = tpu.memref_squeeze %dma_wait3A_866 : memref<1x80xi32, #tpu.memory_space<vmem>> -> memref<80xi32, #tpu.memory_space<vmem>>
      %dma_wait3A_868 = arith.constant 0 : i32
      %dma_wait3A_869 = arith.constant 0 : i32
      %dma_wait3A_870 = tpu.memref_slice %arg25[%dma_wait3A_868, %dma_wait3A_869] : memref<10240x128xbf16, #tpu.memory_space<vmem_shared>> -> memref<10240x128xbf16, #tpu.memory_space<vmem_shared>>
      tpu.wait_indirect_dma semaphore(%arg24 : memref<!tpu.dma_semaphore, #tpu.memory_space<semaphore_mem>>) src(%arg14 : memref<80x128xbf16, #tpu.memory_space<vmem>>) dst(%dma_wait3A_870 : memref<10240x128xbf16, #tpu.memory_space<vmem_shared>>)
      %get3A_871 = arith.index_cast %add3A_863 : i32 to index
      %get3A_872 = arith.constant 0 : index
      %get3A_873 = tpu.vector_load %arg8[%get3A_871, %get3A_872] {strides = array<i32>} : memref<125x80xi32, #tpu.memory_space<vmem>>, vector<1x16xi32>,
      %get3A_874 = vector.shape_cast %get3A_873 : vector<1x16xi32> to vector<16xi32>
      %add3A_875 = vector.broadcast %mul3A_2 : i32 to vector<16xi32>
      %add3A_876 = arith.addi %get3A_874, %add3A_875 : vector<16xi32>
      %swap3A_877 = arith.index_cast %add3A_863 : i32 to index
      %swap3A_878 = arith.constant 0 : index
      %swap3A_879 = tpu.vector_load %arg8[%swap3A_877, %swap3A_878] {strides = array<i32>} : memref<125x80xi32, #tpu.memory_space<vmem>>, vector<1x16xi32>,
      %swap3A_880 = vector.shape_cast %swap3A_879 : vector<1x16xi32> to vector<16xi32>
      %swap3A_881 = vector.shape_cast %add3A_876 : vector<16xi32> to vector<1x16xi32>
      tpu.vector_store %arg8[%swap3A_877, %swap3A_878], %swap3A_881 {strides = array<i32>} : memref<125x80xi32, #tpu.memory_space<vmem>>, vector<1x16xi32>,
      %get3A_882 = arith.index_cast %add3A_863 : i32 to index
      %get3A_883 = arith.constant 16 : index
      %get3A_884 = tpu.vector_load %arg8[%get3A_882, %get3A_883] {strides = array<i32>} : memref<125x80xi32, #tpu.memory_space<vmem>>, vector<1x16xi32>,
      %get3A_885 = vector.shape_cast %get3A_884 : vector<1x16xi32> to vector<16xi32>
      %add3A_886 = vector.broadcast %mul3A_2 : i32 to vector<16xi32>
      %add3A_887 = arith.addi %get3A_885, %add3A_886 : vector<16xi32>
      %swap3A_888 = arith.index_cast %add3A_863 : i32 to index
      %swap3A_889 = arith.constant 16 : index
      %swap3A_890 = tpu.vector_load %arg8[%swap3A_888, %swap3A_889] {strides = array<i32>} : memref<125x80xi32, #tpu.memory_space<vmem>>, vector<1x16xi32>,
      %swap3A_891 = vector.shape_cast %swap3A_890 : vector<1x16xi32> to vector<16xi32>
      %swap3A_892 = vector.shape_cast %add3A_887 : vector<16xi32> to vector<1x16xi32>
      tpu.vector_store %arg8[%swap3A_888, %swap3A_889], %swap3A_892 {strides = array<i32>} : memref<125x80xi32, #tpu.memory_space<vmem>>, vector<1x16xi32>,
      %get3A_893 = arith.index_cast %add3A_863 : i32 to index
      %get3A_894 = arith.constant 32 : index
      %get3A_895 = tpu.vector_load %arg8[%get3A_893, %get3A_894] {strides = array<i32>} : memref<125x80xi32, #tpu.memory_space<vmem>>, vector<1x16xi32>,
      %get3A_896 = vector.shape_cast %get3A_895 : vector<1x16xi32> to vector<16xi32>
      %add3A_897 = vector.broadcast %mul3A_2 : i32 to vector<16xi32>
      %add3A_898 = arith.addi %get3A_896, %add3A_897 : vector<16xi32>
      %swap3A_899 = arith.index_cast %add3A_863 : i32 to index
      %swap3A_900 = arith.constant 32 : index
      %swap3A_901 = tpu.vector_load %arg8[%swap3A_899, %swap3A_900] {strides = array<i32>} : memref<125x80xi32, #tpu.memory_space<vmem>>, vector<1x16xi32>,
      %swap3A_902 = vector.shape_cast %swap3A_901 : vector<1x16xi32> to vector<16xi32>
      %swap3A_903 = vector.shape_cast %add3A_898 : vector<16xi32> to vector<1x16xi32>
      tpu.vector_store %arg8[%swap3A_899, %swap3A_900], %swap3A_903 {strides = array<i32>} : memref<125x80xi32, #tpu.memory_space<vmem>>, vector<1x16xi32>,
      %get3A_904 = arith.index_cast %add3A_863 : i32 to index
      %get3A_905 = arith.constant 48 : index
      %get3A_906 = tpu.vector_load %arg8[%get3A_904, %get3A_905] {strides = array<i32>} : memref<125x80xi32, #tpu.memory_space<vmem>>, vector<1x16xi32>,
      %get3A_907 = vector.shape_cast %get3A_906 : vector<1x16xi32> to vector<16xi32>
      %add3A_908 = vector.broadcast %mul3A_2 : i32 to vector<16xi32>
      %add3A_909 = arith.addi %get3A_907, %add3A_908 : vector<16xi32>
      %swap3A_910 = arith.index_cast %add3A_863 : i32 to index
      %swap3A_911 = arith.constant 48 : index
      %swap3A_912 = tpu.vector_load %arg8[%swap3A_910, %swap3A_911] {strides = array<i32>} : memref<125x80xi32, #tpu.memory_space<vmem>>, vector<1x16xi32>,
      %swap3A_913 = vector.shape_cast %swap3A_912 : vector<1x16xi32> to vector<16xi32>
      %swap3A_914 = vector.shape_cast %add3A_909 : vector<16xi32> to vector<1x16xi32>
      tpu.vector_store %arg8[%swap3A_910, %swap3A_911], %swap3A_914 {strides = array<i32>} : memref<125x80xi32, #tpu.memory_space<vmem>>, vector<1x16xi32>,
      %get3A_915 = arith.index_cast %add3A_863 : i32 to index
      %get3A_916 = arith.constant 64 : index
      %get3A_917 = tpu.vector_load %arg8[%get3A_915, %get3A_916] {strides = array<i32>} : memref<125x80xi32, #tpu.memory_space<vmem>>, vector<1x16xi32>,
      %get3A_918 = vector.shape_cast %get3A_917 : vector<1x16xi32> to vector<16xi32>
      %add3A_919 = vector.broadcast %mul3A_2 : i32 to vector<16xi32>
      %add3A_920 = arith.addi %get3A_918, %add3A_919 : vector<16xi32>
      %swap3A_921 = arith.index_cast %add3A_863 : i32 to index
      %swap3A_922 = arith.constant 64 : index
      %swap3A_923 = tpu.vector_load %arg8[%swap3A_921, %swap3A_922] {strides = array<i32>} : memref<125x80xi32, #tpu.memory_space<vmem>>, vector<1x16xi32>,
      %swap3A_924 = vector.shape_cast %swap3A_923 : vector<1x16xi32> to vector<16xi32>
      %swap3A_925 = vector.shape_cast %add3A_920 : vector<16xi32> to vector<1x16xi32>
      tpu.vector_store %arg8[%swap3A_921, %swap3A_922], %swap3A_925 {strides = array<i32>} : memref<125x80xi32, #tpu.memory_space<vmem>>, vector<1x16xi32>,
      %dma_start3A_926 = arith.constant 0 : i32
      %dma_start3A_927 = tpu.memref_slice %arg8[%add3A_863, %dma_start3A_926] : memref<125x80xi32, #tpu.memory_space<vmem>> -> memref<1x80xi32, #tpu.memory_space<vmem>>
      %dma_start3A_928 = tpu.memref_squeeze %dma_start3A_927 : memref<1x80xi32, #tpu.memory_space<vmem>> -> memref<80xi32, #tpu.memory_space<vmem>>
      %dma_start3A_929 = arith.constant 0 : i32
      %dma_start3A_930 = arith.constant 0 : i32
      %dma_start3A_931 = tpu.memref_slice %arg2[%dma_start3A_929, %dma_start3A_930] : memref<20000x128xbf16, #tpu.memory_space<hbm>> -> memref<20000x128xbf16, #tpu.memory_space<hbm>>
      tpu.enqueue_indirect_dma source(%dma_start3A_931 : memref<20000x128xbf16, #tpu.memory_space<hbm>>) target(%arg14 : memref<80x128xbf16, #tpu.memory_space<vmem>>) offsets(%dma_start3A_928 : memref<80xi32, #tpu.memory_space<vmem>>) semaphore(%arg19 : memref<!tpu.dma_semaphore, #tpu.memory_space<semaphore_mem>>)
    }
    %scan3A_363 = arith.constant 24 : i32
    %dma_wait3A = arith.constant 0 : i32
    %dma_wait3A_364 = arith.constant 0 : i32
    %dma_wait3A_365 = tpu.memref_slice %arg8[%dma_wait3A, %dma_wait3A_364] : memref<125x80xi32, #tpu.memory_space<vmem>> -> memref<1x80xi32, #tpu.memory_space<vmem>>
    %dma_wait3A_366 = tpu.memref_squeeze %dma_wait3A_365 : memref<1x80xi32, #tpu.memory_space<vmem>> -> memref<80xi32, #tpu.memory_space<vmem>>
    %dma_wait3A_367 = arith.constant 0 : i32
    %dma_wait3A_368 = arith.constant 0 : i32
    %dma_wait3A_369 = tpu.memref_slice %arg2[%dma_wait3A_367, %dma_wait3A_368] : memref<20000x128xbf16, #tpu.memory_space<hbm>> -> memref<20000x128xbf16, #tpu.memory_space<hbm>>
    tpu.wait_indirect_dma semaphore(%arg15 : memref<!tpu.dma_semaphore, #tpu.memory_space<semaphore_mem>>) src(%dma_wait3A_369 : memref<20000x128xbf16, #tpu.memory_space<hbm>>) dst(%arg10 : memref<80x128xbf16, #tpu.memory_space<vmem>>)
    %dma_start3A_370 = arith.constant 120 : i32
    %dma_start3A_371 = arith.constant 0 : i32
    %dma_start3A_372 = tpu.memref_slice %arg9[%dma_start3A_370, %dma_start3A_371] : memref<125x80xi32, #tpu.memory_space<vmem>> -> memref<1x80xi32, #tpu.memory_space<vmem>>
    %dma_start3A_373 = tpu.memref_squeeze %dma_start3A_372 : memref<1x80xi32, #tpu.memory_space<vmem>> -> memref<80xi32, #tpu.memory_space<vmem>>
    %dma_start3A_374 = arith.constant 0 : i32
    %dma_start3A_375 = arith.constant 0 : i32
    %dma_start3A_376 = tpu.memref_slice %arg25[%dma_start3A_374, %dma_start3A_375] : memref<10240x128xbf16, #tpu.memory_space<vmem_shared>> -> memref<10240x128xbf16, #tpu.memory_space<vmem_shared>>
    tpu.enqueue_indirect_dma source(%arg10 : memref<80x128xbf16, #tpu.memory_space<vmem>>) target(%dma_start3A_376 : memref<10240x128xbf16, #tpu.memory_space<vmem_shared>>) offsets(%dma_start3A_373 : memref<80xi32, #tpu.memory_space<vmem>>) semaphore(%arg20 : memref<!tpu.dma_semaphore, #tpu.memory_space<semaphore_mem>>) {add = true}
    %dma_wait3A_377 = arith.constant 0 : i32
    %dma_wait3A_378 = arith.constant 0 : i32
    %dma_wait3A_379 = tpu.memref_slice %arg8[%dma_wait3A_377, %dma_wait3A_378] : memref<125x80xi32, #tpu.memory_space<vmem>> -> memref<1x80xi32, #tpu.memory_space<vmem>>
    %dma_wait3A_380 = tpu.memref_squeeze %dma_wait3A_379 : memref<1x80xi32, #tpu.memory_space<vmem>> -> memref<80xi32, #tpu.memory_space<vmem>>
    %dma_wait3A_381 = arith.constant 0 : i32
    %dma_wait3A_382 = arith.constant 0 : i32
    %dma_wait3A_383 = tpu.memref_slice %arg2[%dma_wait3A_381, %dma_wait3A_382] : memref<20000x128xbf16, #tpu.memory_space<hbm>> -> memref<20000x128xbf16, #tpu.memory_space<hbm>>
    tpu.wait_indirect_dma semaphore(%arg16 : memref<!tpu.dma_semaphore, #tpu.memory_space<semaphore_mem>>) src(%dma_wait3A_383 : memref<20000x128xbf16, #tpu.memory_space<hbm>>) dst(%arg11 : memref<80x128xbf16, #tpu.memory_space<vmem>>)
    %dma_start3A_384 = arith.constant 121 : i32
    %dma_start3A_385 = arith.constant 0 : i32
    %dma_start3A_386 = tpu.memref_slice %arg9[%dma_start3A_384, %dma_start3A_385] : memref<125x80xi32, #tpu.memory_space<vmem>> -> memref<1x80xi32, #tpu.memory_space<vmem>>
    %dma_start3A_387 = tpu.memref_squeeze %dma_start3A_386 : memref<1x80xi32, #tpu.memory_space<vmem>> -> memref<80xi32, #tpu.memory_space<vmem>>
    %dma_start3A_388 = arith.constant 0 : i32
    %dma_start3A_389 = arith.constant 0 : i32
    %dma_start3A_390 = tpu.memref_slice %arg25[%dma_start3A_388, %dma_start3A_389] : memref<10240x128xbf16, #tpu.memory_space<vmem_shared>> -> memref<10240x128xbf16, #tpu.memory_space<vmem_shared>>
    tpu.enqueue_indirect_dma source(%arg11 : memref<80x128xbf16, #tpu.memory_space<vmem>>) target(%dma_start3A_390 : memref<10240x128xbf16, #tpu.memory_space<vmem_shared>>) offsets(%dma_start3A_387 : memref<80xi32, #tpu.memory_space<vmem>>) semaphore(%arg21 : memref<!tpu.dma_semaphore, #tpu.memory_space<semaphore_mem>>) {add = true}
    %dma_wait3A_391 = arith.constant 0 : i32
    %dma_wait3A_392 = arith.constant 0 : i32
    %dma_wait3A_393 = tpu.memref_slice %arg8[%dma_wait3A_391, %dma_wait3A_392] : memref<125x80xi32, #tpu.memory_space<vmem>> -> memref<1x80xi32, #tpu.memory_space<vmem>>
    %dma_wait3A_394 = tpu.memref_squeeze %dma_wait3A_393 : memref<1x80xi32, #tpu.memory_space<vmem>> -> memref<80xi32, #tpu.memory_space<vmem>>
    %dma_wait3A_395 = arith.constant 0 : i32
    %dma_wait3A_396 = arith.constant 0 : i32
    %dma_wait3A_397 = tpu.memref_slice %arg2[%dma_wait3A_395, %dma_wait3A_396] : memref<20000x128xbf16, #tpu.memory_space<hbm>> -> memref<20000x128xbf16, #tpu.memory_space<hbm>>
    tpu.wait_indirect_dma semaphore(%arg17 : memref<!tpu.dma_semaphore, #tpu.memory_space<semaphore_mem>>) src(%dma_wait3A_397 : memref<20000x128xbf16, #tpu.memory_space<hbm>>) dst(%arg12 : memref<80x128xbf16, #tpu.memory_space<vmem>>)
    %dma_start3A_398 = arith.constant 122 : i32
    %dma_start3A_399 = arith.constant 0 : i32
    %dma_start3A_400 = tpu.memref_slice %arg9[%dma_start3A_398, %dma_start3A_399] : memref<125x80xi32, #tpu.memory_space<vmem>> -> memref<1x80xi32, #tpu.memory_space<vmem>>
    %dma_start3A_401 = tpu.memref_squeeze %dma_start3A_400 : memref<1x80xi32, #tpu.memory_space<vmem>> -> memref<80xi32, #tpu.memory_space<vmem>>
    %dma_start3A_402 = arith.constant 0 : i32
    %dma_start3A_403 = arith.constant 0 : i32
    %dma_start3A_404 = tpu.memref_slice %arg25[%dma_start3A_402, %dma_start3A_403] : memref<10240x128xbf16, #tpu.memory_space<vmem_shared>> -> memref<10240x128xbf16, #tpu.memory_space<vmem_shared>>
    tpu.enqueue_indirect_dma source(%arg12 : memref<80x128xbf16, #tpu.memory_space<vmem>>) target(%dma_start3A_404 : memref<10240x128xbf16, #tpu.memory_space<vmem_shared>>) offsets(%dma_start3A_401 : memref<80xi32, #tpu.memory_space<vmem>>) semaphore(%arg22 : memref<!tpu.dma_semaphore, #tpu.memory_space<semaphore_mem>>) {add = true}
    %dma_wait3A_405 = arith.constant 0 : i32
    %dma_wait3A_406 = arith.constant 0 : i32
    %dma_wait3A_407 = tpu.memref_slice %arg8[%dma_wait3A_405, %dma_wait3A_406] : memref<125x80xi32, #tpu.memory_space<vmem>> -> memref<1x80xi32, #tpu.memory_space<vmem>>
    %dma_wait3A_408 = tpu.memref_squeeze %dma_wait3A_407 : memref<1x80xi32, #tpu.memory_space<vmem>> -> memref<80xi32, #tpu.memory_space<vmem>>
    %dma_wait3A_409 = arith.constant 0 : i32
    %dma_wait3A_410 = arith.constant 0 : i32
    %dma_wait3A_411 = tpu.memref_slice %arg2[%dma_wait3A_409, %dma_wait3A_410] : memref<20000x128xbf16, #tpu.memory_space<hbm>> -> memref<20000x128xbf16, #tpu.memory_space<hbm>>
    tpu.wait_indirect_dma semaphore(%arg18 : memref<!tpu.dma_semaphore, #tpu.memory_space<semaphore_mem>>) src(%dma_wait3A_411 : memref<20000x128xbf16, #tpu.memory_space<hbm>>) dst(%arg13 : memref<80x128xbf16, #tpu.memory_space<vmem>>)
    %dma_start3A_412 = arith.constant 123 : i32
    %dma_start3A_413 = arith.constant 0 : i32
    %dma_start3A_414 = tpu.memref_slice %arg9[%dma_start3A_412, %dma_start3A_413] : memref<125x80xi32, #tpu.memory_space<vmem>> -> memref<1x80xi32, #tpu.memory_space<vmem>>
    %dma_start3A_415 = tpu.memref_squeeze %dma_start3A_414 : memref<1x80xi32, #tpu.memory_space<vmem>> -> memref<80xi32, #tpu.memory_space<vmem>>
    %dma_start3A_416 = arith.constant 0 : i32
    %dma_start3A_417 = arith.constant 0 : i32
    %dma_start3A_418 = tpu.memref_slice %arg25[%dma_start3A_416, %dma_start3A_417] : memref<10240x128xbf16, #tpu.memory_space<vmem_shared>> -> memref<10240x128xbf16, #tpu.memory_space<vmem_shared>>
    tpu.enqueue_indirect_dma source(%arg13 : memref<80x128xbf16, #tpu.memory_space<vmem>>) target(%dma_start3A_418 : memref<10240x128xbf16, #tpu.memory_space<vmem_shared>>) offsets(%dma_start3A_415 : memref<80xi32, #tpu.memory_space<vmem>>) semaphore(%arg23 : memref<!tpu.dma_semaphore, #tpu.memory_space<semaphore_mem>>) {add = true}
    %dma_wait3A_419 = arith.constant 0 : i32
    %dma_wait3A_420 = arith.constant 0 : i32
    %dma_wait3A_421 = tpu.memref_slice %arg8[%dma_wait3A_419, %dma_wait3A_420] : memref<125x80xi32, #tpu.memory_space<vmem>> -> memref<1x80xi32, #tpu.memory_space<vmem>>
    %dma_wait3A_422 = tpu.memref_squeeze %dma_wait3A_421 : memref<1x80xi32, #tpu.memory_space<vmem>> -> memref<80xi32, #tpu.memory_space<vmem>>
    %dma_wait3A_423 = arith.constant 0 : i32
    %dma_wait3A_424 = arith.constant 0 : i32
    %dma_wait3A_425 = tpu.memref_slice %arg2[%dma_wait3A_423, %dma_wait3A_424] : memref<20000x128xbf16, #tpu.memory_space<hbm>> -> memref<20000x128xbf16, #tpu.memory_space<hbm>>
    tpu.wait_indirect_dma semaphore(%arg19 : memref<!tpu.dma_semaphore, #tpu.memory_space<semaphore_mem>>) src(%dma_wait3A_425 : memref<20000x128xbf16, #tpu.memory_space<hbm>>) dst(%arg14 : memref<80x128xbf16, #tpu.memory_space<vmem>>)
    %dma_start3A_426 = arith.constant 124 : i32
    %dma_start3A_427 = arith.constant 0 : i32
    %dma_start3A_428 = tpu.memref_slice %arg9[%dma_start3A_426, %dma_start3A_427] : memref<125x80xi32, #tpu.memory_space<vmem>> -> memref<1x80xi32, #tpu.memory_space<vmem>>
    %dma_start3A_429 = tpu.memref_squeeze %dma_start3A_428 : memref<1x80xi32, #tpu.memory_space<vmem>> -> memref<80xi32, #tpu.memory_space<vmem>>
    %dma_start3A_430 = arith.constant 0 : i32
    %dma_start3A_431 = arith.constant 0 : i32
    %dma_start3A_432 = tpu.memref_slice %arg25[%dma_start3A_430, %dma_start3A_431] : memref<10240x128xbf16, #tpu.memory_space<vmem_shared>> -> memref<10240x128xbf16, #tpu.memory_space<vmem_shared>>
    tpu.enqueue_indirect_dma source(%arg14 : memref<80x128xbf16, #tpu.memory_space<vmem>>) target(%dma_start3A_432 : memref<10240x128xbf16, #tpu.memory_space<vmem_shared>>) offsets(%dma_start3A_429 : memref<80xi32, #tpu.memory_space<vmem>>) semaphore(%arg24 : memref<!tpu.dma_semaphore, #tpu.memory_space<semaphore_mem>>) {add = true}
    %dma_wait3A_433 = arith.constant 0 : i32
    %dma_wait3A_434 = arith.constant 0 : i32
    %dma_wait3A_435 = tpu.memref_slice %arg9[%dma_wait3A_433, %dma_wait3A_434] : memref<125x80xi32, #tpu.memory_space<vmem>> -> memref<1x80xi32, #tpu.memory_space<vmem>>
    %dma_wait3A_436 = tpu.memref_squeeze %dma_wait3A_435 : memref<1x80xi32, #tpu.memory_space<vmem>> -> memref<80xi32, #tpu.memory_space<vmem>>
    %dma_wait3A_437 = arith.constant 0 : i32
    %dma_wait3A_438 = arith.constant 0 : i32
    %dma_wait3A_439 = tpu.memref_slice %arg25[%dma_wait3A_437, %dma_wait3A_438] : memref<10240x128xbf16, #tpu.memory_space<vmem_shared>> -> memref<10240x128xbf16, #tpu.memory_space<vmem_shared>>
    tpu.wait_indirect_dma semaphore(%arg20 : memref<!tpu.dma_semaphore, #tpu.memory_space<semaphore_mem>>) src(%arg10 : memref<80x128xbf16, #tpu.memory_space<vmem>>) dst(%dma_wait3A_439 : memref<10240x128xbf16, #tpu.memory_space<vmem_shared>>)
    %dma_wait3A_440 = arith.constant 0 : i32
    %dma_wait3A_441 = arith.constant 0 : i32
    %dma_wait3A_442 = tpu.memref_slice %arg9[%dma_wait3A_440, %dma_wait3A_441] : memref<125x80xi32, #tpu.memory_space<vmem>> -> memref<1x80xi32, #tpu.memory_space<vmem>>
    %dma_wait3A_443 = tpu.memref_squeeze %dma_wait3A_442 : memref<1x80xi32, #tpu.memory_space<vmem>> -> memref<80xi32, #tpu.memory_space<vmem>>
    %dma_wait3A_444 = arith.constant 0 : i32
    %dma_wait3A_445 = arith.constant 0 : i32
    %dma_wait3A_446 = tpu.memref_slice %arg25[%dma_wait3A_444, %dma_wait3A_445] : memref<10240x128xbf16, #tpu.memory_space<vmem_shared>> -> memref<10240x128xbf16, #tpu.memory_space<vmem_shared>>
    tpu.wait_indirect_dma semaphore(%arg21 : memref<!tpu.dma_semaphore, #tpu.memory_space<semaphore_mem>>) src(%arg11 : memref<80x128xbf16, #tpu.memory_space<vmem>>) dst(%dma_wait3A_446 : memref<10240x128xbf16, #tpu.memory_space<vmem_shared>>)
    %dma_wait3A_447 = arith.constant 0 : i32
    %dma_wait3A_448 = arith.constant 0 : i32
    %dma_wait3A_449 = tpu.memref_slice %arg9[%dma_wait3A_447, %dma_wait3A_448] : memref<125x80xi32, #tpu.memory_space<vmem>> -> memref<1x80xi32, #tpu.memory_space<vmem>>
    %dma_wait3A_450 = tpu.memref_squeeze %dma_wait3A_449 : memref<1x80xi32, #tpu.memory_space<vmem>> -> memref<80xi32, #tpu.memory_space<vmem>>
    %dma_wait3A_451 = arith.constant 0 : i32
    %dma_wait3A_452 = arith.constant 0 : i32
    %dma_wait3A_453 = tpu.memref_slice %arg25[%dma_wait3A_451, %dma_wait3A_452] : memref<10240x128xbf16, #tpu.memory_space<vmem_shared>> -> memref<10240x128xbf16, #tpu.memory_space<vmem_shared>>
    tpu.wait_indirect_dma semaphore(%arg22 : memref<!tpu.dma_semaphore, #tpu.memory_space<semaphore_mem>>) src(%arg12 : memref<80x128xbf16, #tpu.memory_space<vmem>>) dst(%dma_wait3A_453 : memref<10240x128xbf16, #tpu.memory_space<vmem_shared>>)
    %dma_wait3A_454 = arith.constant 0 : i32
    %dma_wait3A_455 = arith.constant 0 : i32
    %dma_wait3A_456 = tpu.memref_slice %arg9[%dma_wait3A_454, %dma_wait3A_455] : memref<125x80xi32, #tpu.memory_space<vmem>> -> memref<1x80xi32, #tpu.memory_space<vmem>>
    %dma_wait3A_457 = tpu.memref_squeeze %dma_wait3A_456 : memref<1x80xi32, #tpu.memory_space<vmem>> -> memref<80xi32, #tpu.memory_space<vmem>>
    %dma_wait3A_458 = arith.constant 0 : i32
    %dma_wait3A_459 = arith.constant 0 : i32
    %dma_wait3A_460 = tpu.memref_slice %arg25[%dma_wait3A_458, %dma_wait3A_459] : memref<10240x128xbf16, #tpu.memory_space<vmem_shared>> -> memref<10240x128xbf16, #tpu.memory_space<vmem_shared>>
    tpu.wait_indirect_dma semaphore(%arg23 : memref<!tpu.dma_semaphore, #tpu.memory_space<semaphore_mem>>) src(%arg13 : memref<80x128xbf16, #tpu.memory_space<vmem>>) dst(%dma_wait3A_460 : memref<10240x128xbf16, #tpu.memory_space<vmem_shared>>)
    %dma_wait3A_461 = arith.constant 0 : i32
    %dma_wait3A_462 = arith.constant 0 : i32
    %dma_wait3A_463 = tpu.memref_slice %arg9[%dma_wait3A_461, %dma_wait3A_462] : memref<125x80xi32, #tpu.memory_space<vmem>> -> memref<1x80xi32, #tpu.memory_space<vmem>>
    %dma_wait3A_464 = tpu.memref_squeeze %dma_wait3A_463 : memref<1x80xi32, #tpu.memory_space<vmem>> -> memref<80xi32, #tpu.memory_space<vmem>>
    %dma_wait3A_465 = arith.constant 0 : i32
    %dma_wait3A_466 = arith.constant 0 : i32
    %dma_wait3A_467 = tpu.memref_slice %arg25[%dma_wait3A_465, %dma_wait3A_466] : memref<10240x128xbf16, #tpu.memory_space<vmem_shared>> -> memref<10240x128xbf16, #tpu.memory_space<vmem_shared>>
    tpu.wait_indirect_dma semaphore(%arg24 : memref<!tpu.dma_semaphore, #tpu.memory_space<semaphore_mem>>) src(%arg14 : memref<80x128xbf16, #tpu.memory_space<vmem>>) dst(%dma_wait3A_467 : memref<10240x128xbf16, #tpu.memory_space<vmem_shared>>)
    %barrier3A_468 = arith.constant 0 : index
    tpu.barrier barrier_id(%barrier3A_468)
    %eq3A = arith.constant 0 : i32
    %eq3A_469 = arith.cmpi eq, %arg0, %eq3A : i32
    %convert_element_type3A = arith.extui %eq3A_469 : i1 to i32
    %cond3A = arith.constant 0 : i32
    %cond3A_470 = arith.cmpi ne, %convert_element_type3A, %cond3A : i32
    scf.if %cond3A_470 {
      "tpu.region"() ({
        %run_scoped3A = tpu.sem_alloc : memref<!tpu.dma_semaphore, #tpu.memory_space<semaphore_mem>>
        %dma_start3A_476 = arith.constant 0 : i32
        %dma_start3A_477 = tpu.memref_slice %arg6[%mul3A_0, %dma_start3A_476] : memref<10240x128xbf16, #tpu.memory_space<hbm>> -> memref<640x128xbf16, #tpu.memory_space<hbm>>
        %dma_start3A_478 = arith.constant 0 : i32
        %dma_start3A_479 = tpu.memref_slice %arg25[%mul3A_0, %dma_start3A_478] : memref<10240x128xbf16, #tpu.memory_space<vmem_shared>> -> memref<640x128xbf16, #tpu.memory_space<vmem_shared>>
        tpu.enqueue_dma source(%dma_start3A_479 : memref<640x128xbf16, #tpu.memory_space<vmem_shared>>) target(%dma_start3A_477 : memref<640x128xbf16, #tpu.memory_space<hbm>>) target_semaphore(%run_scoped3A : memref<!tpu.dma_semaphore, #tpu.memory_space<semaphore_mem>>)
        %dma_wait3A_480 = arith.constant 0 : i32
        %dma_wait3A_481 = tpu.memref_slice %arg6[%mul3A_0, %dma_wait3A_480] : memref<10240x128xbf16, #tpu.memory_space<hbm>> -> memref<640x128xbf16, #tpu.memory_space<hbm>>
        %dma_wait3A_482 = arith.constant 0 : i32
        %dma_wait3A_483 = tpu.memref_slice %arg25[%mul3A_0, %dma_wait3A_482] : memref<10240x128xbf16, #tpu.memory_space<vmem_shared>> -> memref<640x128xbf16, #tpu.memory_space<vmem_shared>>
        tpu.wait_dma2 semaphore(%run_scoped3A : memref<!tpu.dma_semaphore, #tpu.memory_space<semaphore_mem>>) src(%dma_wait3A_483 : memref<640x128xbf16, #tpu.memory_space<vmem_shared>>) dst(%dma_wait3A_481 : memref<640x128xbf16, #tpu.memory_space<hbm>>)
        tpu.yield
      }) : () -> ()
    } else {
    }
    %eq3A_471 = arith.constant 1 : i32
    %eq3A_472 = arith.cmpi eq, %arg0, %eq3A_471 : i32
    %convert_element_type3A_473 = arith.extui %eq3A_472 : i1 to i32
    %cond3A_474 = arith.constant 0 : i32
    %cond3A_475 = arith.cmpi ne, %convert_element_type3A_473, %cond3A_474 : i32
    scf.if %cond3A_475 {
      "tpu.region"() ({
        %run_scoped3A = tpu.sem_alloc : memref<!tpu.dma_semaphore, #tpu.memory_space<semaphore_mem>>
        %dma_start3A_476 = arith.constant 0 : i32
        %dma_start3A_477 = tpu.memref_slice %arg7[%mul3A_0, %dma_start3A_476] : memref<10240x128xbf16, #tpu.memory_space<hbm>> -> memref<640x128xbf16, #tpu.memory_space<hbm>>
        %dma_start3A_478 = arith.constant 0 : i32
        %dma_start3A_479 = tpu.memref_slice %arg25[%mul3A_0, %dma_start3A_478] : memref<10240x128xbf16, #tpu.memory_space<vmem_shared>> -> memref<640x128xbf16, #tpu.memory_space<vmem_shared>>
        tpu.enqueue_dma source(%dma_start3A_479 : memref<640x128xbf16, #tpu.memory_space<vmem_shared>>) target(%dma_start3A_477 : memref<640x128xbf16, #tpu.memory_space<hbm>>) target_semaphore(%run_scoped3A : memref<!tpu.dma_semaphore, #tpu.memory_space<semaphore_mem>>)
        %dma_wait3A_480 = arith.constant 0 : i32
        %dma_wait3A_481 = tpu.memref_slice %arg7[%mul3A_0, %dma_wait3A_480] : memref<10240x128xbf16, #tpu.memory_space<hbm>> -> memref<640x128xbf16, #tpu.memory_space<hbm>>
        %dma_wait3A_482 = arith.constant 0 : i32
        %dma_wait3A_483 = tpu.memref_slice %arg25[%mul3A_0, %dma_wait3A_482] : memref<10240x128xbf16, #tpu.memory_space<vmem_shared>> -> memref<640x128xbf16, #tpu.memory_space<vmem_shared>>
        tpu.wait_dma2 semaphore(%run_scoped3A : memref<!tpu.dma_semaphore, #tpu.memory_space<semaphore_mem>>) src(%dma_wait3A_483 : memref<640x128xbf16, #tpu.memory_space<vmem_shared>>) dst(%dma_wait3A_481 : memref<640x128xbf16, #tpu.memory_space<hbm>>)
        tpu.yield
      }) : () -> ()
    } else {
    }
    return
  }
}

#map = affine_map<(d0, d1) -> (0, 0)>
#map1 = affine_map<(d0, d1) -> (0, 0, 0)>
module attributes {stable_mosaic.version = 14 : i64} {
  func.func @kern(%arg0: i32, %arg1: i32, %arg2: memref<10000x16xf32, #tpu.memory_space<hbm>>, %arg3: memref<32x40x125xi32, #tpu.memory_space<hbm>>, %arg4: memref<32x40x125xi32, #tpu.memory_space<hbm>>, %arg5: memref<10112x16xf32, #tpu.memory_space<hbm>>, %arg6: memref<10112x128xf32, #tpu.memory_space<hbm>>, %arg7: memref<40x125xi32, #tpu.memory_space<vmem>>, %arg8: memref<40x125xi32, #tpu.memory_space<vmem>>, %arg9: memref<125x16xf32, #tpu.memory_space<vmem>>, %arg10: memref<125x16xf32, #tpu.memory_space<vmem>>, %arg11: memref<125x16xf32, #tpu.memory_space<vmem>>, %arg12: memref<125x16xf32, #tpu.memory_space<vmem>>, %arg13: memref<!tpu.dma_semaphore, #tpu.memory_space<semaphore_mem>>, %arg14: memref<!tpu.dma_semaphore, #tpu.memory_space<semaphore_mem>>, %arg15: memref<!tpu.dma_semaphore, #tpu.memory_space<semaphore_mem>>, %arg16: memref<!tpu.dma_semaphore, #tpu.memory_space<semaphore_mem>>, %arg17: memref<!tpu.dma_semaphore, #tpu.memory_space<semaphore_mem>>, %arg18: memref<!tpu.dma_semaphore, #tpu.memory_space<semaphore_mem>>, %arg19: memref<!tpu.dma_semaphore, #tpu.memory_space<semaphore_mem>>, %arg20: memref<!tpu.dma_semaphore, #tpu.memory_space<semaphore_mem>>, %arg21: memref<10112x16xf32, #tpu.memory_space<vmem_shared>>) attributes {dimension_semantics = [#tpu.dimension_semantics<core_parallel>, #tpu.dimension_semantics<subcore_parallel>], iteration_bounds = array<i64: 2, 16>, scalar_prefetch = 0 : i64, scratch_operands = 15 : i64, tpu.core_type = #tpu.core_type<sc_vector_subcore>, window_params = [{transform_indices = #map}, {transform_indices = #map1}, {transform_indices = #map1}, {transform_indices = #map}, {transform_indices = #map}]} {
    %mul3A = arith.constant 16 : i32
    %mul3A_0 = arith.muli %arg0, %mul3A : i32
    %add3A = arith.addi %mul3A_0, %arg1 : i32
    %mul3A_1 = arith.constant 632 : i32
    %mul3A_2 = arith.muli %arg1, %mul3A_1 : i32
    "tpu.region"() ({
      %run_scoped3A = tpu.sem_alloc : memref<!tpu.dma_semaphore, #tpu.memory_space<semaphore_mem>>
      %dma_start3A_121 = arith.constant 0 : i32
      %dma_start3A_122 = tpu.memref_slice %arg21[%mul3A_2, %dma_start3A_121] : memref<10112x16xf32, #tpu.memory_space<vmem_shared>> -> memref<632x16xf32, #tpu.memory_space<vmem_shared>>
      %dma_start3A_123 = arith.constant 0 : i32
      %dma_start3A_124 = tpu.memref_slice %arg5[%mul3A_2, %dma_start3A_123] : memref<10112x16xf32, #tpu.memory_space<hbm>> -> memref<632x16xf32, #tpu.memory_space<hbm>>
      tpu.enqueue_dma source(%dma_start3A_124 : memref<632x16xf32, #tpu.memory_space<hbm>>) target(%dma_start3A_122 : memref<632x16xf32, #tpu.memory_space<vmem_shared>>) target_semaphore(%run_scoped3A : memref<!tpu.dma_semaphore, #tpu.memory_space<semaphore_mem>>)
      %dma_wait3A_125 = arith.constant 0 : i32
      %dma_wait3A_126 = tpu.memref_slice %arg21[%mul3A_2, %dma_wait3A_125] : memref<10112x16xf32, #tpu.memory_space<vmem_shared>> -> memref<632x16xf32, #tpu.memory_space<vmem_shared>>
      %dma_wait3A_127 = arith.constant 0 : i32
      %dma_wait3A_128 = tpu.memref_slice %arg5[%mul3A_2, %dma_wait3A_127] : memref<10112x16xf32, #tpu.memory_space<hbm>> -> memref<632x16xf32, #tpu.memory_space<hbm>>
      tpu.wait_dma2 semaphore(%run_scoped3A : memref<!tpu.dma_semaphore, #tpu.memory_space<semaphore_mem>>) src(%dma_wait3A_128 : memref<632x16xf32, #tpu.memory_space<hbm>>) dst(%dma_wait3A_126 : memref<632x16xf32, #tpu.memory_space<vmem_shared>>)
      tpu.yield
    }) : () -> ()
    "tpu.region"() ({
      %run_scoped3A = tpu.sem_alloc : memref<!tpu.dma_semaphore, #tpu.memory_space<semaphore_mem>>
      %dma_start3A_121 = arith.constant 0 : i32
      %dma_start3A_122 = arith.constant 0 : i32
      %dma_start3A_123 = tpu.memref_slice %arg3[%add3A, %dma_start3A_121, %dma_start3A_122] : memref<32x40x125xi32, #tpu.memory_space<hbm>> -> memref<1x40x125xi32, #tpu.memory_space<hbm>>
      %dma_start3A_124 = tpu.memref_squeeze %dma_start3A_123 : memref<1x40x125xi32, #tpu.memory_space<hbm>> -> memref<40x125xi32, #tpu.memory_space<hbm>>
      %dma_start3A_125 = arith.constant 0 : i32
      %dma_start3A_126 = arith.constant 0 : i32
      %dma_start3A_127 = tpu.memref_slice %arg3[%add3A, %dma_start3A_125, %dma_start3A_126] : memref<32x40x125xi32, #tpu.memory_space<hbm>> -> memref<1x40x125xi32, #tpu.memory_space<hbm>>
      %dma_start3A_128 = tpu.memref_squeeze %dma_start3A_127 : memref<1x40x125xi32, #tpu.memory_space<hbm>> -> memref<40x125xi32, #tpu.memory_space<hbm>>
      tpu.enqueue_dma source(%dma_start3A_128 : memref<40x125xi32, #tpu.memory_space<hbm>>) target(%arg7 : memref<40x125xi32, #tpu.memory_space<vmem>>) target_semaphore(%run_scoped3A : memref<!tpu.dma_semaphore, #tpu.memory_space<semaphore_mem>>)
      %dma_wait3A_129 = arith.constant 0 : i32
      %dma_wait3A_130 = arith.constant 0 : i32
      %dma_wait3A_131 = tpu.memref_slice %arg3[%add3A, %dma_wait3A_129, %dma_wait3A_130] : memref<32x40x125xi32, #tpu.memory_space<hbm>> -> memref<1x40x125xi32, #tpu.memory_space<hbm>>
      %dma_wait3A_132 = tpu.memref_squeeze %dma_wait3A_131 : memref<1x40x125xi32, #tpu.memory_space<hbm>> -> memref<40x125xi32, #tpu.memory_space<hbm>>
      %dma_wait3A_133 = arith.constant 0 : i32
      %dma_wait3A_134 = arith.constant 0 : i32
      %dma_wait3A_135 = tpu.memref_slice %arg3[%add3A, %dma_wait3A_133, %dma_wait3A_134] : memref<32x40x125xi32, #tpu.memory_space<hbm>> -> memref<1x40x125xi32, #tpu.memory_space<hbm>>
      %dma_wait3A_136 = tpu.memref_squeeze %dma_wait3A_135 : memref<1x40x125xi32, #tpu.memory_space<hbm>> -> memref<40x125xi32, #tpu.memory_space<hbm>>
      tpu.wait_dma2 semaphore(%run_scoped3A : memref<!tpu.dma_semaphore, #tpu.memory_space<semaphore_mem>>) src(%dma_wait3A_136 : memref<40x125xi32, #tpu.memory_space<hbm>>) dst(%arg7 : memref<40x125xi32, #tpu.memory_space<vmem>>)
      tpu.yield
    }) : () -> ()
    "tpu.region"() ({
      %run_scoped3A = tpu.sem_alloc : memref<!tpu.dma_semaphore, #tpu.memory_space<semaphore_mem>>
      %dma_start3A_121 = arith.constant 0 : i32
      %dma_start3A_122 = arith.constant 0 : i32
      %dma_start3A_123 = tpu.memref_slice %arg4[%add3A, %dma_start3A_121, %dma_start3A_122] : memref<32x40x125xi32, #tpu.memory_space<hbm>> -> memref<1x40x125xi32, #tpu.memory_space<hbm>>
      %dma_start3A_124 = tpu.memref_squeeze %dma_start3A_123 : memref<1x40x125xi32, #tpu.memory_space<hbm>> -> memref<40x125xi32, #tpu.memory_space<hbm>>
      %dma_start3A_125 = arith.constant 0 : i32
      %dma_start3A_126 = arith.constant 0 : i32
      %dma_start3A_127 = tpu.memref_slice %arg4[%add3A, %dma_start3A_125, %dma_start3A_126] : memref<32x40x125xi32, #tpu.memory_space<hbm>> -> memref<1x40x125xi32, #tpu.memory_space<hbm>>
      %dma_start3A_128 = tpu.memref_squeeze %dma_start3A_127 : memref<1x40x125xi32, #tpu.memory_space<hbm>> -> memref<40x125xi32, #tpu.memory_space<hbm>>
      tpu.enqueue_dma source(%dma_start3A_128 : memref<40x125xi32, #tpu.memory_space<hbm>>) target(%arg8 : memref<40x125xi32, #tpu.memory_space<vmem>>) target_semaphore(%run_scoped3A : memref<!tpu.dma_semaphore, #tpu.memory_space<semaphore_mem>>)
      %dma_wait3A_129 = arith.constant 0 : i32
      %dma_wait3A_130 = arith.constant 0 : i32
      %dma_wait3A_131 = tpu.memref_slice %arg4[%add3A, %dma_wait3A_129, %dma_wait3A_130] : memref<32x40x125xi32, #tpu.memory_space<hbm>> -> memref<1x40x125xi32, #tpu.memory_space<hbm>>
      %dma_wait3A_132 = tpu.memref_squeeze %dma_wait3A_131 : memref<1x40x125xi32, #tpu.memory_space<hbm>> -> memref<40x125xi32, #tpu.memory_space<hbm>>
      %dma_wait3A_133 = arith.constant 0 : i32
      %dma_wait3A_134 = arith.constant 0 : i32
      %dma_wait3A_135 = tpu.memref_slice %arg4[%add3A, %dma_wait3A_133, %dma_wait3A_134] : memref<32x40x125xi32, #tpu.memory_space<hbm>> -> memref<1x40x125xi32, #tpu.memory_space<hbm>>
      %dma_wait3A_136 = tpu.memref_squeeze %dma_wait3A_135 : memref<1x40x125xi32, #tpu.memory_space<hbm>> -> memref<40x125xi32, #tpu.memory_space<hbm>>
      tpu.wait_dma2 semaphore(%run_scoped3A : memref<!tpu.dma_semaphore, #tpu.memory_space<semaphore_mem>>) src(%dma_wait3A_136 : memref<40x125xi32, #tpu.memory_space<hbm>>) dst(%arg8 : memref<40x125xi32, #tpu.memory_space<vmem>>)
      tpu.yield
    }) : () -> ()
    %barrier3A = arith.constant 0 : index
    tpu.barrier barrier_id(%barrier3A)
    %dma_start3A = arith.constant 0 : i32
    %dma_start3A_3 = arith.constant 0 : i32
    %dma_start3A_4 = tpu.memref_slice %arg7[%dma_start3A, %dma_start3A_3] : memref<40x125xi32, #tpu.memory_space<vmem>> -> memref<1x125xi32, #tpu.memory_space<vmem>>
    %dma_start3A_5 = tpu.memref_squeeze %dma_start3A_4 : memref<1x125xi32, #tpu.memory_space<vmem>> -> memref<125xi32, #tpu.memory_space<vmem>>
    %dma_start3A_6 = arith.constant 0 : i32
    %dma_start3A_7 = arith.constant 0 : i32
    %dma_start3A_8 = tpu.memref_slice %arg2[%dma_start3A_6, %dma_start3A_7] : memref<10000x16xf32, #tpu.memory_space<hbm>> -> memref<10000x16xf32, #tpu.memory_space<hbm>>
    tpu.enqueue_indirect_dma source(%dma_start3A_8 : memref<10000x16xf32, #tpu.memory_space<hbm>>) target(%arg9 : memref<125x16xf32, #tpu.memory_space<vmem>>) offsets(%dma_start3A_5 : memref<125xi32, #tpu.memory_space<vmem>>) semaphore(%arg13 : memref<!tpu.dma_semaphore, #tpu.memory_space<semaphore_mem>>)
    %dma_start3A_9 = arith.constant 1 : i32
    %dma_start3A_10 = arith.constant 0 : i32
    %dma_start3A_11 = tpu.memref_slice %arg7[%dma_start3A_9, %dma_start3A_10] : memref<40x125xi32, #tpu.memory_space<vmem>> -> memref<1x125xi32, #tpu.memory_space<vmem>>
    %dma_start3A_12 = tpu.memref_squeeze %dma_start3A_11 : memref<1x125xi32, #tpu.memory_space<vmem>> -> memref<125xi32, #tpu.memory_space<vmem>>
    %dma_start3A_13 = arith.constant 0 : i32
    %dma_start3A_14 = arith.constant 0 : i32
    %dma_start3A_15 = tpu.memref_slice %arg2[%dma_start3A_13, %dma_start3A_14] : memref<10000x16xf32, #tpu.memory_space<hbm>> -> memref<10000x16xf32, #tpu.memory_space<hbm>>
    tpu.enqueue_indirect_dma source(%dma_start3A_15 : memref<10000x16xf32, #tpu.memory_space<hbm>>) target(%arg10 : memref<125x16xf32, #tpu.memory_space<vmem>>) offsets(%dma_start3A_12 : memref<125xi32, #tpu.memory_space<vmem>>) semaphore(%arg14 : memref<!tpu.dma_semaphore, #tpu.memory_space<semaphore_mem>>)
    %dma_start3A_16 = arith.constant 2 : i32
    %dma_start3A_17 = arith.constant 0 : i32
    %dma_start3A_18 = tpu.memref_slice %arg7[%dma_start3A_16, %dma_start3A_17] : memref<40x125xi32, #tpu.memory_space<vmem>> -> memref<1x125xi32, #tpu.memory_space<vmem>>
    %dma_start3A_19 = tpu.memref_squeeze %dma_start3A_18 : memref<1x125xi32, #tpu.memory_space<vmem>> -> memref<125xi32, #tpu.memory_space<vmem>>
    %dma_start3A_20 = arith.constant 0 : i32
    %dma_start3A_21 = arith.constant 0 : i32
    %dma_start3A_22 = tpu.memref_slice %arg2[%dma_start3A_20, %dma_start3A_21] : memref<10000x16xf32, #tpu.memory_space<hbm>> -> memref<10000x16xf32, #tpu.memory_space<hbm>>
    tpu.enqueue_indirect_dma source(%dma_start3A_22 : memref<10000x16xf32, #tpu.memory_space<hbm>>) target(%arg11 : memref<125x16xf32, #tpu.memory_space<vmem>>) offsets(%dma_start3A_19 : memref<125xi32, #tpu.memory_space<vmem>>) semaphore(%arg15 : memref<!tpu.dma_semaphore, #tpu.memory_space<semaphore_mem>>)
    %dma_start3A_23 = arith.constant 3 : i32
    %dma_start3A_24 = arith.constant 0 : i32
    %dma_start3A_25 = tpu.memref_slice %arg7[%dma_start3A_23, %dma_start3A_24] : memref<40x125xi32, #tpu.memory_space<vmem>> -> memref<1x125xi32, #tpu.memory_space<vmem>>
    %dma_start3A_26 = tpu.memref_squeeze %dma_start3A_25 : memref<1x125xi32, #tpu.memory_space<vmem>> -> memref<125xi32, #tpu.memory_space<vmem>>
    %dma_start3A_27 = arith.constant 0 : i32
    %dma_start3A_28 = arith.constant 0 : i32
    %dma_start3A_29 = tpu.memref_slice %arg2[%dma_start3A_27, %dma_start3A_28] : memref<10000x16xf32, #tpu.memory_space<hbm>> -> memref<10000x16xf32, #tpu.memory_space<hbm>>
    tpu.enqueue_indirect_dma source(%dma_start3A_29 : memref<10000x16xf32, #tpu.memory_space<hbm>>) target(%arg12 : memref<125x16xf32, #tpu.memory_space<vmem>>) offsets(%dma_start3A_26 : memref<125xi32, #tpu.memory_space<vmem>>) semaphore(%arg16 : memref<!tpu.dma_semaphore, #tpu.memory_space<semaphore_mem>>)
    %scan3A = arith.constant 0 : i32
    %scan3A_30 = arith.constant 0 : i32
    %scan3A_31 = arith.constant 9 : i32
    %scan3A_32 = arith.addi %scan3A_30, %scan3A_31 : i32
    %scan3A_33 = arith.constant 1 : i32
    scf.for %scan3A_121 = %scan3A_30 to %scan3A_32 step %scan3A_33  : i32 {
      %mul3A_122 = arith.constant 4 : i32
      %mul3A_123 = arith.muli %scan3A_121, %mul3A_122 : i32
      %add3A_124 = arith.constant 0 : i32
      %add3A_125 = arith.addi %mul3A_123, %add3A_124 : i32
      %dma_wait3A_126 = arith.constant 0 : i32
      %dma_wait3A_127 = arith.constant 0 : i32
      %dma_wait3A_128 = tpu.memref_slice %arg7[%dma_wait3A_126, %dma_wait3A_127] : memref<40x125xi32, #tpu.memory_space<vmem>> -> memref<1x125xi32, #tpu.memory_space<vmem>>
      %dma_wait3A_129 = tpu.memref_squeeze %dma_wait3A_128 : memref<1x125xi32, #tpu.memory_space<vmem>> -> memref<125xi32, #tpu.memory_space<vmem>>
      %dma_wait3A_130 = arith.constant 0 : i32
      %dma_wait3A_131 = arith.constant 0 : i32
      %dma_wait3A_132 = tpu.memref_slice %arg2[%dma_wait3A_130, %dma_wait3A_131] : memref<10000x16xf32, #tpu.memory_space<hbm>> -> memref<10000x16xf32, #tpu.memory_space<hbm>>
      tpu.wait_indirect_dma semaphore(%arg13 : memref<!tpu.dma_semaphore, #tpu.memory_space<semaphore_mem>>) src(%dma_wait3A_132 : memref<10000x16xf32, #tpu.memory_space<hbm>>) dst(%arg9 : memref<125x16xf32, #tpu.memory_space<vmem>>)
      %dma_start3A_133 = arith.constant 0 : i32
      %dma_start3A_134 = tpu.memref_slice %arg8[%add3A_125, %dma_start3A_133] : memref<40x125xi32, #tpu.memory_space<vmem>> -> memref<1x125xi32, #tpu.memory_space<vmem>>
      %dma_start3A_135 = tpu.memref_squeeze %dma_start3A_134 : memref<1x125xi32, #tpu.memory_space<vmem>> -> memref<125xi32, #tpu.memory_space<vmem>>
      %dma_start3A_136 = arith.constant 0 : i32
      %dma_start3A_137 = arith.constant 0 : i32
      %dma_start3A_138 = tpu.memref_slice %arg21[%dma_start3A_136, %dma_start3A_137] : memref<10112x16xf32, #tpu.memory_space<vmem_shared>> -> memref<10112x16xf32, #tpu.memory_space<vmem_shared>>
      tpu.enqueue_indirect_dma source(%arg9 : memref<125x16xf32, #tpu.memory_space<vmem>>) target(%dma_start3A_138 : memref<10112x16xf32, #tpu.memory_space<vmem_shared>>) offsets(%dma_start3A_135 : memref<125xi32, #tpu.memory_space<vmem>>) semaphore(%arg17 : memref<!tpu.dma_semaphore, #tpu.memory_space<semaphore_mem>>) {add = true}
      %mul3A_139 = arith.constant 4 : i32
      %mul3A_140 = arith.muli %scan3A_121, %mul3A_139 : i32
      %add3A_141 = arith.constant 1 : i32
      %add3A_142 = arith.addi %mul3A_140, %add3A_141 : i32
      %dma_wait3A_143 = arith.constant 0 : i32
      %dma_wait3A_144 = arith.constant 0 : i32
      %dma_wait3A_145 = tpu.memref_slice %arg7[%dma_wait3A_143, %dma_wait3A_144] : memref<40x125xi32, #tpu.memory_space<vmem>> -> memref<1x125xi32, #tpu.memory_space<vmem>>
      %dma_wait3A_146 = tpu.memref_squeeze %dma_wait3A_145 : memref<1x125xi32, #tpu.memory_space<vmem>> -> memref<125xi32, #tpu.memory_space<vmem>>
      %dma_wait3A_147 = arith.constant 0 : i32
      %dma_wait3A_148 = arith.constant 0 : i32
      %dma_wait3A_149 = tpu.memref_slice %arg2[%dma_wait3A_147, %dma_wait3A_148] : memref<10000x16xf32, #tpu.memory_space<hbm>> -> memref<10000x16xf32, #tpu.memory_space<hbm>>
      tpu.wait_indirect_dma semaphore(%arg14 : memref<!tpu.dma_semaphore, #tpu.memory_space<semaphore_mem>>) src(%dma_wait3A_149 : memref<10000x16xf32, #tpu.memory_space<hbm>>) dst(%arg10 : memref<125x16xf32, #tpu.memory_space<vmem>>)
      %dma_start3A_150 = arith.constant 0 : i32
      %dma_start3A_151 = tpu.memref_slice %arg8[%add3A_142, %dma_start3A_150] : memref<40x125xi32, #tpu.memory_space<vmem>> -> memref<1x125xi32, #tpu.memory_space<vmem>>
      %dma_start3A_152 = tpu.memref_squeeze %dma_start3A_151 : memref<1x125xi32, #tpu.memory_space<vmem>> -> memref<125xi32, #tpu.memory_space<vmem>>
      %dma_start3A_153 = arith.constant 0 : i32
      %dma_start3A_154 = arith.constant 0 : i32
      %dma_start3A_155 = tpu.memref_slice %arg21[%dma_start3A_153, %dma_start3A_154] : memref<10112x16xf32, #tpu.memory_space<vmem_shared>> -> memref<10112x16xf32, #tpu.memory_space<vmem_shared>>
      tpu.enqueue_indirect_dma source(%arg10 : memref<125x16xf32, #tpu.memory_space<vmem>>) target(%dma_start3A_155 : memref<10112x16xf32, #tpu.memory_space<vmem_shared>>) offsets(%dma_start3A_152 : memref<125xi32, #tpu.memory_space<vmem>>) semaphore(%arg18 : memref<!tpu.dma_semaphore, #tpu.memory_space<semaphore_mem>>) {add = true}
      %mul3A_156 = arith.constant 4 : i32
      %mul3A_157 = arith.muli %scan3A_121, %mul3A_156 : i32
      %add3A_158 = arith.constant 2 : i32
      %add3A_159 = arith.addi %mul3A_157, %add3A_158 : i32
      %dma_wait3A_160 = arith.constant 0 : i32
      %dma_wait3A_161 = arith.constant 0 : i32
      %dma_wait3A_162 = tpu.memref_slice %arg7[%dma_wait3A_160, %dma_wait3A_161] : memref<40x125xi32, #tpu.memory_space<vmem>> -> memref<1x125xi32, #tpu.memory_space<vmem>>
      %dma_wait3A_163 = tpu.memref_squeeze %dma_wait3A_162 : memref<1x125xi32, #tpu.memory_space<vmem>> -> memref<125xi32, #tpu.memory_space<vmem>>
      %dma_wait3A_164 = arith.constant 0 : i32
      %dma_wait3A_165 = arith.constant 0 : i32
      %dma_wait3A_166 = tpu.memref_slice %arg2[%dma_wait3A_164, %dma_wait3A_165] : memref<10000x16xf32, #tpu.memory_space<hbm>> -> memref<10000x16xf32, #tpu.memory_space<hbm>>
      tpu.wait_indirect_dma semaphore(%arg15 : memref<!tpu.dma_semaphore, #tpu.memory_space<semaphore_mem>>) src(%dma_wait3A_166 : memref<10000x16xf32, #tpu.memory_space<hbm>>) dst(%arg11 : memref<125x16xf32, #tpu.memory_space<vmem>>)
      %dma_start3A_167 = arith.constant 0 : i32
      %dma_start3A_168 = tpu.memref_slice %arg8[%add3A_159, %dma_start3A_167] : memref<40x125xi32, #tpu.memory_space<vmem>> -> memref<1x125xi32, #tpu.memory_space<vmem>>
      %dma_start3A_169 = tpu.memref_squeeze %dma_start3A_168 : memref<1x125xi32, #tpu.memory_space<vmem>> -> memref<125xi32, #tpu.memory_space<vmem>>
      %dma_start3A_170 = arith.constant 0 : i32
      %dma_start3A_171 = arith.constant 0 : i32
      %dma_start3A_172 = tpu.memref_slice %arg21[%dma_start3A_170, %dma_start3A_171] : memref<10112x16xf32, #tpu.memory_space<vmem_shared>> -> memref<10112x16xf32, #tpu.memory_space<vmem_shared>>
      tpu.enqueue_indirect_dma source(%arg11 : memref<125x16xf32, #tpu.memory_space<vmem>>) target(%dma_start3A_172 : memref<10112x16xf32, #tpu.memory_space<vmem_shared>>) offsets(%dma_start3A_169 : memref<125xi32, #tpu.memory_space<vmem>>) semaphore(%arg19 : memref<!tpu.dma_semaphore, #tpu.memory_space<semaphore_mem>>) {add = true}
      %mul3A_173 = arith.constant 4 : i32
      %mul3A_174 = arith.muli %scan3A_121, %mul3A_173 : i32
      %add3A_175 = arith.constant 3 : i32
      %add3A_176 = arith.addi %mul3A_174, %add3A_175 : i32
      %dma_wait3A_177 = arith.constant 0 : i32
      %dma_wait3A_178 = arith.constant 0 : i32
      %dma_wait3A_179 = tpu.memref_slice %arg7[%dma_wait3A_177, %dma_wait3A_178] : memref<40x125xi32, #tpu.memory_space<vmem>> -> memref<1x125xi32, #tpu.memory_space<vmem>>
      %dma_wait3A_180 = tpu.memref_squeeze %dma_wait3A_179 : memref<1x125xi32, #tpu.memory_space<vmem>> -> memref<125xi32, #tpu.memory_space<vmem>>
      %dma_wait3A_181 = arith.constant 0 : i32
      %dma_wait3A_182 = arith.constant 0 : i32
      %dma_wait3A_183 = tpu.memref_slice %arg2[%dma_wait3A_181, %dma_wait3A_182] : memref<10000x16xf32, #tpu.memory_space<hbm>> -> memref<10000x16xf32, #tpu.memory_space<hbm>>
      tpu.wait_indirect_dma semaphore(%arg16 : memref<!tpu.dma_semaphore, #tpu.memory_space<semaphore_mem>>) src(%dma_wait3A_183 : memref<10000x16xf32, #tpu.memory_space<hbm>>) dst(%arg12 : memref<125x16xf32, #tpu.memory_space<vmem>>)
      %dma_start3A_184 = arith.constant 0 : i32
      %dma_start3A_185 = tpu.memref_slice %arg8[%add3A_176, %dma_start3A_184] : memref<40x125xi32, #tpu.memory_space<vmem>> -> memref<1x125xi32, #tpu.memory_space<vmem>>
      %dma_start3A_186 = tpu.memref_squeeze %dma_start3A_185 : memref<1x125xi32, #tpu.memory_space<vmem>> -> memref<125xi32, #tpu.memory_space<vmem>>
      %dma_start3A_187 = arith.constant 0 : i32
      %dma_start3A_188 = arith.constant 0 : i32
      %dma_start3A_189 = tpu.memref_slice %arg21[%dma_start3A_187, %dma_start3A_188] : memref<10112x16xf32, #tpu.memory_space<vmem_shared>> -> memref<10112x16xf32, #tpu.memory_space<vmem_shared>>
      tpu.enqueue_indirect_dma source(%arg12 : memref<125x16xf32, #tpu.memory_space<vmem>>) target(%dma_start3A_189 : memref<10112x16xf32, #tpu.memory_space<vmem_shared>>) offsets(%dma_start3A_186 : memref<125xi32, #tpu.memory_space<vmem>>) semaphore(%arg20 : memref<!tpu.dma_semaphore, #tpu.memory_space<semaphore_mem>>) {add = true}
      %dma_wait3A_190 = arith.constant 0 : i32
      %dma_wait3A_191 = arith.constant 0 : i32
      %dma_wait3A_192 = tpu.memref_slice %arg8[%dma_wait3A_190, %dma_wait3A_191] : memref<40x125xi32, #tpu.memory_space<vmem>> -> memref<1x125xi32, #tpu.memory_space<vmem>>
      %dma_wait3A_193 = tpu.memref_squeeze %dma_wait3A_192 : memref<1x125xi32, #tpu.memory_space<vmem>> -> memref<125xi32, #tpu.memory_space<vmem>>
      %dma_wait3A_194 = arith.constant 0 : i32
      %dma_wait3A_195 = arith.constant 0 : i32
      %dma_wait3A_196 = tpu.memref_slice %arg21[%dma_wait3A_194, %dma_wait3A_195] : memref<10112x16xf32, #tpu.memory_space<vmem_shared>> -> memref<10112x16xf32, #tpu.memory_space<vmem_shared>>
      tpu.wait_indirect_dma semaphore(%arg17 : memref<!tpu.dma_semaphore, #tpu.memory_space<semaphore_mem>>) src(%arg9 : memref<125x16xf32, #tpu.memory_space<vmem>>) dst(%dma_wait3A_196 : memref<10112x16xf32, #tpu.memory_space<vmem_shared>>)
      %add3A_197 = arith.constant 1 : i32
      %add3A_198 = arith.addi %scan3A_121, %add3A_197 : i32
      %mul3A_199 = arith.constant 4 : i32
      %mul3A_200 = arith.muli %add3A_198, %mul3A_199 : i32
      %add3A_201 = arith.constant 0 : i32
      %add3A_202 = arith.addi %mul3A_200, %add3A_201 : i32
      %dma_start3A_203 = arith.constant 0 : i32
      %dma_start3A_204 = tpu.memref_slice %arg7[%add3A_202, %dma_start3A_203] : memref<40x125xi32, #tpu.memory_space<vmem>> -> memref<1x125xi32, #tpu.memory_space<vmem>>
      %dma_start3A_205 = tpu.memref_squeeze %dma_start3A_204 : memref<1x125xi32, #tpu.memory_space<vmem>> -> memref<125xi32, #tpu.memory_space<vmem>>
      %dma_start3A_206 = arith.constant 0 : i32
      %dma_start3A_207 = arith.constant 0 : i32
      %dma_start3A_208 = tpu.memref_slice %arg2[%dma_start3A_206, %dma_start3A_207] : memref<10000x16xf32, #tpu.memory_space<hbm>> -> memref<10000x16xf32, #tpu.memory_space<hbm>>
      tpu.enqueue_indirect_dma source(%dma_start3A_208 : memref<10000x16xf32, #tpu.memory_space<hbm>>) target(%arg9 : memref<125x16xf32, #tpu.memory_space<vmem>>) offsets(%dma_start3A_205 : memref<125xi32, #tpu.memory_space<vmem>>) semaphore(%arg13 : memref<!tpu.dma_semaphore, #tpu.memory_space<semaphore_mem>>)
      %dma_wait3A_209 = arith.constant 0 : i32
      %dma_wait3A_210 = arith.constant 0 : i32
      %dma_wait3A_211 = tpu.memref_slice %arg8[%dma_wait3A_209, %dma_wait3A_210] : memref<40x125xi32, #tpu.memory_space<vmem>> -> memref<1x125xi32, #tpu.memory_space<vmem>>
      %dma_wait3A_212 = tpu.memref_squeeze %dma_wait3A_211 : memref<1x125xi32, #tpu.memory_space<vmem>> -> memref<125xi32, #tpu.memory_space<vmem>>
      %dma_wait3A_213 = arith.constant 0 : i32
      %dma_wait3A_214 = arith.constant 0 : i32
      %dma_wait3A_215 = tpu.memref_slice %arg21[%dma_wait3A_213, %dma_wait3A_214] : memref<10112x16xf32, #tpu.memory_space<vmem_shared>> -> memref<10112x16xf32, #tpu.memory_space<vmem_shared>>
      tpu.wait_indirect_dma semaphore(%arg18 : memref<!tpu.dma_semaphore, #tpu.memory_space<semaphore_mem>>) src(%arg10 : memref<125x16xf32, #tpu.memory_space<vmem>>) dst(%dma_wait3A_215 : memref<10112x16xf32, #tpu.memory_space<vmem_shared>>)
      %add3A_216 = arith.constant 1 : i32
      %add3A_217 = arith.addi %scan3A_121, %add3A_216 : i32
      %mul3A_218 = arith.constant 4 : i32
      %mul3A_219 = arith.muli %add3A_217, %mul3A_218 : i32
      %add3A_220 = arith.constant 1 : i32
      %add3A_221 = arith.addi %mul3A_219, %add3A_220 : i32
      %dma_start3A_222 = arith.constant 0 : i32
      %dma_start3A_223 = tpu.memref_slice %arg7[%add3A_221, %dma_start3A_222] : memref<40x125xi32, #tpu.memory_space<vmem>> -> memref<1x125xi32, #tpu.memory_space<vmem>>
      %dma_start3A_224 = tpu.memref_squeeze %dma_start3A_223 : memref<1x125xi32, #tpu.memory_space<vmem>> -> memref<125xi32, #tpu.memory_space<vmem>>
      %dma_start3A_225 = arith.constant 0 : i32
      %dma_start3A_226 = arith.constant 0 : i32
      %dma_start3A_227 = tpu.memref_slice %arg2[%dma_start3A_225, %dma_start3A_226] : memref<10000x16xf32, #tpu.memory_space<hbm>> -> memref<10000x16xf32, #tpu.memory_space<hbm>>
      tpu.enqueue_indirect_dma source(%dma_start3A_227 : memref<10000x16xf32, #tpu.memory_space<hbm>>) target(%arg10 : memref<125x16xf32, #tpu.memory_space<vmem>>) offsets(%dma_start3A_224 : memref<125xi32, #tpu.memory_space<vmem>>) semaphore(%arg14 : memref<!tpu.dma_semaphore, #tpu.memory_space<semaphore_mem>>)
      %dma_wait3A_228 = arith.constant 0 : i32
      %dma_wait3A_229 = arith.constant 0 : i32
      %dma_wait3A_230 = tpu.memref_slice %arg8[%dma_wait3A_228, %dma_wait3A_229] : memref<40x125xi32, #tpu.memory_space<vmem>> -> memref<1x125xi32, #tpu.memory_space<vmem>>
      %dma_wait3A_231 = tpu.memref_squeeze %dma_wait3A_230 : memref<1x125xi32, #tpu.memory_space<vmem>> -> memref<125xi32, #tpu.memory_space<vmem>>
      %dma_wait3A_232 = arith.constant 0 : i32
      %dma_wait3A_233 = arith.constant 0 : i32
      %dma_wait3A_234 = tpu.memref_slice %arg21[%dma_wait3A_232, %dma_wait3A_233] : memref<10112x16xf32, #tpu.memory_space<vmem_shared>> -> memref<10112x16xf32, #tpu.memory_space<vmem_shared>>
      tpu.wait_indirect_dma semaphore(%arg19 : memref<!tpu.dma_semaphore, #tpu.memory_space<semaphore_mem>>) src(%arg11 : memref<125x16xf32, #tpu.memory_space<vmem>>) dst(%dma_wait3A_234 : memref<10112x16xf32, #tpu.memory_space<vmem_shared>>)
      %add3A_235 = arith.constant 1 : i32
      %add3A_236 = arith.addi %scan3A_121, %add3A_235 : i32
      %mul3A_237 = arith.constant 4 : i32
      %mul3A_238 = arith.muli %add3A_236, %mul3A_237 : i32
      %add3A_239 = arith.constant 2 : i32
      %add3A_240 = arith.addi %mul3A_238, %add3A_239 : i32
      %dma_start3A_241 = arith.constant 0 : i32
      %dma_start3A_242 = tpu.memref_slice %arg7[%add3A_240, %dma_start3A_241] : memref<40x125xi32, #tpu.memory_space<vmem>> -> memref<1x125xi32, #tpu.memory_space<vmem>>
      %dma_start3A_243 = tpu.memref_squeeze %dma_start3A_242 : memref<1x125xi32, #tpu.memory_space<vmem>> -> memref<125xi32, #tpu.memory_space<vmem>>
      %dma_start3A_244 = arith.constant 0 : i32
      %dma_start3A_245 = arith.constant 0 : i32
      %dma_start3A_246 = tpu.memref_slice %arg2[%dma_start3A_244, %dma_start3A_245] : memref<10000x16xf32, #tpu.memory_space<hbm>> -> memref<10000x16xf32, #tpu.memory_space<hbm>>
      tpu.enqueue_indirect_dma source(%dma_start3A_246 : memref<10000x16xf32, #tpu.memory_space<hbm>>) target(%arg11 : memref<125x16xf32, #tpu.memory_space<vmem>>) offsets(%dma_start3A_243 : memref<125xi32, #tpu.memory_space<vmem>>) semaphore(%arg15 : memref<!tpu.dma_semaphore, #tpu.memory_space<semaphore_mem>>)
      %dma_wait3A_247 = arith.constant 0 : i32
      %dma_wait3A_248 = arith.constant 0 : i32
      %dma_wait3A_249 = tpu.memref_slice %arg8[%dma_wait3A_247, %dma_wait3A_248] : memref<40x125xi32, #tpu.memory_space<vmem>> -> memref<1x125xi32, #tpu.memory_space<vmem>>
      %dma_wait3A_250 = tpu.memref_squeeze %dma_wait3A_249 : memref<1x125xi32, #tpu.memory_space<vmem>> -> memref<125xi32, #tpu.memory_space<vmem>>
      %dma_wait3A_251 = arith.constant 0 : i32
      %dma_wait3A_252 = arith.constant 0 : i32
      %dma_wait3A_253 = tpu.memref_slice %arg21[%dma_wait3A_251, %dma_wait3A_252] : memref<10112x16xf32, #tpu.memory_space<vmem_shared>> -> memref<10112x16xf32, #tpu.memory_space<vmem_shared>>
      tpu.wait_indirect_dma semaphore(%arg20 : memref<!tpu.dma_semaphore, #tpu.memory_space<semaphore_mem>>) src(%arg12 : memref<125x16xf32, #tpu.memory_space<vmem>>) dst(%dma_wait3A_253 : memref<10112x16xf32, #tpu.memory_space<vmem_shared>>)
      %add3A_254 = arith.constant 1 : i32
      %add3A_255 = arith.addi %scan3A_121, %add3A_254 : i32
      %mul3A_256 = arith.constant 4 : i32
      %mul3A_257 = arith.muli %add3A_255, %mul3A_256 : i32
      %add3A_258 = arith.constant 3 : i32
      %add3A_259 = arith.addi %mul3A_257, %add3A_258 : i32
      %dma_start3A_260 = arith.constant 0 : i32
      %dma_start3A_261 = tpu.memref_slice %arg7[%add3A_259, %dma_start3A_260] : memref<40x125xi32, #tpu.memory_space<vmem>> -> memref<1x125xi32, #tpu.memory_space<vmem>>
      %dma_start3A_262 = tpu.memref_squeeze %dma_start3A_261 : memref<1x125xi32, #tpu.memory_space<vmem>> -> memref<125xi32, #tpu.memory_space<vmem>>
      %dma_start3A_263 = arith.constant 0 : i32
      %dma_start3A_264 = arith.constant 0 : i32
      %dma_start3A_265 = tpu.memref_slice %arg2[%dma_start3A_263, %dma_start3A_264] : memref<10000x16xf32, #tpu.memory_space<hbm>> -> memref<10000x16xf32, #tpu.memory_space<hbm>>
      tpu.enqueue_indirect_dma source(%dma_start3A_265 : memref<10000x16xf32, #tpu.memory_space<hbm>>) target(%arg12 : memref<125x16xf32, #tpu.memory_space<vmem>>) offsets(%dma_start3A_262 : memref<125xi32, #tpu.memory_space<vmem>>) semaphore(%arg16 : memref<!tpu.dma_semaphore, #tpu.memory_space<semaphore_mem>>)
    }
    %scan3A_34 = arith.constant 9 : i32
    %dma_wait3A = arith.constant 0 : i32
    %dma_wait3A_35 = arith.constant 0 : i32
    %dma_wait3A_36 = tpu.memref_slice %arg7[%dma_wait3A, %dma_wait3A_35] : memref<40x125xi32, #tpu.memory_space<vmem>> -> memref<1x125xi32, #tpu.memory_space<vmem>>
    %dma_wait3A_37 = tpu.memref_squeeze %dma_wait3A_36 : memref<1x125xi32, #tpu.memory_space<vmem>> -> memref<125xi32, #tpu.memory_space<vmem>>
    %dma_wait3A_38 = arith.constant 0 : i32
    %dma_wait3A_39 = arith.constant 0 : i32
    %dma_wait3A_40 = tpu.memref_slice %arg2[%dma_wait3A_38, %dma_wait3A_39] : memref<10000x16xf32, #tpu.memory_space<hbm>> -> memref<10000x16xf32, #tpu.memory_space<hbm>>
    tpu.wait_indirect_dma semaphore(%arg13 : memref<!tpu.dma_semaphore, #tpu.memory_space<semaphore_mem>>) src(%dma_wait3A_40 : memref<10000x16xf32, #tpu.memory_space<hbm>>) dst(%arg9 : memref<125x16xf32, #tpu.memory_space<vmem>>)
    %dma_start3A_41 = arith.constant 36 : i32
    %dma_start3A_42 = arith.constant 0 : i32
    %dma_start3A_43 = tpu.memref_slice %arg8[%dma_start3A_41, %dma_start3A_42] : memref<40x125xi32, #tpu.memory_space<vmem>> -> memref<1x125xi32, #tpu.memory_space<vmem>>
    %dma_start3A_44 = tpu.memref_squeeze %dma_start3A_43 : memref<1x125xi32, #tpu.memory_space<vmem>> -> memref<125xi32, #tpu.memory_space<vmem>>
    %dma_start3A_45 = arith.constant 0 : i32
    %dma_start3A_46 = arith.constant 0 : i32
    %dma_start3A_47 = tpu.memref_slice %arg21[%dma_start3A_45, %dma_start3A_46] : memref<10112x16xf32, #tpu.memory_space<vmem_shared>> -> memref<10112x16xf32, #tpu.memory_space<vmem_shared>>
    tpu.enqueue_indirect_dma source(%arg9 : memref<125x16xf32, #tpu.memory_space<vmem>>) target(%dma_start3A_47 : memref<10112x16xf32, #tpu.memory_space<vmem_shared>>) offsets(%dma_start3A_44 : memref<125xi32, #tpu.memory_space<vmem>>) semaphore(%arg17 : memref<!tpu.dma_semaphore, #tpu.memory_space<semaphore_mem>>) {add = true}
    %dma_wait3A_48 = arith.constant 0 : i32
    %dma_wait3A_49 = arith.constant 0 : i32
    %dma_wait3A_50 = tpu.memref_slice %arg7[%dma_wait3A_48, %dma_wait3A_49] : memref<40x125xi32, #tpu.memory_space<vmem>> -> memref<1x125xi32, #tpu.memory_space<vmem>>
    %dma_wait3A_51 = tpu.memref_squeeze %dma_wait3A_50 : memref<1x125xi32, #tpu.memory_space<vmem>> -> memref<125xi32, #tpu.memory_space<vmem>>
    %dma_wait3A_52 = arith.constant 0 : i32
    %dma_wait3A_53 = arith.constant 0 : i32
    %dma_wait3A_54 = tpu.memref_slice %arg2[%dma_wait3A_52, %dma_wait3A_53] : memref<10000x16xf32, #tpu.memory_space<hbm>> -> memref<10000x16xf32, #tpu.memory_space<hbm>>
    tpu.wait_indirect_dma semaphore(%arg14 : memref<!tpu.dma_semaphore, #tpu.memory_space<semaphore_mem>>) src(%dma_wait3A_54 : memref<10000x16xf32, #tpu.memory_space<hbm>>) dst(%arg10 : memref<125x16xf32, #tpu.memory_space<vmem>>)
    %dma_start3A_55 = arith.constant 37 : i32
    %dma_start3A_56 = arith.constant 0 : i32
    %dma_start3A_57 = tpu.memref_slice %arg8[%dma_start3A_55, %dma_start3A_56] : memref<40x125xi32, #tpu.memory_space<vmem>> -> memref<1x125xi32, #tpu.memory_space<vmem>>
    %dma_start3A_58 = tpu.memref_squeeze %dma_start3A_57 : memref<1x125xi32, #tpu.memory_space<vmem>> -> memref<125xi32, #tpu.memory_space<vmem>>
    %dma_start3A_59 = arith.constant 0 : i32
    %dma_start3A_60 = arith.constant 0 : i32
    %dma_start3A_61 = tpu.memref_slice %arg21[%dma_start3A_59, %dma_start3A_60] : memref<10112x16xf32, #tpu.memory_space<vmem_shared>> -> memref<10112x16xf32, #tpu.memory_space<vmem_shared>>
    tpu.enqueue_indirect_dma source(%arg10 : memref<125x16xf32, #tpu.memory_space<vmem>>) target(%dma_start3A_61 : memref<10112x16xf32, #tpu.memory_space<vmem_shared>>) offsets(%dma_start3A_58 : memref<125xi32, #tpu.memory_space<vmem>>) semaphore(%arg18 : memref<!tpu.dma_semaphore, #tpu.memory_space<semaphore_mem>>) {add = true}
    %dma_wait3A_62 = arith.constant 0 : i32
    %dma_wait3A_63 = arith.constant 0 : i32
    %dma_wait3A_64 = tpu.memref_slice %arg7[%dma_wait3A_62, %dma_wait3A_63] : memref<40x125xi32, #tpu.memory_space<vmem>> -> memref<1x125xi32, #tpu.memory_space<vmem>>
    %dma_wait3A_65 = tpu.memref_squeeze %dma_wait3A_64 : memref<1x125xi32, #tpu.memory_space<vmem>> -> memref<125xi32, #tpu.memory_space<vmem>>
    %dma_wait3A_66 = arith.constant 0 : i32
    %dma_wait3A_67 = arith.constant 0 : i32
    %dma_wait3A_68 = tpu.memref_slice %arg2[%dma_wait3A_66, %dma_wait3A_67] : memref<10000x16xf32, #tpu.memory_space<hbm>> -> memref<10000x16xf32, #tpu.memory_space<hbm>>
    tpu.wait_indirect_dma semaphore(%arg15 : memref<!tpu.dma_semaphore, #tpu.memory_space<semaphore_mem>>) src(%dma_wait3A_68 : memref<10000x16xf32, #tpu.memory_space<hbm>>) dst(%arg11 : memref<125x16xf32, #tpu.memory_space<vmem>>)
    %dma_start3A_69 = arith.constant 38 : i32
    %dma_start3A_70 = arith.constant 0 : i32
    %dma_start3A_71 = tpu.memref_slice %arg8[%dma_start3A_69, %dma_start3A_70] : memref<40x125xi32, #tpu.memory_space<vmem>> -> memref<1x125xi32, #tpu.memory_space<vmem>>
    %dma_start3A_72 = tpu.memref_squeeze %dma_start3A_71 : memref<1x125xi32, #tpu.memory_space<vmem>> -> memref<125xi32, #tpu.memory_space<vmem>>
    %dma_start3A_73 = arith.constant 0 : i32
    %dma_start3A_74 = arith.constant 0 : i32
    %dma_start3A_75 = tpu.memref_slice %arg21[%dma_start3A_73, %dma_start3A_74] : memref<10112x16xf32, #tpu.memory_space<vmem_shared>> -> memref<10112x16xf32, #tpu.memory_space<vmem_shared>>
    tpu.enqueue_indirect_dma source(%arg11 : memref<125x16xf32, #tpu.memory_space<vmem>>) target(%dma_start3A_75 : memref<10112x16xf32, #tpu.memory_space<vmem_shared>>) offsets(%dma_start3A_72 : memref<125xi32, #tpu.memory_space<vmem>>) semaphore(%arg19 : memref<!tpu.dma_semaphore, #tpu.memory_space<semaphore_mem>>) {add = true}
    %dma_wait3A_76 = arith.constant 0 : i32
    %dma_wait3A_77 = arith.constant 0 : i32
    %dma_wait3A_78 = tpu.memref_slice %arg7[%dma_wait3A_76, %dma_wait3A_77] : memref<40x125xi32, #tpu.memory_space<vmem>> -> memref<1x125xi32, #tpu.memory_space<vmem>>
    %dma_wait3A_79 = tpu.memref_squeeze %dma_wait3A_78 : memref<1x125xi32, #tpu.memory_space<vmem>> -> memref<125xi32, #tpu.memory_space<vmem>>
    %dma_wait3A_80 = arith.constant 0 : i32
    %dma_wait3A_81 = arith.constant 0 : i32
    %dma_wait3A_82 = tpu.memref_slice %arg2[%dma_wait3A_80, %dma_wait3A_81] : memref<10000x16xf32, #tpu.memory_space<hbm>> -> memref<10000x16xf32, #tpu.memory_space<hbm>>
    tpu.wait_indirect_dma semaphore(%arg16 : memref<!tpu.dma_semaphore, #tpu.memory_space<semaphore_mem>>) src(%dma_wait3A_82 : memref<10000x16xf32, #tpu.memory_space<hbm>>) dst(%arg12 : memref<125x16xf32, #tpu.memory_space<vmem>>)
    %dma_start3A_83 = arith.constant 39 : i32
    %dma_start3A_84 = arith.constant 0 : i32
    %dma_start3A_85 = tpu.memref_slice %arg8[%dma_start3A_83, %dma_start3A_84] : memref<40x125xi32, #tpu.memory_space<vmem>> -> memref<1x125xi32, #tpu.memory_space<vmem>>
    %dma_start3A_86 = tpu.memref_squeeze %dma_start3A_85 : memref<1x125xi32, #tpu.memory_space<vmem>> -> memref<125xi32, #tpu.memory_space<vmem>>
    %dma_start3A_87 = arith.constant 0 : i32
    %dma_start3A_88 = arith.constant 0 : i32
    %dma_start3A_89 = tpu.memref_slice %arg21[%dma_start3A_87, %dma_start3A_88] : memref<10112x16xf32, #tpu.memory_space<vmem_shared>> -> memref<10112x16xf32, #tpu.memory_space<vmem_shared>>
    tpu.enqueue_indirect_dma source(%arg12 : memref<125x16xf32, #tpu.memory_space<vmem>>) target(%dma_start3A_89 : memref<10112x16xf32, #tpu.memory_space<vmem_shared>>) offsets(%dma_start3A_86 : memref<125xi32, #tpu.memory_space<vmem>>) semaphore(%arg20 : memref<!tpu.dma_semaphore, #tpu.memory_space<semaphore_mem>>) {add = true}
    %dma_wait3A_90 = arith.constant 0 : i32
    %dma_wait3A_91 = arith.constant 0 : i32
    %dma_wait3A_92 = tpu.memref_slice %arg8[%dma_wait3A_90, %dma_wait3A_91] : memref<40x125xi32, #tpu.memory_space<vmem>> -> memref<1x125xi32, #tpu.memory_space<vmem>>
    %dma_wait3A_93 = tpu.memref_squeeze %dma_wait3A_92 : memref<1x125xi32, #tpu.memory_space<vmem>> -> memref<125xi32, #tpu.memory_space<vmem>>
    %dma_wait3A_94 = arith.constant 0 : i32
    %dma_wait3A_95 = arith.constant 0 : i32
    %dma_wait3A_96 = tpu.memref_slice %arg21[%dma_wait3A_94, %dma_wait3A_95] : memref<10112x16xf32, #tpu.memory_space<vmem_shared>> -> memref<10112x16xf32, #tpu.memory_space<vmem_shared>>
    tpu.wait_indirect_dma semaphore(%arg17 : memref<!tpu.dma_semaphore, #tpu.memory_space<semaphore_mem>>) src(%arg9 : memref<125x16xf32, #tpu.memory_space<vmem>>) dst(%dma_wait3A_96 : memref<10112x16xf32, #tpu.memory_space<vmem_shared>>)
    %dma_wait3A_97 = arith.constant 0 : i32
    %dma_wait3A_98 = arith.constant 0 : i32
    %dma_wait3A_99 = tpu.memref_slice %arg8[%dma_wait3A_97, %dma_wait3A_98] : memref<40x125xi32, #tpu.memory_space<vmem>> -> memref<1x125xi32, #tpu.memory_space<vmem>>
    %dma_wait3A_100 = tpu.memref_squeeze %dma_wait3A_99 : memref<1x125xi32, #tpu.memory_space<vmem>> -> memref<125xi32, #tpu.memory_space<vmem>>
    %dma_wait3A_101 = arith.constant 0 : i32
    %dma_wait3A_102 = arith.constant 0 : i32
    %dma_wait3A_103 = tpu.memref_slice %arg21[%dma_wait3A_101, %dma_wait3A_102] : memref<10112x16xf32, #tpu.memory_space<vmem_shared>> -> memref<10112x16xf32, #tpu.memory_space<vmem_shared>>
    tpu.wait_indirect_dma semaphore(%arg18 : memref<!tpu.dma_semaphore, #tpu.memory_space<semaphore_mem>>) src(%arg10 : memref<125x16xf32, #tpu.memory_space<vmem>>) dst(%dma_wait3A_103 : memref<10112x16xf32, #tpu.memory_space<vmem_shared>>)
    %dma_wait3A_104 = arith.constant 0 : i32
    %dma_wait3A_105 = arith.constant 0 : i32
    %dma_wait3A_106 = tpu.memref_slice %arg8[%dma_wait3A_104, %dma_wait3A_105] : memref<40x125xi32, #tpu.memory_space<vmem>> -> memref<1x125xi32, #tpu.memory_space<vmem>>
    %dma_wait3A_107 = tpu.memref_squeeze %dma_wait3A_106 : memref<1x125xi32, #tpu.memory_space<vmem>> -> memref<125xi32, #tpu.memory_space<vmem>>
    %dma_wait3A_108 = arith.constant 0 : i32
    %dma_wait3A_109 = arith.constant 0 : i32
    %dma_wait3A_110 = tpu.memref_slice %arg21[%dma_wait3A_108, %dma_wait3A_109] : memref<10112x16xf32, #tpu.memory_space<vmem_shared>> -> memref<10112x16xf32, #tpu.memory_space<vmem_shared>>
    tpu.wait_indirect_dma semaphore(%arg19 : memref<!tpu.dma_semaphore, #tpu.memory_space<semaphore_mem>>) src(%arg11 : memref<125x16xf32, #tpu.memory_space<vmem>>) dst(%dma_wait3A_110 : memref<10112x16xf32, #tpu.memory_space<vmem_shared>>)
    %dma_wait3A_111 = arith.constant 0 : i32
    %dma_wait3A_112 = arith.constant 0 : i32
    %dma_wait3A_113 = tpu.memref_slice %arg8[%dma_wait3A_111, %dma_wait3A_112] : memref<40x125xi32, #tpu.memory_space<vmem>> -> memref<1x125xi32, #tpu.memory_space<vmem>>
    %dma_wait3A_114 = tpu.memref_squeeze %dma_wait3A_113 : memref<1x125xi32, #tpu.memory_space<vmem>> -> memref<125xi32, #tpu.memory_space<vmem>>
    %dma_wait3A_115 = arith.constant 0 : i32
    %dma_wait3A_116 = arith.constant 0 : i32
    %dma_wait3A_117 = tpu.memref_slice %arg21[%dma_wait3A_115, %dma_wait3A_116] : memref<10112x16xf32, #tpu.memory_space<vmem_shared>> -> memref<10112x16xf32, #tpu.memory_space<vmem_shared>>
    tpu.wait_indirect_dma semaphore(%arg20 : memref<!tpu.dma_semaphore, #tpu.memory_space<semaphore_mem>>) src(%arg12 : memref<125x16xf32, #tpu.memory_space<vmem>>) dst(%dma_wait3A_117 : memref<10112x16xf32, #tpu.memory_space<vmem_shared>>)
    %barrier3A_118 = arith.constant 0 : index
    tpu.barrier barrier_id(%barrier3A_118)
    %mul3A_119 = arith.constant 16 : i32
    %mul3A_120 = arith.muli %arg0, %mul3A_119 : i32
    "tpu.region"() ({
      %run_scoped3A = tpu.sem_alloc : memref<!tpu.dma_semaphore, #tpu.memory_space<semaphore_mem>>
      %dma_start3A_121 = tpu.memref_slice %arg6[%mul3A_2, %mul3A_120] : memref<10112x128xf32, #tpu.memory_space<hbm>> -> memref<632x16xf32, #tpu.memory_space<hbm>>
      %dma_start3A_122 = arith.constant 0 : i32
      %dma_start3A_123 = tpu.memref_slice %arg21[%mul3A_2, %dma_start3A_122] : memref<10112x16xf32, #tpu.memory_space<vmem_shared>> -> memref<632x16xf32, #tpu.memory_space<vmem_shared>>
      tpu.enqueue_dma source(%dma_start3A_123 : memref<632x16xf32, #tpu.memory_space<vmem_shared>>) target(%dma_start3A_121 : memref<632x16xf32, #tpu.memory_space<hbm>>) target_semaphore(%run_scoped3A : memref<!tpu.dma_semaphore, #tpu.memory_space<semaphore_mem>>)
      %dma_wait3A_124 = tpu.memref_slice %arg6[%mul3A_2, %mul3A_120] : memref<10112x128xf32, #tpu.memory_space<hbm>> -> memref<632x16xf32, #tpu.memory_space<hbm>>
      %dma_wait3A_125 = arith.constant 0 : i32
      %dma_wait3A_126 = tpu.memref_slice %arg21[%mul3A_2, %dma_wait3A_125] : memref<10112x16xf32, #tpu.memory_space<vmem_shared>> -> memref<632x16xf32, #tpu.memory_space<vmem_shared>>
      tpu.wait_dma2 semaphore(%run_scoped3A : memref<!tpu.dma_semaphore, #tpu.memory_space<semaphore_mem>>) src(%dma_wait3A_126 : memref<632x16xf32, #tpu.memory_space<vmem_shared>>) dst(%dma_wait3A_124 : memref<632x16xf32, #tpu.memory_space<hbm>>)
      tpu.yield
    }) : () -> ()
    return
  }
}

module attributes {stable_mosaic.version = 14 : i64} {
  func.func @body(%arg0: i32, %arg1: i32, %arg2: memref<2000x128xf32, #tpu.memory_space<vmem>>, %arg3: memref<2000x128xf32, #tpu.memory_space<vmem>>, %arg4: memref<2000x128xbf16, #tpu.memory_space<vmem>>, %arg5: memref<2000x1xf32, #tpu.memory_space<vmem>>) attributes {dimension_semantics = [#tpu.dimension_semantics<arbitrary>, #tpu.dimension_semantics<arbitrary>], iteration_bounds = array<i64: 5, 2>, scalar_prefetch = 0 : i64, scratch_operands = 0 : i64, tpu.core_type = #tpu.core_type<tc>, window_params = [{transform_indices = @transform_0, window_bounds = array<i64: 2000, 128>}, {transform_indices = @transform_1, window_bounds = array<i64: 2000, 128>}, {transform_indices = @transform_2, window_bounds = array<i64: 2000, 128>}, {transform_indices = @transform_3, window_bounds = array<i64: 2000, 1>}]} {
    %get3A = arith.constant 0 : index
    %get3A_0 = arith.constant 0 : index
    %get3A_1 = vector.load %arg2[%get3A, %get3A_0] : memref<2000x128xf32, #tpu.memory_space<vmem>>, vector<2000x1xf32>
    %get3A_2 = arith.constant 0 : index
    %get3A_3 = arith.constant 16 : index
    %get3A_4 = vector.load %arg2[%get3A_2, %get3A_3] : memref<2000x128xf32, #tpu.memory_space<vmem>>, vector<2000x1xf32>
    %add3A = arith.addf %get3A_1, %get3A_4 : vector<2000x1xf32>
    %add3A_5 = arith.constant 1.000000e+00 : f32
    %add3A_6 = vector.broadcast %add3A_5 : f32 to vector<2000x1xf32>
    %add3A_7 = arith.addf %add3A, %add3A_6 : vector<2000x1xf32>
    %rsqrt3A = math.rsqrt %add3A_7 : vector<2000x1xf32>
    %swap3A = arith.constant 0 : index
    %swap3A_8 = arith.constant 0 : index
    %swap3A_9 = vector.load %arg5[%swap3A, %swap3A_8] : memref<2000x1xf32, #tpu.memory_space<vmem>>, vector<2000x1xf32>
    tpu.vector_store %arg5[%swap3A, %swap3A_8], %rsqrt3A {strides = array<i32>} : memref<2000x1xf32, #tpu.memory_space<vmem>>, vector<2000x1xf32>,
    %get3A_10 = arith.constant 0 : index
    %get3A_11 = arith.constant 0 : index
    %get3A_12 = vector.load %arg3[%get3A_10, %get3A_11] : memref<2000x128xf32, #tpu.memory_space<vmem>>, vector<2000x128xf32>
    %mul3A = vector.broadcast %rsqrt3A : vector<2000x1xf32> to vector<2000x128xf32>
    %mul3A_13 = arith.mulf %get3A_12, %mul3A : vector<2000x128xf32>
    %convert_element_type3A = arith.truncf %mul3A_13 : vector<2000x128xf32> to vector<2000x128xbf16>
    %swap3A_14 = arith.constant 0 : index
    %swap3A_15 = arith.constant 0 : index
    %swap3A_16 = vector.load %arg4[%swap3A_14, %swap3A_15] : memref<2000x128xbf16, #tpu.memory_space<vmem>>, vector<2000x128xbf16>
    tpu.vector_store %arg4[%swap3A_14, %swap3A_15], %convert_element_type3A {strides = array<i32>} : memref<2000x128xbf16, #tpu.memory_space<vmem>>, vector<2000x128xbf16>,
    return
  }
  func.func @transform_0(%arg0: i32, %arg1: i32) -> (i32, i32) {
    %c0_i32 = arith.constant 0 : i32
    %c0_i32_0 = arith.constant 0 : i32
    return %arg0, %c0_i32 : i32, i32
  }
  func.func @transform_1(%arg0: i32, %arg1: i32) -> (i32, i32) {
    %c0_i32 = arith.constant 0 : i32
    return %arg0, %arg1 : i32, i32
  }
  func.func @transform_2(%arg0: i32, %arg1: i32) -> (i32, i32) {
    %mul3A = arith.constant 5 : i32
    %mul3A_0 = arith.muli %arg1, %mul3A : i32
    %add3A = arith.addi %mul3A_0, %arg0 : i32
    %c0_i32 = arith.constant 0 : i32
    %c0_i32_1 = arith.constant 0 : i32
    return %add3A, %c0_i32 : i32, i32
  }
  func.func @transform_3(%arg0: i32, %arg1: i32) -> (i32, i32) {
    %c0_i32 = arith.constant 0 : i32
    %c0_i32_0 = arith.constant 0 : i32
    return %arg0, %c0_i32 : i32, i32
  }
}

module attributes {stable_mosaic.version = 14 : i64} {
  func.func @body(%arg0: i32, %arg1: memref<1000x128xbf16, #tpu.memory_space<vmem>>, %arg2: memref<1000x128xbf16, #tpu.memory_space<vmem>>, %arg3: memref<1000x128xbf16, #tpu.memory_space<vmem>>, %arg4: memref<1000x128xbf16, #tpu.memory_space<vmem>>, %arg5: memref<1000x1xf32, #tpu.memory_space<vmem>>, %arg6: memref<256x512xf32, #tpu.memory_space<vmem>>, %arg7: memref<1x512xf32, #tpu.memory_space<vmem>>, %arg8: memref<512x16xf32, #tpu.memory_space<vmem>>, %arg9: memref<1000x16xf32, #tpu.memory_space<vmem>>) attributes {dimension_semantics = [#tpu.dimension_semantics<arbitrary>], iteration_bounds = array<i64: 10>, scalar_prefetch = 0 : i64, scratch_operands = 0 : i64, tpu.core_type = #tpu.core_type<tc>, window_params = [{transform_indices = @transform_0, window_bounds = array<i64: 1000, 128>}, {transform_indices = @transform_1, window_bounds = array<i64: 1000, 128>}, {transform_indices = @transform_2, window_bounds = array<i64: 1000, 128>}, {transform_indices = @transform_3, window_bounds = array<i64: 1000, 128>}, {transform_indices = @transform_4, window_bounds = array<i64: 1000, 1>}, {pipeline_mode = #tpu.pipeline_mode<synchronous>, transform_indices = @transform_5, window_bounds = array<i64: 256, 512>}, {pipeline_mode = #tpu.pipeline_mode<synchronous>, transform_indices = @transform_6, window_bounds = array<i64: 1, 512>}, {pipeline_mode = #tpu.pipeline_mode<synchronous>, transform_indices = @transform_7, window_bounds = array<i64: 512, 16>}, {transform_indices = @transform_8, window_bounds = array<i64: 1000, 16>}]} {
    %get3A = arith.constant 0 : index
    %get3A_0 = arith.constant 0 : index
    %get3A_1 = vector.load %arg5[%get3A, %get3A_0] : memref<1000x1xf32, #tpu.memory_space<vmem>>, vector<1000x1xf32>
    %get3A_2 = arith.constant 0 : index
    %get3A_3 = arith.constant 0 : index
    %get3A_4 = vector.load %arg1[%get3A_2, %get3A_3] : memref<1000x128xbf16, #tpu.memory_space<vmem>>, vector<1000x128xbf16>
    %get3A_5 = arith.constant 0 : index
    %get3A_6 = arith.constant 0 : index
    %get3A_7 = vector.load %arg3[%get3A_5, %get3A_6] : memref<1000x128xbf16, #tpu.memory_space<vmem>>, vector<1000x128xbf16>
    %add3A = arith.addf %get3A_4, %get3A_7 : vector<1000x128xbf16>
    %get3A_8 = arith.constant 0 : index
    %get3A_9 = arith.constant 0 : index
    %get3A_10 = vector.load %arg2[%get3A_8, %get3A_9] : memref<1000x128xbf16, #tpu.memory_space<vmem>>, vector<1000x128xbf16>
    %get3A_11 = arith.constant 0 : index
    %get3A_12 = arith.constant 0 : index
    %get3A_13 = vector.load %arg4[%get3A_11, %get3A_12] : memref<1000x128xbf16, #tpu.memory_space<vmem>>, vector<1000x128xbf16>
    %add3A_14 = arith.addf %get3A_10, %get3A_13 : vector<1000x128xbf16>
    %concatenate3A = tpu.concatenate %add3A, %add3A_14 in 1 : vector<1000x128xbf16>, vector<1000x128xbf16> -> vector<1000x256xbf16>
    %convert_element_type3A = arith.extf %concatenate3A : vector<1000x256xbf16> to vector<1000x256xf32>
    %mul3A = vector.broadcast %get3A_1 : vector<1000x1xf32> to vector<1000x256xf32>
    %mul3A_15 = arith.mulf %convert_element_type3A, %mul3A : vector<1000x256xf32>
    %convert_element_type3A_16 = arith.truncf %mul3A_15 : vector<1000x256xf32> to vector<1000x256xbf16>
    %get3A_17 = arith.constant 0 : index
    %get3A_18 = arith.constant 0 : index
    %get3A_19 = vector.load %arg6[%get3A_17, %get3A_18] : memref<256x512xf32, #tpu.memory_space<vmem>>, vector<256x512xf32>
    %convert_element_type3A_20 = arith.truncf %get3A_19 : vector<256x512xf32> to vector<256x512xbf16>
    %dot_general3A = arith.constant dense<0.000000e+00> : vector<1000x512xf32>
    %dot_general3A_21 = tpu.matmul %convert_element_type3A_16, %convert_element_type3A_20, %dot_general3A {dimension_numbers = #tpu.dot_dimension_numbers<[1], [0], [0], [1], [0, 0, 1, 1], [], []>, transpose_lhs_hint = false} : vector<1000x256xbf16>, vector<256x512xbf16>, vector<1000x512xf32> -> vector<1000x512xf32>
    %get3A_22 = arith.constant 0 : index
    %get3A_23 = arith.constant 0 : index
    %get3A_24 = vector.load %arg7[%get3A_22, %get3A_23] : memref<1x512xf32, #tpu.memory_space<vmem>>, vector<1x512xf32>
    %add3A_25 = vector.broadcast %get3A_24 : vector<1x512xf32> to vector<1000x512xf32>
    %add3A_26 = arith.addf %dot_general3A_21, %add3A_25 : vector<1000x512xf32>
    %max3A = arith.constant 0.000000e+00 : f32
    %max3A_27 = vector.broadcast %max3A : f32 to vector<1000x512xf32>
    %max3A_28 = arith.maximumf %add3A_26, %max3A_27 : vector<1000x512xf32>
    %get3A_29 = arith.constant 0 : index
    %get3A_30 = arith.constant 0 : index
    %get3A_31 = vector.load %arg8[%get3A_29, %get3A_30] : memref<512x16xf32, #tpu.memory_space<vmem>>, vector<512x16xf32>
    %dot_general3A_32 = arith.constant dense<0.000000e+00> : vector<1000x16xf32>
    %dot_general3A_33 = tpu.matmul %max3A_28, %get3A_31, %dot_general3A_32 {dimension_numbers = #tpu.dot_dimension_numbers<[1], [0], [0], [1], [0, 0, 1, 1], [], []>, transpose_lhs_hint = false} : vector<1000x512xf32>, vector<512x16xf32>, vector<1000x16xf32> -> vector<1000x16xf32>
    %mul3A_34 = vector.broadcast %get3A_1 : vector<1000x1xf32> to vector<1000x16xf32>
    %mul3A_35 = arith.mulf %dot_general3A_33, %mul3A_34 : vector<1000x16xf32>
    %swap3A = arith.constant 0 : index
    %swap3A_36 = arith.constant 0 : index
    %swap3A_37 = vector.load %arg9[%swap3A, %swap3A_36] : memref<1000x16xf32, #tpu.memory_space<vmem>>, vector<1000x16xf32>
    tpu.vector_store %arg9[%swap3A, %swap3A_36], %mul3A_35 {strides = array<i32>} : memref<1000x16xf32, #tpu.memory_space<vmem>>, vector<1000x16xf32>,
    return
  }
  func.func @transform_0(%arg0: i32) -> (i32, i32) {
    %c0_i32 = arith.constant 0 : i32
    %c0_i32_0 = arith.constant 0 : i32
    return %arg0, %c0_i32 : i32, i32
  }
  func.func @transform_1(%arg0: i32) -> (i32, i32) {
    %c0_i32 = arith.constant 0 : i32
    %c0_i32_0 = arith.constant 0 : i32
    return %arg0, %c0_i32 : i32, i32
  }
  func.func @transform_2(%arg0: i32) -> (i32, i32) {
    %c0_i32 = arith.constant 0 : i32
    %c0_i32_0 = arith.constant 0 : i32
    return %arg0, %c0_i32 : i32, i32
  }
  func.func @transform_3(%arg0: i32) -> (i32, i32) {
    %add3A = arith.constant 10 : i32
    %add3A_0 = arith.addi %add3A, %arg0 : i32
    %c0_i32 = arith.constant 0 : i32
    %c0_i32_1 = arith.constant 0 : i32
    return %add3A_0, %c0_i32 : i32, i32
  }
  func.func @transform_4(%arg0: i32) -> (i32, i32) {
    %c0_i32 = arith.constant 0 : i32
    %c0_i32_0 = arith.constant 0 : i32
    return %arg0, %c0_i32 : i32, i32
  }
  func.func @transform_5(%arg0: i32) -> (i32, i32) {
    %c0_i32 = arith.constant 0 : i32
    %c0_i32_0 = arith.constant 0 : i32
    %c0_i32_1 = arith.constant 0 : i32
    return %c0_i32, %c0_i32_0 : i32, i32
  }
  func.func @transform_6(%arg0: i32) -> (i32, i32) {
    %c0_i32 = arith.constant 0 : i32
    %c0_i32_0 = arith.constant 0 : i32
    %c0_i32_1 = arith.constant 0 : i32
    return %c0_i32, %c0_i32_0 : i32, i32
  }
  func.func @transform_7(%arg0: i32) -> (i32, i32) {
    %c0_i32 = arith.constant 0 : i32
    %c0_i32_0 = arith.constant 0 : i32
    %c0_i32_1 = arith.constant 0 : i32
    return %c0_i32, %c0_i32_0 : i32, i32
  }
  func.func @transform_8(%arg0: i32) -> (i32, i32) {
    %c0_i32 = arith.constant 0 : i32
    %c0_i32_0 = arith.constant 0 : i32
    return %arg0, %c0_i32 : i32, i32
  }
}

module attributes {stable_mosaic.version = 14 : i64} {
  func.func @body(%arg0: i32, %arg1: memref<2000x128xf32, #tpu.memory_space<vmem>>, %arg2: memref<2000x16xf32, #tpu.memory_space<vmem>>, %arg3: memref<2000x1xf32, #tpu.memory_space<vmem>>, %arg4: memref<1x2xf32, #tpu.memory_space<vmem>>, %arg5: memref<2000x1xi32, #tpu.memory_space<vmem>>, %arg6: memref<64x2xf32, #tpu.memory_space<vmem>>, %arg7: memref<64x3xf32, #tpu.memory_space<vmem>>) attributes {dimension_semantics = [#tpu.dimension_semantics<arbitrary>], iteration_bounds = array<i64: 5>, scalar_prefetch = 0 : i64, scratch_operands = 1 : i64, tpu.core_type = #tpu.core_type<tc>, window_params = [{transform_indices = @transform_0, window_bounds = array<i64: 2000, 128>}, {transform_indices = @transform_1, window_bounds = array<i64: 2000, 16>}, {transform_indices = @transform_2, window_bounds = array<i64: 2000, 1>}, {pipeline_mode = #tpu.pipeline_mode<synchronous>, transform_indices = @transform_3, window_bounds = array<i64: 1, 2>}, {transform_indices = @transform_4, window_bounds = array<i64: 2000, 1>}, {pipeline_mode = #tpu.pipeline_mode<synchronous>, transform_indices = @transform_5, window_bounds = array<i64: 64, 2>}]} {
    %eq3A = arith.constant 0 : i32
    %eq3A_0 = arith.cmpi eq, %arg0, %eq3A : i32
    %convert_element_type3A = arith.extui %eq3A_0 : i1 to i32
    %cond3A = arith.constant 0 : i32
    %cond3A_1 = arith.cmpi ne, %convert_element_type3A, %cond3A : i32
    scf.if %cond3A_1 {
      %broadcast_in_dim3A_40 = arith.constant 0.000000e+00 : f32
      %broadcast_in_dim3A_41 = vector.broadcast %broadcast_in_dim3A_40 : f32 to vector<64x3xf32>
      %swap3A_42 = arith.constant 0 : index
      %swap3A_43 = arith.constant 0 : index
      %swap3A_44 = vector.load %arg7[%swap3A_42, %swap3A_43] : memref<64x3xf32, #tpu.memory_space<vmem>>, vector<64x3xf32>
      tpu.vector_store %arg7[%swap3A_42, %swap3A_43], %broadcast_in_dim3A_41 {strides = array<i32>} : memref<64x3xf32, #tpu.memory_space<vmem>>, vector<64x3xf32>,
    } else {
    }
    %get3A = arith.constant 0 : index
    %get3A_2 = arith.constant 0 : index
    %get3A_3 = vector.load %arg1[%get3A, %get3A_2] : memref<2000x128xf32, #tpu.memory_space<vmem>>, vector<2000x16xf32>
    %get3A_4 = arith.constant 0 : index
    %get3A_5 = arith.constant 16 : index
    %get3A_6 = vector.load %arg1[%get3A_4, %get3A_5] : memref<2000x128xf32, #tpu.memory_space<vmem>>, vector<2000x16xf32>
    %add3A = arith.addf %get3A_3, %get3A_6 : vector<2000x16xf32>
    %get3A_7 = arith.constant 0 : index
    %get3A_8 = arith.constant 0 : index
    %get3A_9 = vector.load %arg2[%get3A_7, %get3A_8] : memref<2000x16xf32, #tpu.memory_space<vmem>>, vector<2000x16xf32>
    %add3A_10 = arith.addf %add3A, %get3A_9 : vector<2000x16xf32>
    %get3A_11 = arith.constant 0 : index
    %get3A_12 = arith.constant 0 : index
    %get3A_13 = vector.load %arg3[%get3A_11, %get3A_12] : memref<2000x1xf32, #tpu.memory_space<vmem>>, vector<2000x1xf32>
    %mul3A = vector.broadcast %get3A_13 : vector<2000x1xf32> to vector<2000x16xf32>
    %mul3A_14 = arith.mulf %add3A_10, %mul3A : vector<2000x16xf32>
    %slice3A = vector.extract_strided_slice %mul3A_14 {offsets = [0, 0], sizes = [2000, 2], strides = [1, 1]} : vector<2000x16xf32> to vector<2000x2xf32>
    %get3A_15 = arith.constant 0 : index
    %get3A_16 = arith.constant 0 : index
    %get3A_17 = vector.load %arg4[%get3A_15, %get3A_16] : memref<1x2xf32, #tpu.memory_space<vmem>>, vector<1x2xf32>
    %add3A_18 = vector.broadcast %get3A_17 : vector<1x2xf32> to vector<2000x2xf32>
    %add3A_19 = arith.addf %slice3A, %add3A_18 : vector<2000x2xf32>
    %broadcast_in_dim3A = arith.constant 1.000000e+00 : f32
    %broadcast_in_dim3A_20 = vector.broadcast %broadcast_in_dim3A : f32 to vector<2000x1xf32>
    %concatenate3A = tpu.concatenate %add3A_19, %broadcast_in_dim3A_20 in 1 : vector<2000x2xf32>, vector<2000x1xf32> -> vector<2000x3xf32>
    %get3A_21 = arith.constant 0 : index
    %get3A_22 = arith.constant 0 : index
    %get3A_23 = vector.load %arg5[%get3A_21, %get3A_22] : memref<2000x1xi32, #tpu.memory_space<vmem>>, vector<2000x1xi32>
    %iota3A = tpu.iota {dimensions = array<i32: 1>} : vector<2000x64xi32>
    %eq3A_24 = vector.broadcast %get3A_23 : vector<2000x1xi32> to vector<2000x64xi32>
    %eq3A_25 = arith.cmpi eq, %eq3A_24, %iota3A : vector<2000x64xi32>
    %convert_element_type3A_26 = arith.extui %eq3A_25 : vector<2000x64xi1> to vector<2000x64xi32>
    %convert_element_type3A_27 = arith.sitofp %convert_element_type3A_26 : vector<2000x64xi32> to vector<2000x64xf32>
    %get3A_28 = arith.constant 0 : index
    %get3A_29 = arith.constant 0 : index
    %get3A_30 = vector.load %arg7[%get3A_28, %get3A_29] : memref<64x3xf32, #tpu.memory_space<vmem>>, vector<64x3xf32>
    %dot_general3A = arith.constant dense<0.000000e+00> : vector<64x3xf32>
    %dot_general3A_31 = tpu.matmul %convert_element_type3A_27, %concatenate3A, %dot_general3A {dimension_numbers = #tpu.dot_dimension_numbers<[0], [0], [1], [1], [0, 1, 1, 1], [], []>, transpose_lhs_hint = false} : vector<2000x64xf32>, vector<2000x3xf32>, vector<64x3xf32> -> vector<64x3xf32>
    %add3A_32 = arith.addf %get3A_30, %dot_general3A_31 : vector<64x3xf32>
    %swap3A = arith.constant 0 : index
    %swap3A_33 = arith.constant 0 : index
    %swap3A_34 = vector.load %arg7[%swap3A, %swap3A_33] : memref<64x3xf32, #tpu.memory_space<vmem>>, vector<64x3xf32>
    tpu.vector_store %arg7[%swap3A, %swap3A_33], %add3A_32 {strides = array<i32>} : memref<64x3xf32, #tpu.memory_space<vmem>>, vector<64x3xf32>,
    %eq3A_35 = arith.constant 4 : i32
    %eq3A_36 = arith.cmpi eq, %arg0, %eq3A_35 : i32
    %convert_element_type3A_37 = arith.extui %eq3A_36 : i1 to i32
    %cond3A_38 = arith.constant 0 : i32
    %cond3A_39 = arith.cmpi ne, %convert_element_type3A_37, %cond3A_38 : i32
    scf.if %cond3A_39 {
      %get3A_40 = arith.constant 0 : index
      %get3A_41 = arith.constant 0 : index
      %get3A_42 = vector.load %arg7[%get3A_40, %get3A_41] : memref<64x3xf32, #tpu.memory_space<vmem>>, vector<64x2xf32>
      %get3A_43 = arith.constant 0 : index
      %get3A_44 = arith.constant 2 : index
      %get3A_45 = vector.load %arg7[%get3A_43, %get3A_44] : memref<64x3xf32, #tpu.memory_space<vmem>>, vector<64x1xf32>
      %max3A = arith.constant 1.000000e+00 : f32
      %max3A_46 = vector.broadcast %max3A : f32 to vector<64x1xf32>
      %max3A_47 = arith.maximumf %get3A_45, %max3A_46 : vector<64x1xf32>
      %div3A = vector.broadcast %max3A_47 : vector<64x1xf32> to vector<64x2xf32>
      %div3A_48 = arith.divf %get3A_42, %div3A : vector<64x2xf32>
      %reduce_max3A = arith.constant dense<0xFF800000> : vector<64xf32>
      %reduce_max3A_49 = vector.multi_reduction <maximumf>, %div3A_48, %reduce_max3A [1] : vector<64x2xf32> to vector<64xf32>
      %broadcast_in_dim3A_50 = vector.shape_cast %reduce_max3A_49 : vector<64xf32> to vector<64x1xf32>
      %sub3A = vector.broadcast %broadcast_in_dim3A_50 : vector<64x1xf32> to vector<64x2xf32>
      %sub3A_51 = arith.subf %div3A_48, %sub3A : vector<64x2xf32>
      %exp3A = math.exp %sub3A_51 : vector<64x2xf32>
      %sub3A_52 = vector.broadcast %broadcast_in_dim3A_50 : vector<64x1xf32> to vector<64x2xf32>
      %sub3A_53 = arith.subf %div3A_48, %sub3A_52 : vector<64x2xf32>
      %reduce_sum3A = arith.constant dense<0.000000e+00> : vector<64xf32>
      %reduce_sum3A_54 = vector.multi_reduction <add>, %exp3A, %reduce_sum3A [1] : vector<64x2xf32> to vector<64xf32>
      %broadcast_in_dim3A_55 = vector.shape_cast %reduce_sum3A_54 : vector<64xf32> to vector<64x1xf32>
      %log3A = math.log %broadcast_in_dim3A_55 : vector<64x1xf32>
      %sub3A_56 = vector.broadcast %log3A : vector<64x1xf32> to vector<64x2xf32>
      %sub3A_57 = arith.subf %sub3A_53, %sub3A_56 : vector<64x2xf32>
      %swap3A_58 = arith.constant 0 : index
      %swap3A_59 = arith.constant 0 : index
      %swap3A_60 = vector.load %arg6[%swap3A_58, %swap3A_59] : memref<64x2xf32, #tpu.memory_space<vmem>>, vector<64x2xf32>
      tpu.vector_store %arg6[%swap3A_58, %swap3A_59], %sub3A_57 {strides = array<i32>} : memref<64x2xf32, #tpu.memory_space<vmem>>, vector<64x2xf32>,
    } else {
    }
    return
  }
  func.func @transform_0(%arg0: i32) -> (i32, i32) {
    %c0_i32 = arith.constant 0 : i32
    %c0_i32_0 = arith.constant 0 : i32
    return %arg0, %c0_i32 : i32, i32
  }
  func.func @transform_1(%arg0: i32) -> (i32, i32) {
    %c0_i32 = arith.constant 0 : i32
    %c0_i32_0 = arith.constant 0 : i32
    return %arg0, %c0_i32 : i32, i32
  }
  func.func @transform_2(%arg0: i32) -> (i32, i32) {
    %c0_i32 = arith.constant 0 : i32
    %c0_i32_0 = arith.constant 0 : i32
    return %arg0, %c0_i32 : i32, i32
  }
  func.func @transform_3(%arg0: i32) -> (i32, i32) {
    %c0_i32 = arith.constant 0 : i32
    %c0_i32_0 = arith.constant 0 : i32
    %c0_i32_1 = arith.constant 0 : i32
    return %c0_i32, %c0_i32_0 : i32, i32
  }
  func.func @transform_4(%arg0: i32) -> (i32, i32) {
    %c0_i32 = arith.constant 0 : i32
    %c0_i32_0 = arith.constant 0 : i32
    return %arg0, %c0_i32 : i32, i32
  }
  func.func @transform_5(%arg0: i32) -> (i32, i32) {
    %c0_i32 = arith.constant 0 : i32
    %c0_i32_0 = arith.constant 0 : i32
    %c0_i32_1 = arith.constant 0 : i32
    return %c0_i32, %c0_i32_0 : i32, i32
  }
}

</mosaic_0001>

<sc_bundles>
// kernel: kernel.11.cloned.1.call-start
scs
__scs_entry_jumppad:
0x0: {  	(pc) =	sbr.rel $0x88, $3  }
0x1: {  	(tag) =	ssettag $0x0;
	lr =	simm.s32 $0x1  }
0x2: {  	[smem:$0x3F9A] =	sst lr;
	_ =	strace $0xD0000000  }
0x3: {  	_ = 	snop  }
0x4: {  	_ = 	snop  }
0x5: {  	_ = 	snop  }
0x6: {  	_ = 	snop  }
0x7: {  	_ = 	snop  }
__scs_overlays_trampoline_lowered:
0x8: {  	[smem:$0x3FA9] =	sst s0  }
0x9: {  	[smem:$0x3FAA] =	sst s1  }
0xa: {  	[smem:$0x3FAB] =	sst s2  }
0xb: {  	[smem:$0x3FAC] =	sst s3  }
0xc: {  	[smem:$0x3FAD] =	sst s4  }
0xd: {  	[smem:$0x3FAE] =	sst s5  }
0xe: {  	[smem:$0x3FAF] =	sst s6  }
0xf: {  	[smem:$0x3FB0] =	sst s7  }
0x10: {  	[smem:$0x3FB1] =	sst s8  }
0x11: {  	[smem:$0x3FB2] =	sst s9;
	s0 =	simm.s32 @!p0 $0x0  }
0x12: {  	s1 =	sld [smem:$0x3F98];
	s0 =	simm.s32 @p0 $0x1  }
0x13: {  	[smem:$0x3FB3] =	sst s0;
	s0 =	simm.s32 @!p1 $0x0  }
0x14: {  	s2 =	sld [smem:$0x3F97];
	s0 =	simm.s32 @p1 $0x1  }
0x15: {  	[smem:$0x3FB4] =	sst s0;
	s0 =	simm.s32 @!p2 $0x0  }
0x16: {  	s3 =	sld [smem:$0x3FDB];
	s0 =	simm.s32 @p2 $0x1  }
0x17: {  	s4 =	simm.s32 $0x1BF5;
	[smem:$0x3FB6] =	sst s0  }
0x18: {  	s0 =	sld [smem:$0x3F99];
	_ =	swait.ge [sflag:s4], $0x0  }
0x19: {  	s7 =	sld [smem:$0x3F9A]  }
0x1a: {  	s8 =	sadd.s32 $0xFFFFE003, lr  }
0x1b: {  	s9 =	sadd.s32 $0xFFFFFEF7, lr;
	s5 =	simm.s32 $0xFFFFFFFF;
	p2 =	slt.u32 s8, $0xFFFFF086  }
0x1c: {  	p1 =	slt.u32 s9, $0xF7A;
	s5 =	simm.s32 @!p2 $0x0  }
0x1d: {  	s5 =	simm.s32 @p1 $0x1;
	p0 =	seq.s32 s7, s2  }
0x1e: {  	s7 =	smul.u32 @!p0 $0xF7A, s2;
	p2 =	seq.s32 @!p0 s5, $0x0  }
0x1f: {  	s9 =	smul.u32 $0xF7A, s1;
	s8 =	simm.s32 @!p0 $0x1BF5;
	p2 =	por !p2, p0  }
0x20: {  	[sflag:s8] =	ssyncset.s32 @!p0 $0xFFFFF086;
	s6 =	sadd.s32 @!p0 s3, s7;
	s7 =	simm.s32 @!p0 $0x108  }
0x21: {  	s3 =	sadd.s32 s3, s9;
	s6 =	sadd.s32 @!p0 $0x88, s6;
	s7 =	simm.s32 @p2 $0x1082  }
0x22: {  	[simem:s7], [sflag:s8] =	dma.local @!p0 [hbm:s6], $0xF7A  }
0x23: {  	s9 =	sor.u32 $0xD0000000, s2;
	s6 =	simm.s32 $0x108;
	_ =	swait.ge @!p0 [sflag:s8], $0x0  }
0x24: {  	s3 =	sadd.s32 $0x88, s3;
	s6 =	simm.s32 @!p1 $0x1082;
	[sflag:s4] =	ssyncset.s32 $0xFFFFF086  }
0x25: {  	[simem:s6], [sflag:s4] =	dma.local [hbm:s3], $0xF7A  }
0x26: {  	[smem:$0x3F9A] =	sst s1;
	(tag) =	ssettag s2;
	_ =	strace s9  }
0x27: {  	s1 =	sld [smem:$0x3FAA]  }
0x28: {  	s2 =	sld [smem:$0x3FAB]  }
0x29: {  	s4 =	sld [smem:$0x3FAD]  }
0x2a: {  	p0 =	seq.s32 s5, $0x0;
	s5 =	sld [smem:$0x3FAE]  }
0x2b: {  	s6 =	sld [smem:$0x3FAF]  }
0x2c: {  	s7 =	sld [smem:$0x3FB0]  }
0x2d: {  	s3 =	simm.s32 $0x108;
	s8 =	sld [smem:$0x3FB1]  }
0x2e: {  	s3 =	simm.s32 @!p0 $0x1082;
	s9 =	sld [smem:$0x3FB2]  }
0x2f: {  	lr =	sadd.s32 s0, s3;
	s0 =	sld [smem:$0x3FA9]  }
0x30: {  	s3 =	sld [smem:$0x3FAC]  }
0x31: {  	[smem:$0x3FB5] =	sst s10  }
0x32: {  	s10 =	sld [smem:$0x3FB3];
	_ =	sdelay $0x3  }
0x33: {  	p0 =	seq.s32 s10, $0x1;
	s10 =	sld [smem:$0x3FB5];
	_ =	sdelay $0x3  }
0x34: {  	[smem:$0x3FB5] =	sst s10  }
0x35: {  	s10 =	sld [smem:$0x3FB4];
	_ =	sdelay $0x3  }
0x36: {  	p1 =	seq.s32 s10, $0x1;
	s10 =	sld [smem:$0x3FB5];
	_ =	sdelay $0x3  }
0x37: {  	[smem:$0x3FB5] =	sst s10  }
0x38: {  	s10 =	sld [smem:$0x3FB6]  }
0x39: {  	_ = 	snop;
	(pc) =	sbr.ind lr, $3  }
0x3a: {  	_ = 	snop  }
0x3b: {  	_ = 	snop  }
0x3c: {  	p2 =	seq.s32 s10, $0x1;
	s10 =	sld [smem:$0x3FB5]  }
0x3d: {  	_ =	shalt  }
0x3e: {  	_ =	shalt  }
0x3f: {  	_ =	shalt  }
0x40: {  	_ =	shalt  }
0x41: {  	_ =	shalt  }
0x42: {  	_ =	shalt  }
0x43: {  	_ =	shalt  }
0x44: {  	_ =	shalt  }
0x45: {  	_ =	shalt  }
0x46: {  	_ =	shalt  }
0x47: {  	_ =	shalt  }
0x48: {  	_ =	shalt  }
0x49: {  	_ =	shalt  }
0x4a: {  	_ =	shalt  }
0x4b: {  	_ =	shalt  }
0x4c: {  	_ =	shalt  }
0x4d: {  	_ =	shalt  }
0x4e: {  	_ =	shalt  }
0x4f: {  	_ =	shalt  }
0x50: {  	_ =	shalt  }
0x51: {  	_ =	shalt  }
0x52: {  	_ =	shalt  }
0x53: {  	_ =	shalt  }
0x54: {  	_ =	shalt  }
0x55: {  	_ =	shalt  }
0x56: {  	_ =	shalt  }
0x57: {  	_ =	shalt  }
0x58: {  	_ =	shalt  }
0x59: {  	_ =	shalt  }
0x5a: {  	_ =	shalt  }
0x5b: {  	_ =	shalt  }
0x5c: {  	_ =	shalt  }
0x5d: {  	_ =	shalt  }
0x5e: {  	_ =	shalt  }
0x5f: {  	_ =	shalt  }
0x60: {  	_ =	shalt  }
0x61: {  	_ =	shalt  }
0x62: {  	_ =	shalt  }
0x63: {  	_ =	shalt  }
0x64: {  	_ =	shalt  }
0x65: {  	_ =	shalt  }
0x66: {  	_ =	shalt  }
0x67: {  	_ =	shalt  }
0x68: {  	_ =	shalt  }
0x69: {  	_ =	shalt  }
0x6a: {  	_ =	shalt  }
0x6b: {  	_ =	shalt  }
0x6c: {  	_ =	shalt  }
0x6d: {  	_ =	shalt  }
0x6e: {  	_ =	shalt  }
0x6f: {  	_ =	shalt  }
0x70: {  	_ =	shalt  }
0x71: {  	_ =	shalt  }
0x72: {  	_ =	shalt  }
0x73: {  	_ =	shalt  }
0x74: {  	_ =	shalt  }
0x75: {  	_ =	shalt  }
0x76: {  	_ =	shalt  }
0x77: {  	_ =	shalt  }
0x78: {  	_ =	shalt  }
0x79: {  	_ =	shalt  }
0x7a: {  	_ =	shalt  }
0x7b: {  	_ =	shalt  }
0x7c: {  	_ =	shalt  }
0x7d: {  	_ =	shalt  }
0x7e: {  	_ =	shalt  }
0x7f: {  	_ =	shalt  }
0x80: {  	_ =	shalt  }
0x81: {  	_ =	shalt  }
0x82: {  	_ =	shalt  }
0x83: {  	_ =	shalt  }
0x84: {  	_ =	shalt  }
0x85: {  	_ =	shalt  }
0x86: {  	_ =	shalt  }
0x87: {  	_ =	shalt  }
.Lfunc_end0:
.L_simem_size_0:
called_computation.1_lowered:
.L_overlay_start_0:
0x88: {  	s2 =	sld [smem:$0x3FD9]  }
0x89: {  	s3 =	sld [smem:$0x3FFE];
	_ =	sdelay $0x1  }
0x8a: {  	s1 =	srdreg.scid  }
0x8b: {  	s0 =	sand.u32 $0x1, s1  }
0x8c: {  	s16 =	sshll.u32 s0, $0xA;
	s2 =	sadd.s32 s3, s2  }
0x8d: {  	s2 =	sadd.s32 s2, s16  }
0x8e: {  	[smem:$0x3FC1] =	sst s2  }
0x8f: {  	_ = 	snop  }
0x90: {  	(tm) =	ssettm $0x1  }
0x91: {  	s17 =	sld [smem:$0x3FFB];
	_ =	sdelay $0x3  }
0x92: {  	_ =	strace s17  }
0x93: {  	s2 =	sld [smem:$0x3FFC];
	_ =	sdelay $0x3  }
0x94: {  	_ =	strace s2  }
0x95: {  	s2 =	sld [smem:$0x3FFD];
	_ =	sdelay $0x3  }
0x96: {  	_ =	strace s2  }
0x97: {  	_ =	strace $0x8FFFFFFF  }
0x98: {  	s18 =	sld [smem:$0x3FDB];
	_ =	sdelay $0x1  }
0x99: {  	s19 =	simm.s32 $_scs_section_size  }
0x9a: {  	s4 =	simm.s32 $_size__tile_overlayer_lowered;
	s5 =	simm.s32 $_tile_overlayer_lowered  }
0x9b: {  	s22 =	simm.s32 $0x1BFF;
	s21 =	sshll.u32 s5, $0x1;
	s2 =	sadd.s32 s19, s18  }
0x9c: {  	s6 =	simm.s32 $0x0;
	s20 =	sshll.u32 s4, $0x1;
	s4 =	sadd.s32 s21, s2  }
0x9d: {  	[timem:s6], [sflag:s22] =	dma.local [hbm:s4], s20  }
0x9e: {  	_ =	swait.ge [sflag:s22], s20  }
0x9f: {  	s3 =	ssub.s32 $0x0, s20;
	[sflag:s22] =	ssyncset.done $0x0  }
0xa0: {  	[sflag:s22] =	ssyncadd.s32 s3;
	_ =	sdelay $0x1  }
0xa1: {  	s23 =	simm.s32 $0x1B8B  }
0xa2: {  	_ =	swait.ge [sflag:s23], $0x1  }
0xa3: {  	[sflag:s23] =	ssyncset.done $0x0  }
0xa4: {  	s25 =	simm.s32 $0x1B8E;
	s24 =	sld [smem:$0x3FFE];
	[sflag:s23] =	ssyncadd.s32 $0xFFFFFFFF  }
0xa5: {  	s26 =	simm.s32 $execute0_lowered;
	[smem:$0x3FD2] =	sst s25  }
0xa6: {  	s4 =	sshll.u32 s26, $0x1;
	_ =	strace $0x80000049;
	[dreg:$0x1] =	wrdreg $0xFFFFFFFF  }
0xa7: {  	s28 =	simm.s32 $_size_execute0_lowered;
	s2 =	sadd.s32 s2, s4;
	[dreg:$0x0] =	wrdreg $0x0  }
0xa8: {  	s4 =	sshll.u32 s28, $0x1;
	[dreg:$0x2] =	wrdreg s2  }
0xa9: {  	[dreg:$0x3] =	wrdreg s4  }
0xaa: {  	[dreg:$0x4] =	wrdreg $0xC0  }
0xab: {  	_ =	task [dreg:s6], $0x5FFFF  }
0xac: {  	[dreg:$0x1] =	wrdreg $0xFFFFFFFF  }
0xad: {  	[dreg:$0x0] =	wrdreg $0x60  }
0xae: {  	[dreg:$0x2] =	wrdreg s24  }
0xaf: {  	[dreg:$0x3] =	wrdreg $0xB2200  }
0xb0: {  	[dreg:$0x4] =	wrdreg $0x9  }
0xb1: {  	_ =	task.clear_ibuf [dreg:s6], $0x5FFFF;
	_ =	strace $0x90000049  }
0xb2: {  	s29 =	simm.s32 $0x9;
	_ =	strace $0x8000004B  }
0xb3: {  	_ =	swait.ge [sflag:s29], $0x1  }
0xb4: {  	[sflag:s29] =	ssyncadd.s32 $0xFFFFFFFF  }
0xb5: {  	_ =	strace $0x9000004B  }
0xb6: {  	_ =	sfence  }
0xb7: {  	s30 =	sld [smem:$0x0];
	_ =	sdelay $0x2  }
0xb8: {  	s31 =	sshll.u32 s1, $0xD;
	s1 =	sshrl.u32 s1, $0x2  }
0xb9: {  	s3 =	sand.u32 $0x4000, s31;
	s1 =	sadd.s32 s1, s30  }
0xba: {  	s0 =	sor.u32 s3, s0;
	s1 =	sshll.u32 s1, $0x11  }
0xbb: {  	s0 =	sor.u32 s1, s0  }
0xbc: {  	s0 =	sadd.s32 $0x8F2B, s0  }
0xbd: {  	[sflag:s0] =	ssyncadd.remote.s32 $0x1  }
0xbe: {  	_ =	sfence.sel $0xFFFF  }
0xbf: {  	[dreg:$0x0] =	wrdreg $0xFFFFFFFF;
	(pc) =	sbr.abs _section_cstart, $3  }
0xc0: {  	[dreg:$0x1] =	wrdreg $0xFFFFFFFF  }
0xc1: {  	_ =	task.clear_ibuf [dreg:s6], $0x2FFFF;
	_ =	strace $0x9FFFFFFF  }
0xc2: {  	(tm) =	ssettm $0x7FFFFFFF  }
0xc3: {  	_ =	shalt  }
tec
execute0_lowered:
.L_overlay_start_1:
0x0: {  	(tag) =	ssettag $0x1  }
0x1: {  	s0 =	rddreg [dreg:$0x0]  }
0x2: {  	s2 =	rddreg [dreg:$0x1]  }
0x3: {  	s3 =	simm.s32 $0x0;
	s11 =	stileid.u32;
	s4 =	srdreg.scid  }
0x4: {  	s12 =	simm.s32 $0xB;
	s14 =	simm.s32 $0x50;
	s15 =	simm.s32 $0x4E20  }
0x5: {  	s16 =	simm.s32 $0x6220;
	s18 =	simm.s32 $0x7620;
	s20 =	simm.s32 $0x8A20  }
0x6: {  	s22 =	simm.s32 $0x9E20;
	s23 =	simm.s32 $0x1;
	s28 =	simm.s32 $0x5  }
0x7: {  	s29 =	simm.s32 $0x6;
	s30 =	simm.s32 $0x7;
	s31 =	simm.s32 $0x8  }
0x8: {  	s17 =	simm.s32 $0x0;
	[smem:$0x7FF] =	sst s3;
	s1 =	smul.u32 $0x14000, s11  }
0x9: {  	s5 =	smul.u32 $0x4E2, s11;
	s7 =	sand.u32 $0x1, s4;
	s4 =	sadd.s32 $0x52000, s0  }
0xa: {  	s26 =	sshll.u32 s11, $0x6;
	s11 =	simm.s32 $0x79200;
	_ =	strace $0x8000004A  }
0xb: {  	s8 =	ssub.s32 $0x2, s7;
	s13 =	smul.u32 $0x2710, s7;
	p0 =	seq.s32 s7, $0x1  }
0xc: {  	s6 =	sshrl.u32 s1, $0x4;
	s9 =	sadd.s32 s5, s0;
	s24 =	sshrl.u32 s8, $0x1  }
0xd: {  	s1 =	sshrl.u32 s1, $0x1;
	s11 =	simm.s32 @!p0 $0x8D200;
	s0 =	sadd.s32 s6, s0  }
0xe: {  	s10 =	ssub.s32 s8, s24;
	s1 =	sadd.s32 s1, s2;
	s6 =	sor.u32 $0x1C0B, s26  }
0xf: {  	s7 =	sadd.s32 $0x2800, s9;
	s8 =	sadd.s32 $0x7800, s9;
	s24 =	simm.s32 $0x2  }
0x10: {  	s26 =	simm.s32 $0x4;
	s25 =	sadd.s32 $0x3E000, s0;
	s9 =	smax.u32 s10, $0x1  }
0x11: {  	s10 =	sadd.s32 s11, s0;
	s11 =	sshrl.u32 s1, $0x3;
	s0 =	simm.s32 $0x9  }
0x12: {  	v0 =	vmov s13;
	s1 =	simm.s32 $0xA;
	[dreg:$0x3] =	wrdreg s25;
	s25 =	simm.s32 $0x3  }
.LBB2_1:
0x13: {  	s5 =	rddreg [dreg:$0x3]  }
0x14: {  	[spmem:s11], [sflag:s6] =	dma.local [hbm:s5], $0x1400  }
0x15: {  	_ =	swait.ge [sflag:s12], $0x1400  }
0x16: {  	[sflag:s12] =	ssyncset.done $0x0  }
0x17: {  	[sflag:s12] =	ssyncadd.s32 $0xFFFFEC00  }
0x18: {  	[tilespmem:s3], [sflag:$0xB] =	stream.linear.gather [hbm4b:s7+s3], $0x2710, $0x38;
	[tilespmem:$0x15220] =	vst v63  }
0x19: {  	_ =	swait.ge [sflag:s12], $0x2710  }
0x1a: {  	[sflag:s12] =	ssyncset.done $0x0  }
0x1b: {  	s13 =	simm.s32 $0x2710;
	[sflag:s12] =	ssyncadd.s32 $0xFFFFD8F0  }
0x1c: {  	[tilespmem:s13], [sflag:$0xB] =	stream.linear.gather [hbm4b:s8+s3], $0x2710, $0x38;
	[tilespmem:$0x15220] =	vst v63  }
0x1d: {  	_ =	swait.ge [sflag:s12], $0x2710  }
0x1e: {  	[sflag:s12] =	ssyncset.done $0x0  }
0x1f: {  	[sflag:s12] =	ssyncadd.s32 $0xFFFFD8F0  }
0x20: {  	[bflag:$0x0] =	sbarrier.arrive $0xFFFF  }
0x21: {  	v1 =	vld [tilespmem:$0x0]  }
0x22: {  	v2 =	vld [tilespmem:$0x10]  }
0x23: {  	v3 =	vld [tilespmem:$0x20]  }
0x24: {  	v4 =	vld [tilespmem:$0x30]  }
0x25: {  	v5 =	vld [tilespmem:$0x40]  }
0x26: {  	v1 =	vadd.s32 v0, v1  }
0x27: {  	[tilespmem:$0x0] =	vst v1;
	v1 =	vadd.s32 v0, v2  }
0x28: {  	[tilespmem:$0x10] =	vst v1;
	v1 =	vadd.s32 v0, v3  }
0x29: {  	[tilespmem:$0x20] =	vst v1;
	v1 =	vadd.s32 v0, v4  }
0x2a: {  	[tilespmem:$0x30] =	vst v1;
	v1 =	vadd.s32 v0, v5  }
0x2b: {  	[tilespmem:$0x40] =	vst v1  }
0x2c: {  	[tilespmem:s15], [sflag:$0x1] =	stream.indirect.gather [hbm4b:s4+s14], $0x40, s3, s14, $0xb8;
	[tilespmem:$0x15220] =	vst v63  }
0x2d: {  	v1 =	vld [tilespmem:$0x50]  }
0x2e: {  	v2 =	vld [tilespmem:$0x60]  }
0x2f: {  	v3 =	vld [tilespmem:$0x70]  }
0x30: {  	v50 =	vld [tilespmem:$0x80]  }
0x31: {  	v51 =	vld [tilespmem:$0x90]  }
0x32: {  	v1 =	vadd.s32 v0, v1  }
0x33: {  	[tilespmem:$0x50] =	vst v1;
	v1 =	vadd.s32 v0, v2  }
0x34: {  	[tilespmem:$0x60] =	vst v1;
	v1 =	vadd.s32 v0, v3  }
0x35: {  	[tilespmem:$0x70] =	vst v1;
	v1 =	vadd.s32 v0, v50  }
0x36: {  	[tilespmem:$0x80] =	vst v1;
	v1 =	vadd.s32 v0, v51  }
0x37: {  	[tilespmem:$0x90] =	vst v1  }
0x38: {  	[tilespmem:s16], [sflag:$0x2] =	stream.indirect.gather [hbm4b:s4+s14], $0x40, s14, s14, $0xb8;
	[tilespmem:$0x15220] =	vst v63  }
0x39: {  	v1 =	vld [tilespmem:$0xA0]  }
0x3a: {  	v2 =	vld [tilespmem:$0xB0]  }
0x3b: {  	v3 =	vld [tilespmem:$0xC0]  }
0x3c: {  	v52 =	vld [tilespmem:$0xD0]  }
0x3d: {  	v53 =	vld [tilespmem:$0xE0]  }
0x3e: {  	v1 =	vadd.s32 v0, v1  }
0x3f: {  	[tilespmem:$0xA0] =	vst v1;
	v1 =	vadd.s32 v0, v2  }
0x40: {  	[tilespmem:$0xB0] =	vst v1;
	v1 =	vadd.s32 v0, v3  }
0x41: {  	[tilespmem:$0xC0] =	vst v1;
	v1 =	vadd.s32 v0, v52  }
0x42: {  	[tilespmem:$0xD0] =	vst v1;
	v1 =	vadd.s32 v0, v53  }
0x43: {  	s19 =	simm.s32 $0xA0;
	[tilespmem:$0xE0] =	vst v1  }
0x44: {  	[tilespmem:s18], [sflag:$0x3] =	stream.indirect.gather [hbm4b:s4+s14], $0x40, s19, s14, $0xb8;
	[tilespmem:$0x15220] =	vst v63  }
0x45: {  	v1 =	vld [tilespmem:$0xF0]  }
0x46: {  	v2 =	vld [tilespmem:$0x100]  }
0x47: {  	v3 =	vld [tilespmem:$0x110]  }
0x48: {  	v54 =	vld [tilespmem:$0x120]  }
0x49: {  	v55 =	vld [tilespmem:$0x130]  }
0x4a: {  	v1 =	vadd.s32 v0, v1  }
0x4b: {  	[tilespmem:$0xF0] =	vst v1;
	v1 =	vadd.s32 v0, v2  }
0x4c: {  	[tilespmem:$0x100] =	vst v1;
	v1 =	vadd.s32 v0, v3  }
0x4d: {  	[tilespmem:$0x110] =	vst v1;
	v1 =	vadd.s32 v0, v54  }
0x4e: {  	[tilespmem:$0x120] =	vst v1;
	v1 =	vadd.s32 v0, v55  }
0x4f: {  	s21 =	simm.s32 $0xF0;
	[tilespmem:$0x130] =	vst v1  }
0x50: {  	[tilespmem:s20], [sflag:$0x4] =	stream.indirect.gather [hbm4b:s4+s14], $0x40, s21, s14, $0xb8;
	[tilespmem:$0x15220] =	vst v63  }
0x51: {  	v1 =	vld [tilespmem:$0x140]  }
0x52: {  	v2 =	vld [tilespmem:$0x150]  }
0x53: {  	v3 =	vld [tilespmem:$0x160]  }
0x54: {  	v56 =	vld [tilespmem:$0x170]  }
0x55: {  	v57 =	vld [tilespmem:$0x180]  }
0x56: {  	v1 =	vadd.s32 v0, v1  }
0x57: {  	[tilespmem:$0x140] =	vst v1;
	v1 =	vadd.s32 v0, v2  }
0x58: {  	[tilespmem:$0x150] =	vst v1;
	v1 =	vadd.s32 v0, v3  }
0x59: {  	[tilespmem:$0x160] =	vst v1;
	v1 =	vadd.s32 v0, v56  }
0x5a: {  	[tilespmem:$0x170] =	vst v1;
	v1 =	vadd.s32 v0, v57  }
0x5b: {  	s13 =	simm.s32 $0x140;
	[tilespmem:$0x180] =	vst v1  }
0x5c: {  	[tilespmem:s22], [sflag:$0x5] =	stream.indirect.gather [hbm4b:s4+s14], $0x40, s13, s14, $0xb8;
	[tilespmem:$0x15220] =	vst v63  }
0x5d: {  	_ =	swait.ge [sflag:s23], $0x1400  }
0x5e: {  	[sflag:s23] =	ssyncset.done $0x0  }
0x5f: {  	s13 =	simm.s32 $0x2710;
	[sflag:s23] =	ssyncadd.s32 $0xFFFFEC00  }
0x60: {  	[spmem:s2] =	stream.indirect.scatter.add.bf16 [tilespmem:s15], [sflag:$0x6], $0x40, s13, s14, $0xb8;
	[tilespmem:$0x15220] =	vst v63  }
0x61: {  	_ =	swait.ge [sflag:s24], $0x1400  }
0x62: {  	[sflag:s24] =	ssyncset.done $0x0  }
0x63: {  	s19 =	simm.s32 $0x2760;
	[sflag:s24] =	ssyncadd.s32 $0xFFFFEC00  }
0x64: {  	[spmem:s2] =	stream.indirect.scatter.add.bf16 [tilespmem:s16], [sflag:$0x7], $0x40, s19, s14, $0xb8;
	[tilespmem:$0x15220] =	vst v63  }
0x65: {  	_ =	swait.ge [sflag:s25], $0x1400  }
0x66: {  	[sflag:s25] =	ssyncset.done $0x0  }
0x67: {  	s21 =	simm.s32 $0x27B0;
	[sflag:s25] =	ssyncadd.s32 $0xFFFFEC00  }
0x68: {  	[spmem:s2] =	stream.indirect.scatter.add.bf16 [tilespmem:s18], [sflag:$0x8], $0x40, s21, s14, $0xb8;
	[tilespmem:$0x15220] =	vst v63  }
0x69: {  	_ =	swait.ge [sflag:s26], $0x1400  }
0x6a: {  	[sflag:s26] =	ssyncset.done $0x0  }
0x6b: {  	s5 =	simm.s32 $0x2800;
	[sflag:s26] =	ssyncadd.s32 $0xFFFFEC00  }
0x6c: {  	[spmem:s2] =	stream.indirect.scatter.add.bf16 [tilespmem:s20], [sflag:$0x9], $0x40, s5, s14, $0xb8;
	[tilespmem:$0x15220] =	vst v63  }
0x6d: {  	_ =	swait.ge [sflag:s28], $0x1400  }
0x6e: {  	[sflag:s28] =	ssyncset.done $0x0  }
0x6f: {  	s19 =	simm.s32 $0x2850;
	[sflag:s28] =	ssyncadd.s32 $0xFFFFEC00  }
0x70: {  	[spmem:s2] =	stream.indirect.scatter.add.bf16 [tilespmem:s22], [sflag:$0xA], $0x40, s19, s14, $0xb8;
	[tilespmem:$0x15220] =	vst v63  }
0x71: {  	_ =	swait.ge [sflag:s29], $0x1400  }
0x72: {  	[sflag:s29] =	ssyncset.done $0x0  }
0x73: {  	s19 =	simm.s32 $0x0;
	[sflag:s29] =	ssyncadd.s32 $0xFFFFEC00  }
0x74: {  	v1 =	vld [tilespmem:s19+$0x1C0]  }
0x75: {  	v2 =	vld [tilespmem:s19+$0x1A0]  }
0x76: {  	v3 =	vld [tilespmem:s19+$0x190]  }
0x77: {  	v59 =	vld [tilespmem:s19+$0x1D0]  }
0x78: {  	v58 =	vld [tilespmem:s19+$0x1B0]  }
0x79: {  	v1 =	vadd.s32 v0, v1  }
0x7a: {  	v2 =	vadd.s32 v0, v2;
	[tilespmem:s19+$0x1C0] =	vst v1  }
0x7b: {  	v1 =	vadd.s32 v0, v3;
	[tilespmem:s19+$0x1A0] =	vst v2  }
0x7c: {  	v2 =	vadd.s32 v0, v59;
	[tilespmem:s19+$0x190] =	vst v1  }
0x7d: {  	v1 =	vadd.s32 v0, v58;
	[tilespmem:s19+$0x1D0] =	vst v2  }
0x7e: {  	s21 =	simm.s32 $0x190;
	[tilespmem:s19+$0x1B0] =	vst v1  }
0x7f: {  	[tilespmem:s15], [sflag:$0x1] =	stream.indirect.gather [hbm4b:s4+s14], $0x40, s21, s14, $0xb8;
	[tilespmem:$0x15220] =	vst v63  }
0x80: {  	_ =	swait.ge [sflag:s30], $0x1400  }
0x81: {  	[sflag:s30] =	ssyncset.done $0x0  }
0x82: {  	[sflag:s30] =	ssyncadd.s32 $0xFFFFEC00  }
0x83: {  	v1 =	vld [tilespmem:s19+$0x1E0]  }
0x84: {  	v2 =	vld [tilespmem:s19+$0x1F0]  }
0x85: {  	v3 =	vld [tilespmem:s19+$0x200]  }
0x86: {  	v60 =	vld [tilespmem:s19+$0x210]  }
0x87: {  	v61 =	vld [tilespmem:s19+$0x220]  }
0x88: {  	v1 =	vadd.s32 v0, v1  }
0x89: {  	[tilespmem:s19+$0x1E0] =	vst v1;
	v1 =	vadd.s32 v0, v2  }
0x8a: {  	[tilespmem:s19+$0x1F0] =	vst v1;
	v1 =	vadd.s32 v0, v3  }
0x8b: {  	[tilespmem:s19+$0x200] =	vst v1;
	v1 =	vadd.s32 v0, v60  }
0x8c: {  	[tilespmem:s19+$0x210] =	vst v1;
	v1 =	vadd.s32 v0, v61  }
0x8d: {  	s5 =	simm.s32 $0x1E0;
	[tilespmem:s19+$0x220] =	vst v1  }
0x8e: {  	[tilespmem:s16], [sflag:$0x2] =	stream.indirect.gather [hbm4b:s4+s14], $0x40, s5, s14, $0xb8;
	[tilespmem:$0x15220] =	vst v63  }
0x8f: {  	_ =	swait.ge [sflag:s31], $0x1400  }
0x90: {  	[sflag:s31] =	ssyncset.done $0x0  }
0x91: {  	[sflag:s31] =	ssyncadd.s32 $0xFFFFEC00  }
0x92: {  	v1 =	vld [tilespmem:s19+$0x230]  }
0x93: {  	v2 =	vld [tilespmem:s19+$0x270]  }
0x94: {  	v3 =	vld [tilespmem:s19+$0x240]  }
0x95: {  	v62 =	vld [tilespmem:s19+$0x250]  }
0x96: {  	v63 =	vld [tilespmem:s19+$0x260]  }
0x97: {  	v1 =	vadd.s32 v0, v1  }
0x98: {  	[tilespmem:s19+$0x230] =	vst v1;
	v1 =	vadd.s32 v0, v2  }
0x99: {  	v2 =	vadd.s32 v0, v3;
	[tilespmem:s19+$0x270] =	vst v1  }
0x9a: {  	[tilespmem:s19+$0x240] =	vst v2;
	v1 =	vadd.s32 v0, v62  }
0x9b: {  	[tilespmem:s19+$0x250] =	vst v1;
	v1 =	vadd.s32 v0, v63  }
0x9c: {  	s21 =	simm.s32 $0x230;
	[tilespmem:s19+$0x260] =	vst v1  }
0x9d: {  	[tilespmem:s18], [sflag:$0x3] =	stream.indirect.gather [hbm4b:s4+s14], $0x40, s21, s14, $0xb8;
	[tilespmem:$0x15220] =	vst v63  }
0x9e: {  	_ =	swait.ge [sflag:s0], $0x1400  }
0x9f: {  	[sflag:s0] =	ssyncset.done $0x0  }
0xa0: {  	[sflag:s0] =	ssyncadd.s32 $0xFFFFEC00  }
0xa1: {  	s21 =	simm.s32 $0x640;
	v1 =	vld [tilespmem:s19+$0x280]  }
.LBB2_2:
0xa2: {  	p0 =	sne.s32 s21, $0x8FC0;
	v2 =	vld [tilespmem:s19+$0x2C0];
	s13 =	smov.u32 s21;
	s21 =	sadd.s32 $0x640, s21  }
0xa3: {  	v3 =	vld [tilespmem:s19+$0x290]  }
0xa4: {  	v4 =	vld [tilespmem:s19+$0x2A0]  }
0xa5: {  	v5 =	vld [tilespmem:s19+$0x2B0]  }
0xa6: {  	v1 =	vadd.s32 v0, v1  }
0xa7: {  	[tilespmem:s19+$0x280] =	vst v1;
	v1 =	vadd.s32 v0, v2  }
0xa8: {  	[tilespmem:s19+$0x2C0] =	vst v1  }
0xa9: {  	v1 =	vadd.s32 v0, v3;
	v2 =	vadd.s32 v0, v4  }
0xaa: {  	[tilespmem:s19+$0x290] =	vst v1;
	v1 =	vadd.s32 v0, v5  }
0xab: {  	[tilespmem:s19+$0x2A0] =	vst v2  }
0xac: {  	s5 =	sadd.s32 $0x280, s19;
	[tilespmem:s19+$0x2B0] =	vst v1  }
0xad: {  	[tilespmem:s20], [sflag:$0x4] =	stream.indirect.gather [hbm4b:s4+s14], $0x40, s5, s14, $0xb8;
	[tilespmem:$0x15220] =	vst v63  }
0xae: {  	_ =	swait.ge [sflag:s1], $0x1400  }
0xaf: {  	[sflag:s1] =	ssyncset.done $0x0  }
0xb0: {  	[sflag:s1] =	ssyncadd.s32 $0xFFFFEC00  }
0xb1: {  	v1 =	vld [tilespmem:s19+$0x2D0]  }
0xb2: {  	v2 =	vld [tilespmem:s19+$0x2E0]  }
0xb3: {  	v3 =	vld [tilespmem:s19+$0x2F0]  }
0xb4: {  	v4 =	vld [tilespmem:s19+$0x300]  }
0xb5: {  	v5 =	vld [tilespmem:s19+$0x310]  }
0xb6: {  	v1 =	vadd.s32 v0, v1  }
0xb7: {  	[tilespmem:s19+$0x2D0] =	vst v1;
	v1 =	vadd.s32 v0, v2  }
0xb8: {  	[tilespmem:s19+$0x2E0] =	vst v1;
	v1 =	vadd.s32 v0, v3  }
0xb9: {  	[tilespmem:s19+$0x2F0] =	vst v1;
	v1 =	vadd.s32 v0, v4  }
0xba: {  	s5 =	sadd.s32 $0x2D0, s19;
	[tilespmem:s19+$0x300] =	vst v1;
	v1 =	vadd.s32 v0, v5  }
0xbb: {  	[tilespmem:s19+$0x310] =	vst v1  }
0xbc: {  	[tilespmem:s22], [sflag:$0x5] =	stream.indirect.gather [hbm4b:s4+s14], $0x40, s5, s14, $0xb8;
	[tilespmem:$0x15220] =	vst v63  }
0xbd: {  	_ =	swait.ge [sflag:s23], $0x1400  }
0xbe: {  	s19 =	sshra.s32 s13, $0x2;
	[sflag:s23] =	ssyncset.done $0x0  }
0xbf: {  	s5 =	sadd.s32 $0x2710, s19;
	[sflag:s23] =	ssyncadd.s32 $0xFFFFEC00  }
0xc0: {  	[spmem:s2] =	stream.indirect.scatter.add.bf16 [tilespmem:s15], [sflag:$0x6], $0x40, s5, s14, $0xb8;
	[tilespmem:$0x15220] =	vst v63  }
0xc1: {  	_ =	swait.ge [sflag:s24], $0x1400  }
0xc2: {  	[sflag:s24] =	ssyncset.done $0x0  }
0xc3: {  	s5 =	sadd.s32 $0x2760, s19;
	[sflag:s24] =	ssyncadd.s32 $0xFFFFEC00  }
0xc4: {  	[spmem:s2] =	stream.indirect.scatter.add.bf16 [tilespmem:s16], [sflag:$0x7], $0x40, s5, s14, $0xb8;
	[tilespmem:$0x15220] =	vst v63  }
0xc5: {  	_ =	swait.ge [sflag:s25], $0x1400  }
0xc6: {  	[sflag:s25] =	ssyncset.done $0x0  }
0xc7: {  	s5 =	sadd.s32 $0x27B0, s19;
	[sflag:s25] =	ssyncadd.s32 $0xFFFFEC00  }
0xc8: {  	[spmem:s2] =	stream.indirect.scatter.add.bf16 [tilespmem:s18], [sflag:$0x8], $0x40, s5, s14, $0xb8;
	[tilespmem:$0x15220] =	vst v63  }
0xc9: {  	_ =	swait.ge [sflag:s26], $0x1400  }
0xca: {  	[sflag:s26] =	ssyncset.done $0x0  }
0xcb: {  	s5 =	sadd.s32 $0x2800, s19;
	[sflag:s26] =	ssyncadd.s32 $0xFFFFEC00  }
0xcc: {  	[spmem:s2] =	stream.indirect.scatter.add.bf16 [tilespmem:s20], [sflag:$0x9], $0x40, s5, s14, $0xb8;
	[tilespmem:$0x15220] =	vst v63  }
0xcd: {  	_ =	swait.ge [sflag:s28], $0x1400  }
0xce: {  	[sflag:s28] =	ssyncset.done $0x0  }
0xcf: {  	s5 =	sadd.s32 $0x2850, s19;
	[sflag:s28] =	ssyncadd.s32 $0xFFFFEC00  }
0xd0: {  	[spmem:s2] =	stream.indirect.scatter.add.bf16 [tilespmem:s22], [sflag:$0xA], $0x40, s5, s14, $0xb8;
	[tilespmem:$0x15220] =	vst v63  }
0xd1: {  	_ =	swait.ge [sflag:s29], $0x1400  }
0xd2: {  	[sflag:s29] =	ssyncset.done $0x0  }
0xd3: {  	[sflag:s29] =	ssyncadd.s32 $0xFFFFEC00  }
0xd4: {  	v1 =	vld [tilespmem:s19+$0x1D0]  }
0xd5: {  	v2 =	vld [tilespmem:s19+$0x1C0]  }
0xd6: {  	v3 =	vld [tilespmem:s19+$0x1A0]  }
0xd7: {  	v4 =	vld [tilespmem:s19+$0x190]  }
0xd8: {  	v5 =	vld [tilespmem:s19+$0x1B0];
	_ =	sdelay $0x1  }
0xd9: {  	v1 =	vadd.s32 v0, v1;
	v2 =	vadd.s32 v0, v2  }
0xda: {  	v3 =	vadd.s32 v0, v3;
	[tilespmem:s19+$0x1C0] =	vst v2  }
0xdb: {  	v2 =	vadd.s32 v0, v4;
	[tilespmem:s19+$0x1A0] =	vst v3  }
0xdc: {  	[tilespmem:s19+$0x190] =	vst v2;
	v2 =	vadd.s32 v0, v5  }
0xdd: {  	[tilespmem:s19+$0x1B0] =	vst v2  }
0xde: {  	s5 =	sadd.s32 $0x190, s19;
	[tilespmem:s19+$0x1D0] =	vst v1  }
0xdf: {  	[tilespmem:s15], [sflag:$0x1] =	stream.indirect.gather [hbm4b:s4+s14], $0x40, s5, s14, $0xb8;
	[tilespmem:$0x15220] =	vst v63  }
0xe0: {  	_ =	swait.ge [sflag:s30], $0x1400  }
0xe1: {  	[sflag:s30] =	ssyncset.done $0x0  }
0xe2: {  	[sflag:s30] =	ssyncadd.s32 $0xFFFFEC00  }
0xe3: {  	v1 =	vld [tilespmem:s19+$0x1E0]  }
0xe4: {  	v2 =	vld [tilespmem:s19+$0x1F0]  }
0xe5: {  	v3 =	vld [tilespmem:s19+$0x200]  }
0xe6: {  	v4 =	vld [tilespmem:s19+$0x210]  }
0xe7: {  	v5 =	vld [tilespmem:s19+$0x220]  }
0xe8: {  	v1 =	vadd.s32 v0, v1  }
0xe9: {  	[tilespmem:s19+$0x1E0] =	vst v1;
	v1 =	vadd.s32 v0, v2  }
0xea: {  	[tilespmem:s19+$0x1F0] =	vst v1;
	v1 =	vadd.s32 v0, v3  }
0xeb: {  	[tilespmem:s19+$0x200] =	vst v1;
	v1 =	vadd.s32 v0, v4  }
0xec: {  	[tilespmem:s19+$0x210] =	vst v1;
	v1 =	vadd.s32 v0, v5  }
0xed: {  	s5 =	sadd.s32 $0x1E0, s19;
	[tilespmem:s19+$0x220] =	vst v1  }
0xee: {  	[tilespmem:s16], [sflag:$0x2] =	stream.indirect.gather [hbm4b:s4+s14], $0x40, s5, s14, $0xb8;
	[tilespmem:$0x15220] =	vst v63  }
0xef: {  	_ =	swait.ge [sflag:s31], $0x1400  }
0xf0: {  	[sflag:s31] =	ssyncset.done $0x0  }
0xf1: {  	[sflag:s31] =	ssyncadd.s32 $0xFFFFEC00  }
0xf2: {  	v1 =	vld [tilespmem:s19+$0x230]  }
0xf3: {  	v2 =	vld [tilespmem:s19+$0x270]  }
0xf4: {  	v3 =	vld [tilespmem:s19+$0x240]  }
0xf5: {  	v4 =	vld [tilespmem:s19+$0x250]  }
0xf6: {  	v5 =	vld [tilespmem:s19+$0x260]  }
0xf7: {  	v1 =	vadd.s32 v0, v1  }
0xf8: {  	[tilespmem:s19+$0x230] =	vst v1;
	v1 =	vadd.s32 v0, v2  }
0xf9: {  	v2 =	vadd.s32 v0, v3;
	[tilespmem:s19+$0x270] =	vst v1  }
0xfa: {  	[tilespmem:s19+$0x240] =	vst v2;
	v1 =	vadd.s32 v0, v4  }
0xfb: {  	[tilespmem:s19+$0x250] =	vst v1;
	v1 =	vadd.s32 v0, v5  }
0xfc: {  	s5 =	sadd.s32 $0x230, s19;
	[tilespmem:s19+$0x260] =	vst v1  }
0xfd: {  	[tilespmem:s18], [sflag:$0x3] =	stream.indirect.gather [hbm4b:s4+s14], $0x40, s5, s14, $0xb8;
	[tilespmem:$0x15220] =	vst v63  }
.Ltmp0:
0xfe: {  	_ = 	snop;
	(pc) =	sbr.rel @p0 .LBB2_2-.Ltmp0, $4  }
0xff: {  	_ =	swait.ge [sflag:s0], $0x1400  }
0x100: {  	[sflag:s0] =	ssyncset.done $0x0  }
0x101: {  	[sflag:s0] =	ssyncadd.s32 $0xFFFFEC00  }
0x102: {  	v1 =	vld [tilespmem:s19+$0x280]  }
0x103: {  	v2 =	vld [tilespmem:s19+$0x2C0]  }
0x104: {  	v4 =	vld [tilespmem:s19+$0x2A0]  }
0x105: {  	v3 =	vld [tilespmem:s19+$0x290]  }
0x106: {  	v5 =	vld [tilespmem:s19+$0x2B0]  }
0x107: {  	v1 =	vadd.s32 v0, v1  }
0x108: {  	[tilespmem:s19+$0x280] =	vst v1;
	v1 =	vadd.s32 v0, v2  }
0x109: {  	v2 =	vadd.s32 v0, v4;
	[tilespmem:s19+$0x2C0] =	vst v1  }
0x10a: {  	v1 =	vadd.s32 v0, v3;
	[tilespmem:s19+$0x2A0] =	vst v2  }
0x10b: {  	[tilespmem:s19+$0x290] =	vst v1;
	v1 =	vadd.s32 v0, v5  }
0x10c: {  	s5 =	sadd.s32 $0x280, s19;
	[tilespmem:s19+$0x2B0] =	vst v1  }
0x10d: {  	[tilespmem:s20], [sflag:$0x4] =	stream.indirect.gather [hbm4b:s4+s14], $0x40, s5, s14, $0xb8;
	[tilespmem:$0x15220] =	vst v63  }
0x10e: {  	_ =	swait.ge [sflag:s1], $0x1400  }
0x10f: {  	[sflag:s1] =	ssyncset.done $0x0  }
0x110: {  	[sflag:s1] =	ssyncadd.s32 $0xFFFFEC00  }
0x111: {  	v1 =	vld [tilespmem:s19+$0x2D0]  }
0x112: {  	v2 =	vld [tilespmem:s19+$0x2E0]  }
0x113: {  	v3 =	vld [tilespmem:s19+$0x2F0]  }
0x114: {  	v62 =	vld [tilespmem:s19+$0x300]  }
0x115: {  	v63 =	vld [tilespmem:s19+$0x310]  }
0x116: {  	v1 =	vadd.s32 v0, v1  }
0x117: {  	[tilespmem:s19+$0x2D0] =	vst v1;
	v1 =	vadd.s32 v0, v2  }
0x118: {  	[tilespmem:s19+$0x2E0] =	vst v1;
	v1 =	vadd.s32 v0, v3  }
0x119: {  	[tilespmem:s19+$0x2F0] =	vst v1;
	v1 =	vadd.s32 v0, v62  }
0x11a: {  	[tilespmem:s19+$0x300] =	vst v1;
	v1 =	vadd.s32 v0, v63  }
0x11b: {  	s13 =	sadd.s32 $0x2D0, s19;
	[tilespmem:s19+$0x310] =	vst v1  }
0x11c: {  	[tilespmem:s22], [sflag:$0x5] =	stream.indirect.gather [hbm4b:s4+s14], $0x40, s13, s14, $0xb8;
	[tilespmem:$0x15220] =	vst v63  }
0x11d: {  	_ =	swait.ge [sflag:s23], $0x1400  }
0x11e: {  	[sflag:s23] =	ssyncset.done $0x0  }
0x11f: {  	s19 =	simm.s32 $0x4C90;
	[sflag:s23] =	ssyncadd.s32 $0xFFFFEC00  }
0x120: {  	[spmem:s2] =	stream.indirect.scatter.add.bf16 [tilespmem:s15], [sflag:$0x6], $0x40, s19, s14, $0xb8;
	[tilespmem:$0x15220] =	vst v63  }
0x121: {  	_ =	swait.ge [sflag:s24], $0x1400  }
0x122: {  	[sflag:s24] =	ssyncset.done $0x0  }
0x123: {  	s21 =	simm.s32 $0x4CE0;
	[sflag:s24] =	ssyncadd.s32 $0xFFFFEC00  }
0x124: {  	[spmem:s2] =	stream.indirect.scatter.add.bf16 [tilespmem:s16], [sflag:$0x7], $0x40, s21, s14, $0xb8;
	[tilespmem:$0x15220] =	vst v63  }
0x125: {  	_ =	swait.ge [sflag:s25], $0x1400  }
0x126: {  	[sflag:s25] =	ssyncset.done $0x0  }
0x127: {  	s13 =	simm.s32 $0x4D30;
	[sflag:s25] =	ssyncadd.s32 $0xFFFFEC00  }
0x128: {  	[spmem:s2] =	stream.indirect.scatter.add.bf16 [tilespmem:s18], [sflag:$0x8], $0x40, s13, s14, $0xb8;
	[tilespmem:$0x15220] =	vst v63  }
0x129: {  	_ =	swait.ge [sflag:s26], $0x1400  }
0x12a: {  	[sflag:s26] =	ssyncset.done $0x0  }
0x12b: {  	s19 =	simm.s32 $0x4D80;
	[sflag:s26] =	ssyncadd.s32 $0xFFFFEC00  }
0x12c: {  	[spmem:s2] =	stream.indirect.scatter.add.bf16 [tilespmem:s20], [sflag:$0x9], $0x40, s19, s14, $0xb8;
	[tilespmem:$0x15220] =	vst v63  }
0x12d: {  	_ =	swait.ge [sflag:s28], $0x1400  }
0x12e: {  	[sflag:s28] =	ssyncset.done $0x0  }
0x12f: {  	s21 =	simm.s32 $0x4DD0;
	[sflag:s28] =	ssyncadd.s32 $0xFFFFEC00  }
0x130: {  	[spmem:s2] =	stream.indirect.scatter.add.bf16 [tilespmem:s22], [sflag:$0xA], $0x40, s21, s14, $0xb8;
	[tilespmem:$0x15220] =	vst v63  }
0x131: {  	_ =	swait.ge [sflag:s29], $0x1400  }
0x132: {  	[sflag:s29] =	ssyncset.done $0x0  }
0x133: {  	[sflag:s29] =	ssyncadd.s32 $0xFFFFEC00  }
0x134: {  	_ =	swait.ge [sflag:s30], $0x1400  }
0x135: {  	[sflag:s30] =	ssyncset.done $0x0  }
0x136: {  	[sflag:s30] =	ssyncadd.s32 $0xFFFFEC00  }
0x137: {  	_ =	swait.ge [sflag:s31], $0x1400  }
0x138: {  	[sflag:s31] =	ssyncset.done $0x0  }
0x139: {  	[sflag:s31] =	ssyncadd.s32 $0xFFFFEC00  }
0x13a: {  	_ =	swait.ge [sflag:s0], $0x1400  }
0x13b: {  	[sflag:s0] =	ssyncset.done $0x0  }
0x13c: {  	[sflag:s0] =	ssyncadd.s32 $0xFFFFEC00  }
0x13d: {  	_ =	swait.ge [sflag:s1], $0x1400  }
0x13e: {  	s17 =	sadd.s32 $0x1, s17;
	[sflag:s1] =	ssyncset.done $0x0  }
0x13f: {  	p0 =	sne.s32 s17, s9;
	[sflag:s1] =	ssyncadd.s32 $0xFFFFEC00  }
.Ltmp1:
0x140: {  	[bflag:$0x0] =	sbarrier.arrive $0xFFFF;
	(pc) =	sbr.rel @p0 .LBB2_1-.Ltmp1, $4  }
0x141: {  	[hbm:s10], [sflag:s6] =	dma.local [spmem:s11], $0x1400  }
0x142: {  	_ =	swait.ge [sflag:s12], $0x1400  }
0x143: {  	[sflag:s12] =	ssyncset.done $0x0  }
0x144: {  	[sflag:s12] =	ssyncadd.s32 $0xFFFFEC00  }
0x145: {  	_ =	sfence.sel $0x180000  }
0x146: {  	[bflag:$0x0] =	sbarrier.arrive $0xFFFF  }
0x147: {  	_ =	strace $0x9000004A  }
0x148: {  	s0 =	stileid.u32;
	[bflag:$0x2] =	sbarrier.arrive $0xFFFF  }
0x149: {  	p0 =	sne.s32 s0, $0x0;
	s0 =	rddreg [dreg:$0x2]  }
0x14a: {  	s0 =	sadd.s32 @!p0 $0x100000, s0  }
0x14b: {  	[sflag:s0] =	ssyncadd.tile.s32 @!p0 $0x1;
	_ =	shalt  }
.Lfunc_end2:
_tile_overlayer_lowered:
.L_overlay_start_2:
0x14c: {  	(tag) =	ssettag $0x2  }
0x14d: {  	s0 =	rddreg [dreg:$0x0];
	s2 =	stileid.u32  }
0x14e: {  	s1 =	rddreg [dreg:$0x1];
	p0 =	sne.s32 s2, $0x0  }
0x14f: {  	s3 =	rddreg [dreg:$0x2];
	[bflag:$0x3] =	sbarrier.arrive $0xFFFF;
	s2 =	simm.s32 @!p0 $0x1C0B  }
0x150: {  	[timem:s3], [sflag:s2] =	dma.local @!p0 [hbm:s0], s1  }
0x151: {  	s0 =	simm.s32 @!p0 $0xB  }
0x152: {  	_ =	swait.ge @!p0 [sflag:s0], s1  }
0x153: {  	s1 =	ssub.s32 @!p0 $0x0, s1;
	[sflag:s0] =	ssyncset.done @!p0 $0x0  }
0x154: {  	[sflag:s0] =	ssyncadd.s32 @!p0 s1  }
0x155: {  	[bflag:$0x3] =	sbarrier.arrive $0xFFFF  }
0x156: {  	_ =	shalt  }

// kernel: kernel.14.cloned.1.call-start
scs
__scs_entry_jumppad:
0x0: {  	(pc) =	sbr.rel $0x88, $3  }
0x1: {  	(tag) =	ssettag $0x0;
	lr =	simm.s32 $0x1  }
0x2: {  	[smem:$0x3F9A] =	sst lr;
	_ =	strace $0xD0000000  }
0x3: {  	_ = 	snop  }
0x4: {  	_ = 	snop  }
0x5: {  	_ = 	snop  }
0x6: {  	_ = 	snop  }
0x7: {  	_ = 	snop  }
__scs_overlays_trampoline_lowered:
0x8: {  	[smem:$0x3FA9] =	sst s0  }
0x9: {  	[smem:$0x3FAA] =	sst s1  }
0xa: {  	[smem:$0x3FAB] =	sst s2  }
0xb: {  	[smem:$0x3FAC] =	sst s3  }
0xc: {  	[smem:$0x3FAD] =	sst s4  }
0xd: {  	[smem:$0x3FAE] =	sst s5  }
0xe: {  	[smem:$0x3FAF] =	sst s6  }
0xf: {  	[smem:$0x3FB0] =	sst s7  }
0x10: {  	[smem:$0x3FB1] =	sst s8  }
0x11: {  	[smem:$0x3FB2] =	sst s9;
	s0 =	simm.s32 @!p0 $0x0  }
0x12: {  	s1 =	sld [smem:$0x3F98];
	s0 =	simm.s32 @p0 $0x1  }
0x13: {  	[smem:$0x3FB3] =	sst s0;
	s0 =	simm.s32 @!p1 $0x0  }
0x14: {  	s2 =	sld [smem:$0x3F97];
	s0 =	simm.s32 @p1 $0x1  }
0x15: {  	[smem:$0x3FB4] =	sst s0;
	s0 =	simm.s32 @!p2 $0x0  }
0x16: {  	s3 =	sld [smem:$0x3FDB];
	s0 =	simm.s32 @p2 $0x1  }
0x17: {  	s4 =	simm.s32 $0x1BF5;
	[smem:$0x3FB6] =	sst s0  }
0x18: {  	s0 =	sld [smem:$0x3F99];
	_ =	swait.ge [sflag:s4], $0x0  }
0x19: {  	s7 =	sld [smem:$0x3F9A]  }
0x1a: {  	s8 =	sadd.s32 $0xFFFFE003, lr  }
0x1b: {  	s9 =	sadd.s32 $0xFFFFFEF7, lr;
	s5 =	simm.s32 $0xFFFFFFFF;
	p2 =	slt.u32 s8, $0xFFFFF086  }
0x1c: {  	p1 =	slt.u32 s9, $0xF7A;
	s5 =	simm.s32 @!p2 $0x0  }
0x1d: {  	s5 =	simm.s32 @p1 $0x1;
	p0 =	seq.s32 s7, s2  }
0x1e: {  	s7 =	smul.u32 @!p0 $0xF7A, s2;
	p2 =	seq.s32 @!p0 s5, $0x0  }
0x1f: {  	s9 =	smul.u32 $0xF7A, s1;
	s8 =	simm.s32 @!p0 $0x1BF5;
	p2 =	por !p2, p0  }
0x20: {  	[sflag:s8] =	ssyncset.s32 @!p0 $0xFFFFF086;
	s6 =	sadd.s32 @!p0 s3, s7;
	s7 =	simm.s32 @!p0 $0x108  }
0x21: {  	s3 =	sadd.s32 s3, s9;
	s6 =	sadd.s32 @!p0 $0x88, s6;
	s7 =	simm.s32 @p2 $0x1082  }
0x22: {  	[simem:s7], [sflag:s8] =	dma.local @!p0 [hbm:s6], $0xF7A  }
0x23: {  	s9 =	sor.u32 $0xD0000000, s2;
	s6 =	simm.s32 $0x108;
	_ =	swait.ge @!p0 [sflag:s8], $0x0  }
0x24: {  	s3 =	sadd.s32 $0x88, s3;
	s6 =	simm.s32 @!p1 $0x1082;
	[sflag:s4] =	ssyncset.s32 $0xFFFFF086  }
0x25: {  	[simem:s6], [sflag:s4] =	dma.local [hbm:s3], $0xF7A  }
0x26: {  	[smem:$0x3F9A] =	sst s1;
	(tag) =	ssettag s2;
	_ =	strace s9  }
0x27: {  	s1 =	sld [smem:$0x3FAA]  }
0x28: {  	s2 =	sld [smem:$0x3FAB]  }
0x29: {  	s4 =	sld [smem:$0x3FAD]  }
0x2a: {  	p0 =	seq.s32 s5, $0x0;
	s5 =	sld [smem:$0x3FAE]  }
0x2b: {  	s6 =	sld [smem:$0x3FAF]  }
0x2c: {  	s7 =	sld [smem:$0x3FB0]  }
0x2d: {  	s3 =	simm.s32 $0x108;
	s8 =	sld [smem:$0x3FB1]  }
0x2e: {  	s3 =	simm.s32 @!p0 $0x1082;
	s9 =	sld [smem:$0x3FB2]  }
0x2f: {  	lr =	sadd.s32 s0, s3;
	s0 =	sld [smem:$0x3FA9]  }
0x30: {  	s3 =	sld [smem:$0x3FAC]  }
0x31: {  	[smem:$0x3FB5] =	sst s10  }
0x32: {  	s10 =	sld [smem:$0x3FB3];
	_ =	sdelay $0x3  }
0x33: {  	p0 =	seq.s32 s10, $0x1;
	s10 =	sld [smem:$0x3FB5];
	_ =	sdelay $0x3  }
0x34: {  	[smem:$0x3FB5] =	sst s10  }
0x35: {  	s10 =	sld [smem:$0x3FB4];
	_ =	sdelay $0x3  }
0x36: {  	p1 =	seq.s32 s10, $0x1;
	s10 =	sld [smem:$0x3FB5];
	_ =	sdelay $0x3  }
0x37: {  	[smem:$0x3FB5] =	sst s10  }
0x38: {  	s10 =	sld [smem:$0x3FB6]  }
0x39: {  	_ = 	snop;
	(pc) =	sbr.ind lr, $3  }
0x3a: {  	_ = 	snop  }
0x3b: {  	_ = 	snop  }
0x3c: {  	p2 =	seq.s32 s10, $0x1;
	s10 =	sld [smem:$0x3FB5]  }
0x3d: {  	_ =	shalt  }
0x3e: {  	_ =	shalt  }
0x3f: {  	_ =	shalt  }
0x40: {  	_ =	shalt  }
0x41: {  	_ =	shalt  }
0x42: {  	_ =	shalt  }
0x43: {  	_ =	shalt  }
0x44: {  	_ =	shalt  }
0x45: {  	_ =	shalt  }
0x46: {  	_ =	shalt  }
0x47: {  	_ =	shalt  }
0x48: {  	_ =	shalt  }
0x49: {  	_ =	shalt  }
0x4a: {  	_ =	shalt  }
0x4b: {  	_ =	shalt  }
0x4c: {  	_ =	shalt  }
0x4d: {  	_ =	shalt  }
0x4e: {  	_ =	shalt  }
0x4f: {  	_ =	shalt  }
0x50: {  	_ =	shalt  }
0x51: {  	_ =	shalt  }
0x52: {  	_ =	shalt  }
0x53: {  	_ =	shalt  }
0x54: {  	_ =	shalt  }
0x55: {  	_ =	shalt  }
0x56: {  	_ =	shalt  }
0x57: {  	_ =	shalt  }
0x58: {  	_ =	shalt  }
0x59: {  	_ =	shalt  }
0x5a: {  	_ =	shalt  }
0x5b: {  	_ =	shalt  }
0x5c: {  	_ =	shalt  }
0x5d: {  	_ =	shalt  }
0x5e: {  	_ =	shalt  }
0x5f: {  	_ =	shalt  }
0x60: {  	_ =	shalt  }
0x61: {  	_ =	shalt  }
0x62: {  	_ =	shalt  }
0x63: {  	_ =	shalt  }
0x64: {  	_ =	shalt  }
0x65: {  	_ =	shalt  }
0x66: {  	_ =	shalt  }
0x67: {  	_ =	shalt  }
0x68: {  	_ =	shalt  }
0x69: {  	_ =	shalt  }
0x6a: {  	_ =	shalt  }
0x6b: {  	_ =	shalt  }
0x6c: {  	_ =	shalt  }
0x6d: {  	_ =	shalt  }
0x6e: {  	_ =	shalt  }
0x6f: {  	_ =	shalt  }
0x70: {  	_ =	shalt  }
0x71: {  	_ =	shalt  }
0x72: {  	_ =	shalt  }
0x73: {  	_ =	shalt  }
0x74: {  	_ =	shalt  }
0x75: {  	_ =	shalt  }
0x76: {  	_ =	shalt  }
0x77: {  	_ =	shalt  }
0x78: {  	_ =	shalt  }
0x79: {  	_ =	shalt  }
0x7a: {  	_ =	shalt  }
0x7b: {  	_ =	shalt  }
0x7c: {  	_ =	shalt  }
0x7d: {  	_ =	shalt  }
0x7e: {  	_ =	shalt  }
0x7f: {  	_ =	shalt  }
0x80: {  	_ =	shalt  }
0x81: {  	_ =	shalt  }
0x82: {  	_ =	shalt  }
0x83: {  	_ =	shalt  }
0x84: {  	_ =	shalt  }
0x85: {  	_ =	shalt  }
0x86: {  	_ =	shalt  }
0x87: {  	_ =	shalt  }
.Lfunc_end0:
.L_simem_size_0:
called_computation.2_lowered:
.L_overlay_start_0:
0x88: {  	s2 =	sld [smem:$0x3FD9]  }
0x89: {  	s3 =	sld [smem:$0x3FFE];
	_ =	sdelay $0x1  }
0x8a: {  	s1 =	srdreg.scid  }
0x8b: {  	s0 =	sand.u32 $0x1, s1  }
0x8c: {  	s16 =	sshll.u32 s0, $0xA;
	s2 =	sadd.s32 s3, s2  }
0x8d: {  	s2 =	sadd.s32 s2, s16  }
0x8e: {  	[smem:$0x3FC1] =	sst s2  }
0x8f: {  	_ = 	snop  }
0x90: {  	(tm) =	ssettm $0x1  }
0x91: {  	s17 =	sld [smem:$0x3FFB];
	_ =	sdelay $0x3  }
0x92: {  	_ =	strace s17  }
0x93: {  	s2 =	sld [smem:$0x3FFC];
	_ =	sdelay $0x3  }
0x94: {  	_ =	strace s2  }
0x95: {  	s2 =	sld [smem:$0x3FFD];
	_ =	sdelay $0x3  }
0x96: {  	_ =	strace s2  }
0x97: {  	_ =	strace $0x8FFFFFFF  }
0x98: {  	s18 =	sld [smem:$0x3FDB];
	_ =	sdelay $0x1  }
0x99: {  	s19 =	simm.s32 $_scs_section_size  }
0x9a: {  	s4 =	simm.s32 $_size__tile_overlayer_lowered;
	s5 =	simm.s32 $_tile_overlayer_lowered  }
0x9b: {  	s22 =	simm.s32 $0x1BFF;
	s21 =	sshll.u32 s5, $0x1;
	s2 =	sadd.s32 s19, s18  }
0x9c: {  	s6 =	simm.s32 $0x0;
	s20 =	sshll.u32 s4, $0x1;
	s4 =	sadd.s32 s21, s2  }
0x9d: {  	[timem:s6], [sflag:s22] =	dma.local [hbm:s4], s20  }
0x9e: {  	_ =	swait.ge [sflag:s22], s20  }
0x9f: {  	s3 =	ssub.s32 $0x0, s20;
	[sflag:s22] =	ssyncset.done $0x0  }
0xa0: {  	[sflag:s22] =	ssyncadd.s32 s3;
	_ =	sdelay $0x1  }
0xa1: {  	s23 =	simm.s32 $0x1B8B  }
0xa2: {  	_ =	swait.ge [sflag:s23], $0x1  }
0xa3: {  	[sflag:s23] =	ssyncset.done $0x0  }
0xa4: {  	s25 =	simm.s32 $0x1B8E;
	s24 =	sld [smem:$0x3FFE];
	[sflag:s23] =	ssyncadd.s32 $0xFFFFFFFF  }
0xa5: {  	s26 =	simm.s32 $execute0_lowered;
	[smem:$0x3FD2] =	sst s25  }
0xa6: {  	s4 =	sshll.u32 s26, $0x1;
	_ =	strace $0x8000004C;
	[dreg:$0x1] =	wrdreg $0xFFFFFFFF  }
0xa7: {  	s28 =	simm.s32 $_size_execute0_lowered;
	s2 =	sadd.s32 s2, s4;
	[dreg:$0x0] =	wrdreg $0x0  }
0xa8: {  	s4 =	sshll.u32 s28, $0x1;
	[dreg:$0x2] =	wrdreg s2  }
0xa9: {  	[dreg:$0x3] =	wrdreg s4  }
0xaa: {  	[dreg:$0x4] =	wrdreg $0xC0  }
0xab: {  	_ =	task [dreg:s6], $0x5FFFF  }
0xac: {  	[dreg:$0x1] =	wrdreg $0xFFFFFFFF  }
0xad: {  	[dreg:$0x0] =	wrdreg $0x60  }
0xae: {  	[dreg:$0x2] =	wrdreg s24  }
0xaf: {  	[dreg:$0x3] =	wrdreg $0x47400  }
0xb0: {  	[dreg:$0x4] =	wrdreg $0x9  }
0xb1: {  	_ =	task.clear_ibuf [dreg:s6], $0x5FFFF;
	_ =	strace $0x9000004C  }
0xb2: {  	s29 =	simm.s32 $0x9;
	_ =	strace $0x8000004E  }
0xb3: {  	_ =	swait.ge [sflag:s29], $0x1  }
0xb4: {  	[sflag:s29] =	ssyncadd.s32 $0xFFFFFFFF  }
0xb5: {  	_ =	strace $0x9000004E  }
0xb6: {  	_ =	sfence  }
0xb7: {  	s30 =	sld [smem:$0x0];
	_ =	sdelay $0x2  }
0xb8: {  	s31 =	sshll.u32 s1, $0xD;
	s1 =	sshrl.u32 s1, $0x2  }
0xb9: {  	s3 =	sand.u32 $0x4000, s31;
	s1 =	sadd.s32 s1, s30  }
0xba: {  	s0 =	sor.u32 s3, s0;
	s1 =	sshll.u32 s1, $0x11  }
0xbb: {  	s0 =	sor.u32 s1, s0  }
0xbc: {  	s0 =	sadd.s32 $0x8F2B, s0  }
0xbd: {  	[sflag:s0] =	ssyncadd.remote.s32 $0x1  }
0xbe: {  	_ =	sfence.sel $0xFFFF  }
0xbf: {  	[dreg:$0x0] =	wrdreg $0xFFFFFFFF;
	(pc) =	sbr.abs _section_cstart, $3  }
0xc0: {  	[dreg:$0x1] =	wrdreg $0xFFFFFFFF  }
0xc1: {  	_ =	task.clear_ibuf [dreg:s6], $0x2FFFF;
	_ =	strace $0x9FFFFFFF  }
0xc2: {  	(tm) =	ssettm $0x7FFFFFFF  }
0xc3: {  	_ =	shalt  }
tec
execute0_lowered:
.L_overlay_start_1:
0x0: {  	(tag) =	ssettag $0x1  }
0x1: {  	s0 =	srdreg.scid;
	s1 =	rddreg [dreg:$0x0]  }
0x2: {  	s10 =	stileid.u32;
	s2 =	rddreg [dreg:$0x1];
	s3 =	simm.s32 $0x0  }
0x3: {  	s12 =	simm.s32 $0x9;
	s14 =	simm.s32 $0x7D;
	s15 =	simm.s32 $0x2800  }
0x4: {  	s17 =	simm.s32 $0x2FD0;
	s19 =	simm.s32 $0x37A0;
	s21 =	simm.s32 $0x3F70  }
0x5: {  	s22 =	simm.s32 $0x1;
	s23 =	simm.s32 $0x2;
	s24 =	simm.s32 $0x3  }
0x6: {  	s28 =	simm.s32 $0x6;
	s29 =	simm.s32 $0x7;
	s30 =	simm.s32 $0x8  }
0x7: {  	s13 =	simm.s32 $0x2780;
	s16 =	simm.s32 $0x10;
	s18 =	simm.s32 $0x0  }
0x8: {  	s0 =	sand.u32 $0x1, s0;
	[smem:$0x7FF] =	sst s3;
	s7 =	smul.u32 $0x13C00, s10  }
0x9: {  	s8 =	smul.u32 $0x2780, s10;
	s31 =	sshll.u32 s10, $0x6;
	s5 =	sshll.u32 s0, $0x4  }
0xa: {  	_ =	strace $0x8000004D;
	s0 =	ssub.s32 $0x2, s0;
	s4 =	sor.u32 s10, s5  }
0xb: {  	s5 =	sor.u32 s5, s7;
	s25 =	sshrl.u32 s8, $0x3;
	s26 =	sshrl.u32 s0, $0x1  }
0xc: {  	s11 =	sadd.s32 s8, s2;
	s6 =	smul.u32 $0x280, s4;
	s4 =	sadd.s32 $0x2800, s1  }
0xd: {  	s5 =	sshrl.u32 s5, $0x3;
	s0 =	ssub.s32 s0, s26;
	s11 =	sshrl.u32 s11, $0x3  }
0xe: {  	s26 =	simm.s32 $0x5;
	s10 =	smax.u32 s0, $0x1;
	s0 =	simm.s32 $0x2700  }
0xf: {  	s9 =	sadd.s32 s6, s1;
	s6 =	sadd.s32 s25, s1;
	s1 =	sadd.s32 s5, s1  }
0x10: {  	s25 =	simm.s32 $0x4;
	s5 =	sadd.s32 $0x11800, s6;
	s6 =	sor.u32 $0x1C09, s31  }
0x11: {  	s7 =	sadd.s32 $0xA1200, s9;
	s8 =	sadd.s32 $0xC800, s9;
	s9 =	sadd.s32 $0x3DA00, s1  }
.LBB2_1:
0x12: {  	[spmem:s11], [sflag:s6] =	dma.local [hbm:s5], $0x4F0  }
0x13: {  	_ =	swait.ge [sflag:s12], $0x4F0  }
0x14: {  	[sflag:s12] =	ssyncset.done $0x0  }
0x15: {  	[sflag:s12] =	ssyncadd.s32 $0xFFFFFB10  }
0x16: {  	[tilespmem:s3], [sflag:$0x9] =	stream.linear.gather [hbm4b:s7+s3], $0x1400, $0x38;
	[tilespmem:$0x6EC0] =	vst v63  }
0x17: {  	_ =	swait.ge [sflag:s12], $0x1400  }
0x18: {  	[sflag:s12] =	ssyncset.done $0x0  }
0x19: {  	s1 =	simm.s32 $0x1400;
	[sflag:s12] =	ssyncadd.s32 $0xFFFFEC00  }
0x1a: {  	[tilespmem:s1], [sflag:$0x9] =	stream.linear.gather [hbm4b:s8+s3], $0x1400, $0x38;
	[tilespmem:$0x6EC0] =	vst v63  }
0x1b: {  	_ =	swait.ge [sflag:s12], $0x1400  }
0x1c: {  	[sflag:s12] =	ssyncset.done $0x0  }
0x1d: {  	[sflag:s12] =	ssyncadd.s32 $0xFFFFEC00  }
0x1e: {  	[bflag:$0x0] =	sbarrier.arrive $0xFFFF  }
0x1f: {  	[tilespmem:s15], [sflag:$0x1] =	stream.indirect.gather [hbm4b:s4+s14], $0x10, s3, s14, $0xb8;
	[tilespmem:$0x6EC0] =	vst v63  }
0x20: {  	s20 =	simm.s32 $0x80  }
0x21: {  	[tilespmem:s17], [sflag:$0x2] =	stream.indirect.gather [hbm4b:s4+s14], $0x10, s20, s14, $0xb8;
	[tilespmem:$0x6EC0] =	vst v63  }
0x22: {  	s20 =	simm.s32 $0x100  }
0x23: {  	[tilespmem:s19], [sflag:$0x3] =	stream.indirect.gather [hbm4b:s4+s14], $0x10, s20, s14, $0xb8;
	[tilespmem:$0x6EC0] =	vst v63  }
0x24: {  	s20 =	simm.s32 $0x180  }
0x25: {  	[tilespmem:s21], [sflag:$0x4] =	stream.indirect.gather [hbm4b:s4+s14], $0x10, s20, s14, $0xb8;
	[tilespmem:$0x6EC0] =	vst v63  }
0x26: {  	_ =	swait.ge [sflag:s22], $0x7D0  }
0x27: {  	[sflag:s22] =	ssyncset.done $0x0  }
0x28: {  	s20 =	simm.s32 $0x1400;
	[sflag:s22] =	ssyncadd.s32 $0xFFFFF830  }
0x29: {  	[spmem:s2] =	stream.indirect.scatter.add.f32 [tilespmem:s15], [sflag:$0x5], $0x10, s20, s14, $0xb8;
	[tilespmem:$0x6EC0] =	vst v63  }
0x2a: {  	_ =	swait.ge [sflag:s23], $0x7D0  }
0x2b: {  	[sflag:s23] =	ssyncset.done $0x0  }
0x2c: {  	s1 =	simm.s32 $0x1480;
	[sflag:s23] =	ssyncadd.s32 $0xFFFFF830  }
0x2d: {  	[spmem:s2] =	stream.indirect.scatter.add.f32 [tilespmem:s17], [sflag:$0x6], $0x10, s1, s14, $0xb8;
	[tilespmem:$0x6EC0] =	vst v63  }
0x2e: {  	_ =	swait.ge [sflag:s24], $0x7D0  }
0x2f: {  	[sflag:s24] =	ssyncset.done $0x0  }
0x30: {  	s1 =	simm.s32 $0x1500;
	[sflag:s24] =	ssyncadd.s32 $0xFFFFF830  }
0x31: {  	[spmem:s2] =	stream.indirect.scatter.add.f32 [tilespmem:s19], [sflag:$0x7], $0x10, s1, s14, $0xb8;
	[tilespmem:$0x6EC0] =	vst v63  }
0x32: {  	_ =	swait.ge [sflag:s25], $0x7D0  }
0x33: {  	[sflag:s25] =	ssyncset.done $0x0  }
0x34: {  	s1 =	simm.s32 $0x1580;
	[sflag:s25] =	ssyncadd.s32 $0xFFFFF830  }
0x35: {  	[spmem:s2] =	stream.indirect.scatter.add.f32 [tilespmem:s21], [sflag:$0x8], $0x10, s1, s14, $0xb8;
	[tilespmem:$0x6EC0] =	vst v63  }
0x36: {  	_ =	swait.ge [sflag:s26], $0x7D0  }
0x37: {  	[sflag:s26] =	ssyncset.done $0x0  }
0x38: {  	s1 =	simm.s32 $0x200;
	[sflag:s26] =	ssyncadd.s32 $0xFFFFF830  }
0x39: {  	[tilespmem:s15], [sflag:$0x1] =	stream.indirect.gather [hbm4b:s4+s14], $0x10, s1, s14, $0xb8;
	[tilespmem:$0x6EC0] =	vst v63  }
0x3a: {  	_ =	swait.ge [sflag:s28], $0x7D0  }
0x3b: {  	[sflag:s28] =	ssyncset.done $0x0  }
0x3c: {  	s1 =	simm.s32 $0x280;
	[sflag:s28] =	ssyncadd.s32 $0xFFFFF830  }
0x3d: {  	[tilespmem:s17], [sflag:$0x2] =	stream.indirect.gather [hbm4b:s4+s14], $0x10, s1, s14, $0xb8;
	[tilespmem:$0x6EC0] =	vst v63  }
0x3e: {  	_ =	swait.ge [sflag:s29], $0x7D0  }
0x3f: {  	[sflag:s29] =	ssyncset.done $0x0  }
0x40: {  	s1 =	simm.s32 $0x300;
	[sflag:s29] =	ssyncadd.s32 $0xFFFFF830  }
0x41: {  	[tilespmem:s19], [sflag:$0x3] =	stream.indirect.gather [hbm4b:s4+s14], $0x10, s1, s14, $0xb8;
	[tilespmem:$0x6EC0] =	vst v63  }
0x42: {  	_ =	swait.ge [sflag:s30], $0x7D0  }
0x43: {  	[sflag:s30] =	ssyncset.done $0x0  }
0x44: {  	s31 =	simm.s32 $0x380;
	s20 =	simm.s32 $0x800;
	[sflag:s30] =	ssyncadd.s32 $0xFFFFF830  }
.LBB2_2:
0x45: {  	[tilespmem:s21], [sflag:$0x4] =	stream.indirect.gather [hbm4b:s4+s14], $0x10, s31, s14, $0xb8;
	[tilespmem:$0x6EC0] =	vst v63  }
0x46: {  	s31 =	smov.u32 s20  }
0x47: {  	p0 =	sne.s32 s20, $0x4000;
	s20 =	sadd.s32 $0x800, s20;
	_ =	swait.ge [sflag:s22], $0x7D0  }
0x48: {  	s31 =	sshra.s32 s31, $0x2;
	[sflag:s22] =	ssyncset.done $0x0  }
0x49: {  	s1 =	sadd.s32 $0x1400, s31;
	[sflag:s22] =	ssyncadd.s32 $0xFFFFF830  }
0x4a: {  	[spmem:s2] =	stream.indirect.scatter.add.f32 [tilespmem:s15], [sflag:$0x5], $0x10, s1, s14, $0xb8;
	[tilespmem:$0x6EC0] =	vst v63  }
0x4b: {  	_ =	swait.ge [sflag:s23], $0x7D0  }
0x4c: {  	[sflag:s23] =	ssyncset.done $0x0  }
0x4d: {  	s1 =	sadd.s32 $0x1480, s31;
	[sflag:s23] =	ssyncadd.s32 $0xFFFFF830  }
0x4e: {  	[spmem:s2] =	stream.indirect.scatter.add.f32 [tilespmem:s17], [sflag:$0x6], $0x10, s1, s14, $0xb8;
	[tilespmem:$0x6EC0] =	vst v63  }
0x4f: {  	_ =	swait.ge [sflag:s24], $0x7D0  }
0x50: {  	[sflag:s24] =	ssyncset.done $0x0  }
0x51: {  	s1 =	sadd.s32 $0x1500, s31;
	[sflag:s24] =	ssyncadd.s32 $0xFFFFF830  }
0x52: {  	[spmem:s2] =	stream.indirect.scatter.add.f32 [tilespmem:s19], [sflag:$0x7], $0x10, s1, s14, $0xb8;
	[tilespmem:$0x6EC0] =	vst v63  }
0x53: {  	_ =	swait.ge [sflag:s25], $0x7D0  }
0x54: {  	[sflag:s25] =	ssyncset.done $0x0  }
0x55: {  	s1 =	sadd.s32 $0x1580, s31;
	[sflag:s25] =	ssyncadd.s32 $0xFFFFF830  }
0x56: {  	[spmem:s2] =	stream.indirect.scatter.add.f32 [tilespmem:s21], [sflag:$0x8], $0x10, s1, s14, $0xb8;
	[tilespmem:$0x6EC0] =	vst v63  }
0x57: {  	_ =	swait.ge [sflag:s26], $0x7D0  }
0x58: {  	[sflag:s26] =	ssyncset.done $0x0  }
0x59: {  	s1 =	sadd.s32 $0x200, s31;
	[sflag:s26] =	ssyncadd.s32 $0xFFFFF830  }
0x5a: {  	[tilespmem:s15], [sflag:$0x1] =	stream.indirect.gather [hbm4b:s4+s14], $0x10, s1, s14, $0xb8;
	[tilespmem:$0x6EC0] =	vst v63  }
0x5b: {  	_ =	swait.ge [sflag:s28], $0x7D0  }
0x5c: {  	[sflag:s28] =	ssyncset.done $0x0  }
0x5d: {  	s1 =	sadd.s32 $0x280, s31;
	[sflag:s28] =	ssyncadd.s32 $0xFFFFF830  }
0x5e: {  	[tilespmem:s17], [sflag:$0x2] =	stream.indirect.gather [hbm4b:s4+s14], $0x10, s1, s14, $0xb8;
	[tilespmem:$0x6EC0] =	vst v63  }
0x5f: {  	_ =	swait.ge [sflag:s29], $0x7D0  }
0x60: {  	[sflag:s29] =	ssyncset.done $0x0  }
.Ltmp0:
0x61: {  	s1 =	sadd.s32 $0x300, s31;
	[sflag:s29] =	ssyncadd.s32 $0xFFFFF830;
	(pc) =	sbr.rel @p0 .LBB2_2-.Ltmp0, $4  }
0x62: {  	[tilespmem:s19], [sflag:$0x3] =	stream.indirect.gather [hbm4b:s4+s14], $0x10, s1, s14, $0xb8;
	[tilespmem:$0x6EC0] =	vst v63  }
0x63: {  	_ =	swait.ge [sflag:s30], $0x7D0  }
0x64: {  	[sflag:s30] =	ssyncset.done $0x0  }
0x65: {  	s31 =	sadd.s32 $0x380, s31;
	[sflag:s30] =	ssyncadd.s32 $0xFFFFF830  }
0x66: {  	[tilespmem:s21], [sflag:$0x4] =	stream.indirect.gather [hbm4b:s4+s14], $0x10, s31, s14, $0xb8;
	[tilespmem:$0x6EC0] =	vst v63  }
0x67: {  	_ =	swait.ge [sflag:s22], $0x7D0  }
0x68: {  	[sflag:s22] =	ssyncset.done $0x0  }
0x69: {  	s1 =	simm.s32 $0x2600;
	[sflag:s22] =	ssyncadd.s32 $0xFFFFF830  }
0x6a: {  	[spmem:s2] =	stream.indirect.scatter.add.f32 [tilespmem:s15], [sflag:$0x5], $0x10, s1, s14, $0xb8;
	[tilespmem:$0x6EC0] =	vst v63  }
0x6b: {  	_ =	swait.ge [sflag:s23], $0x7D0  }
0x6c: {  	[sflag:s23] =	ssyncset.done $0x0  }
0x6d: {  	s31 =	simm.s32 $0x2680;
	[sflag:s23] =	ssyncadd.s32 $0xFFFFF830  }
0x6e: {  	[spmem:s2] =	stream.indirect.scatter.add.f32 [tilespmem:s17], [sflag:$0x6], $0x10, s31, s14, $0xb8;
	[tilespmem:$0x6EC0] =	vst v63  }
0x6f: {  	_ =	swait.ge [sflag:s24], $0x7D0  }
0x70: {  	[sflag:s24] =	ssyncset.done $0x0  }
0x71: {  	[sflag:s24] =	ssyncadd.s32 $0xFFFFF830  }
0x72: {  	[spmem:s2] =	stream.indirect.scatter.add.f32 [tilespmem:s19], [sflag:$0x7], $0x10, s0, s14, $0xb8;
	[tilespmem:$0x6EC0] =	vst v63  }
0x73: {  	_ =	swait.ge [sflag:s25], $0x7D0  }
0x74: {  	[sflag:s25] =	ssyncset.done $0x0  }
0x75: {  	[sflag:s25] =	ssyncadd.s32 $0xFFFFF830  }
0x76: {  	[spmem:s2] =	stream.indirect.scatter.add.f32 [tilespmem:s21], [sflag:$0x8], $0x10, s13, s14, $0xb8;
	[tilespmem:$0x6EC0] =	vst v63  }
0x77: {  	_ =	swait.ge [sflag:s26], $0x7D0  }
0x78: {  	[sflag:s26] =	ssyncset.done $0x0  }
0x79: {  	[sflag:s26] =	ssyncadd.s32 $0xFFFFF830  }
0x7a: {  	_ =	swait.ge [sflag:s28], $0x7D0  }
0x7b: {  	[sflag:s28] =	ssyncset.done $0x0  }
0x7c: {  	[sflag:s28] =	ssyncadd.s32 $0xFFFFF830  }
0x7d: {  	_ =	swait.ge [sflag:s29], $0x7D0  }
0x7e: {  	[sflag:s29] =	ssyncset.done $0x0  }
0x7f: {  	[sflag:s29] =	ssyncadd.s32 $0xFFFFF830  }
0x80: {  	_ =	swait.ge [sflag:s30], $0x7D0  }
0x81: {  	s18 =	sadd.s32 $0x1, s18;
	[sflag:s30] =	ssyncset.done $0x0  }
0x82: {  	p0 =	sne.s32 s18, s10;
	[sflag:s30] =	ssyncadd.s32 $0xFFFFF830  }
.Ltmp1:
0x83: {  	[bflag:$0x0] =	sbarrier.arrive $0xFFFF;
	(pc) =	sbr.rel @p0 .LBB2_1-.Ltmp1, $4  }
0x84: {  	[hbm:s9@s16], [sflag:s6] =	dma.strided [spmem:s11@s23], $0x4F0, s22, $0x2   }
0x85: {  	_ =	swait.ge [sflag:s12], $0x4F0  }
0x86: {  	[sflag:s12] =	ssyncset.done $0x0  }
0x87: {  	[sflag:s12] =	ssyncadd.s32 $0xFFFFFB10  }
0x88: {  	_ =	sfence.sel $0x180000  }
0x89: {  	[bflag:$0x0] =	sbarrier.arrive $0xFFFF  }
0x8a: {  	_ =	strace $0x9000004D  }
0x8b: {  	s0 =	stileid.u32;
	[bflag:$0x2] =	sbarrier.arrive $0xFFFF  }
0x8c: {  	p0 =	sne.s32 s0, $0x0;
	s0 =	rddreg [dreg:$0x2]  }
0x8d: {  	s0 =	sadd.s32 @!p0 $0x100000, s0  }
0x8e: {  	[sflag:s0] =	ssyncadd.tile.s32 @!p0 $0x1;
	_ =	shalt  }
.Lfunc_end2:
_tile_overlayer_lowered:
.L_overlay_start_2:
0x8f: {  	(tag) =	ssettag $0x2  }
0x90: {  	s0 =	rddreg [dreg:$0x0];
	s2 =	stileid.u32  }
0x91: {  	s1 =	rddreg [dreg:$0x1];
	p0 =	sne.s32 s2, $0x0  }
0x92: {  	s3 =	rddreg [dreg:$0x2];
	[bflag:$0x3] =	sbarrier.arrive $0xFFFF;
	s2 =	simm.s32 @!p0 $0x1C09  }
0x93: {  	[timem:s3], [sflag:s2] =	dma.local @!p0 [hbm:s0], s1  }
0x94: {  	s0 =	simm.s32 @!p0 $0x9  }
0x95: {  	_ =	swait.ge @!p0 [sflag:s0], s1  }
0x96: {  	s1 =	ssub.s32 @!p0 $0x0, s1;
	[sflag:s0] =	ssyncset.done @!p0 $0x0  }
0x97: {  	[sflag:s0] =	ssyncadd.s32 @!p0 s1  }
0x98: {  	[bflag:$0x3] =	sbarrier.arrive $0xFFFF  }
0x99: {  	_ =	shalt  }

// kernel: kernel.8.cloned.1.call-start
scs
__scs_entry_jumppad:
0x0: {  	(pc) =	sbr.rel $0x88, $3  }
0x1: {  	(tag) =	ssettag $0x0;
	lr =	simm.s32 $0x1  }
0x2: {  	[smem:$0x3F9A] =	sst lr;
	_ =	strace $0xD0000000  }
0x3: {  	_ = 	snop  }
0x4: {  	_ = 	snop  }
0x5: {  	_ = 	snop  }
0x6: {  	_ = 	snop  }
0x7: {  	_ = 	snop  }
__scs_overlays_trampoline_lowered:
0x8: {  	[smem:$0x3FA9] =	sst s0  }
0x9: {  	[smem:$0x3FAA] =	sst s1  }
0xa: {  	[smem:$0x3FAB] =	sst s2  }
0xb: {  	[smem:$0x3FAC] =	sst s3  }
0xc: {  	[smem:$0x3FAD] =	sst s4  }
0xd: {  	[smem:$0x3FAE] =	sst s5  }
0xe: {  	[smem:$0x3FAF] =	sst s6  }
0xf: {  	[smem:$0x3FB0] =	sst s7  }
0x10: {  	[smem:$0x3FB1] =	sst s8  }
0x11: {  	[smem:$0x3FB2] =	sst s9;
	s0 =	simm.s32 @!p0 $0x0  }
0x12: {  	s1 =	sld [smem:$0x3F98];
	s0 =	simm.s32 @p0 $0x1  }
0x13: {  	[smem:$0x3FB3] =	sst s0;
	s0 =	simm.s32 @!p1 $0x0  }
0x14: {  	s2 =	sld [smem:$0x3F97];
	s0 =	simm.s32 @p1 $0x1  }
0x15: {  	[smem:$0x3FB4] =	sst s0;
	s0 =	simm.s32 @!p2 $0x0  }
0x16: {  	s3 =	sld [smem:$0x3FDB];
	s0 =	simm.s32 @p2 $0x1  }
0x17: {  	s4 =	simm.s32 $0x1BF5;
	[smem:$0x3FB6] =	sst s0  }
0x18: {  	s0 =	sld [smem:$0x3F99];
	_ =	swait.ge [sflag:s4], $0x0  }
0x19: {  	s7 =	sld [smem:$0x3F9A]  }
0x1a: {  	s8 =	sadd.s32 $0xFFFFE003, lr  }
0x1b: {  	s9 =	sadd.s32 $0xFFFFFEF7, lr;
	s5 =	simm.s32 $0xFFFFFFFF;
	p2 =	slt.u32 s8, $0xFFFFF086  }
0x1c: {  	p1 =	slt.u32 s9, $0xF7A;
	s5 =	simm.s32 @!p2 $0x0  }
0x1d: {  	s5 =	simm.s32 @p1 $0x1;
	p0 =	seq.s32 s7, s2  }
0x1e: {  	s7 =	smul.u32 @!p0 $0xF7A, s2;
	p2 =	seq.s32 @!p0 s5, $0x0  }
0x1f: {  	s9 =	smul.u32 $0xF7A, s1;
	s8 =	simm.s32 @!p0 $0x1BF5;
	p2 =	por !p2, p0  }
0x20: {  	[sflag:s8] =	ssyncset.s32 @!p0 $0xFFFFF086;
	s6 =	sadd.s32 @!p0 s3, s7;
	s7 =	simm.s32 @!p0 $0x108  }
0x21: {  	s3 =	sadd.s32 s3, s9;
	s6 =	sadd.s32 @!p0 $0x88, s6;
	s7 =	simm.s32 @p2 $0x1082  }
0x22: {  	[simem:s7], [sflag:s8] =	dma.local @!p0 [hbm:s6], $0xF7A  }
0x23: {  	s9 =	sor.u32 $0xD0000000, s2;
	s6 =	simm.s32 $0x108;
	_ =	swait.ge @!p0 [sflag:s8], $0x0  }
0x24: {  	s3 =	sadd.s32 $0x88, s3;
	s6 =	simm.s32 @!p1 $0x1082;
	[sflag:s4] =	ssyncset.s32 $0xFFFFF086  }
0x25: {  	[simem:s6], [sflag:s4] =	dma.local [hbm:s3], $0xF7A  }
0x26: {  	[smem:$0x3F9A] =	sst s1;
	(tag) =	ssettag s2;
	_ =	strace s9  }
0x27: {  	s1 =	sld [smem:$0x3FAA]  }
0x28: {  	s2 =	sld [smem:$0x3FAB]  }
0x29: {  	s4 =	sld [smem:$0x3FAD]  }
0x2a: {  	p0 =	seq.s32 s5, $0x0;
	s5 =	sld [smem:$0x3FAE]  }
0x2b: {  	s6 =	sld [smem:$0x3FAF]  }
0x2c: {  	s7 =	sld [smem:$0x3FB0]  }
0x2d: {  	s3 =	simm.s32 $0x108;
	s8 =	sld [smem:$0x3FB1]  }
0x2e: {  	s3 =	simm.s32 @!p0 $0x1082;
	s9 =	sld [smem:$0x3FB2]  }
0x2f: {  	lr =	sadd.s32 s0, s3;
	s0 =	sld [smem:$0x3FA9]  }
0x30: {  	s3 =	sld [smem:$0x3FAC]  }
0x31: {  	[smem:$0x3FB5] =	sst s10  }
0x32: {  	s10 =	sld [smem:$0x3FB3];
	_ =	sdelay $0x3  }
0x33: {  	p0 =	seq.s32 s10, $0x1;
	s10 =	sld [smem:$0x3FB5];
	_ =	sdelay $0x3  }
0x34: {  	[smem:$0x3FB5] =	sst s10  }
0x35: {  	s10 =	sld [smem:$0x3FB4];
	_ =	sdelay $0x3  }
0x36: {  	p1 =	seq.s32 s10, $0x1;
	s10 =	sld [smem:$0x3FB5];
	_ =	sdelay $0x3  }
0x37: {  	[smem:$0x3FB5] =	sst s10  }
0x38: {  	s10 =	sld [smem:$0x3FB6]  }
0x39: {  	_ = 	snop;
	(pc) =	sbr.ind lr, $3  }
0x3a: {  	_ = 	snop  }
0x3b: {  	_ = 	snop  }
0x3c: {  	p2 =	seq.s32 s10, $0x1;
	s10 =	sld [smem:$0x3FB5]  }
0x3d: {  	_ =	shalt  }
0x3e: {  	_ =	shalt  }
0x3f: {  	_ =	shalt  }
0x40: {  	_ =	shalt  }
0x41: {  	_ =	shalt  }
0x42: {  	_ =	shalt  }
0x43: {  	_ =	shalt  }
0x44: {  	_ =	shalt  }
0x45: {  	_ =	shalt  }
0x46: {  	_ =	shalt  }
0x47: {  	_ =	shalt  }
0x48: {  	_ =	shalt  }
0x49: {  	_ =	shalt  }
0x4a: {  	_ =	shalt  }
0x4b: {  	_ =	shalt  }
0x4c: {  	_ =	shalt  }
0x4d: {  	_ =	shalt  }
0x4e: {  	_ =	shalt  }
0x4f: {  	_ =	shalt  }
0x50: {  	_ =	shalt  }
0x51: {  	_ =	shalt  }
0x52: {  	_ =	shalt  }
0x53: {  	_ =	shalt  }
0x54: {  	_ =	shalt  }
0x55: {  	_ =	shalt  }
0x56: {  	_ =	shalt  }
0x57: {  	_ =	shalt  }
0x58: {  	_ =	shalt  }
0x59: {  	_ =	shalt  }
0x5a: {  	_ =	shalt  }
0x5b: {  	_ =	shalt  }
0x5c: {  	_ =	shalt  }
0x5d: {  	_ =	shalt  }
0x5e: {  	_ =	shalt  }
0x5f: {  	_ =	shalt  }
0x60: {  	_ =	shalt  }
0x61: {  	_ =	shalt  }
0x62: {  	_ =	shalt  }
0x63: {  	_ =	shalt  }
0x64: {  	_ =	shalt  }
0x65: {  	_ =	shalt  }
0x66: {  	_ =	shalt  }
0x67: {  	_ =	shalt  }
0x68: {  	_ =	shalt  }
0x69: {  	_ =	shalt  }
0x6a: {  	_ =	shalt  }
0x6b: {  	_ =	shalt  }
0x6c: {  	_ =	shalt  }
0x6d: {  	_ =	shalt  }
0x6e: {  	_ =	shalt  }
0x6f: {  	_ =	shalt  }
0x70: {  	_ =	shalt  }
0x71: {  	_ =	shalt  }
0x72: {  	_ =	shalt  }
0x73: {  	_ =	shalt  }
0x74: {  	_ =	shalt  }
0x75: {  	_ =	shalt  }
0x76: {  	_ =	shalt  }
0x77: {  	_ =	shalt  }
0x78: {  	_ =	shalt  }
0x79: {  	_ =	shalt  }
0x7a: {  	_ =	shalt  }
0x7b: {  	_ =	shalt  }
0x7c: {  	_ =	shalt  }
0x7d: {  	_ =	shalt  }
0x7e: {  	_ =	shalt  }
0x7f: {  	_ =	shalt  }
0x80: {  	_ =	shalt  }
0x81: {  	_ =	shalt  }
0x82: {  	_ =	shalt  }
0x83: {  	_ =	shalt  }
0x84: {  	_ =	shalt  }
0x85: {  	_ =	shalt  }
0x86: {  	_ =	shalt  }
0x87: {  	_ =	shalt  }
.Lfunc_end0:
.L_simem_size_0:
called_computation_lowered:
.L_overlay_start_0:
0x88: {  	s2 =	sld [smem:$0x3FD9]  }
0x89: {  	s3 =	sld [smem:$0x3FFE];
	_ =	sdelay $0x1  }
0x8a: {  	s1 =	srdreg.scid  }
0x8b: {  	s0 =	sand.u32 $0x1, s1  }
0x8c: {  	s16 =	sshll.u32 s0, $0xA;
	s2 =	sadd.s32 s3, s2  }
0x8d: {  	s2 =	sadd.s32 s2, s16  }
0x8e: {  	[smem:$0x3FC1] =	sst s2  }
0x8f: {  	_ = 	snop  }
0x90: {  	(tm) =	ssettm $0x1  }
0x91: {  	s17 =	sld [smem:$0x3FFB];
	_ =	sdelay $0x3  }
0x92: {  	_ =	strace s17  }
0x93: {  	s2 =	sld [smem:$0x3FFC];
	_ =	sdelay $0x3  }
0x94: {  	_ =	strace s2  }
0x95: {  	s2 =	sld [smem:$0x3FFD];
	_ =	sdelay $0x3  }
0x96: {  	_ =	strace s2  }
0x97: {  	_ =	strace $0x8FFFFFFF  }
0x98: {  	s18 =	sld [smem:$0x3FDB];
	_ =	sdelay $0x1  }
0x99: {  	s19 =	simm.s32 $_scs_section_size  }
0x9a: {  	s4 =	simm.s32 $_size__tile_overlayer_lowered;
	s5 =	simm.s32 $_tile_overlayer_lowered  }
0x9b: {  	s22 =	simm.s32 $0x1BFF;
	s21 =	sshll.u32 s5, $0x1;
	s2 =	sadd.s32 s19, s18  }
0x9c: {  	s6 =	simm.s32 $0x0;
	s20 =	sshll.u32 s4, $0x1;
	s4 =	sadd.s32 s21, s2  }
0x9d: {  	[timem:s6], [sflag:s22] =	dma.local [hbm:s4], s20  }
0x9e: {  	_ =	swait.ge [sflag:s22], s20  }
0x9f: {  	s3 =	ssub.s32 $0x0, s20;
	[sflag:s22] =	ssyncset.done $0x0  }
0xa0: {  	[sflag:s22] =	ssyncadd.s32 s3;
	_ =	sdelay $0x1  }
0xa1: {  	s23 =	simm.s32 $0x1B8B  }
0xa2: {  	_ =	swait.ge [sflag:s23], $0x1  }
0xa3: {  	[sflag:s23] =	ssyncset.done $0x0  }
0xa4: {  	s25 =	simm.s32 $0x1B8E;
	s24 =	sld [smem:$0x3FFE];
	[sflag:s23] =	ssyncadd.s32 $0xFFFFFFFF  }
0xa5: {  	s26 =	simm.s32 $execute0_lowered;
	[smem:$0x3FD2] =	sst s25  }
0xa6: {  	s4 =	sshll.u32 s26, $0x1;
	_ =	strace $0x80000046;
	[dreg:$0x1] =	wrdreg $0xFFFFFFFF  }
0xa7: {  	s28 =	simm.s32 $_size_execute0_lowered;
	s2 =	sadd.s32 s2, s4;
	[dreg:$0x0] =	wrdreg $0x0  }
0xa8: {  	s4 =	sshll.u32 s28, $0x1;
	[dreg:$0x2] =	wrdreg s2  }
0xa9: {  	[dreg:$0x3] =	wrdreg s4  }
0xaa: {  	[dreg:$0x4] =	wrdreg $0xC0  }
0xab: {  	_ =	task [dreg:s6], $0x5FFFF  }
0xac: {  	[dreg:$0x1] =	wrdreg $0xFFFFFFFF  }
0xad: {  	[dreg:$0x0] =	wrdreg $0x60  }
0xae: {  	[dreg:$0x2] =	wrdreg s24  }
0xaf: {  	[dreg:$0x3] =	wrdreg $0x1BD00  }
0xb0: {  	[dreg:$0x4] =	wrdreg $0x9  }
0xb1: {  	_ =	task.clear_ibuf [dreg:s6], $0x5FFFF;
	_ =	strace $0x90000046  }
0xb2: {  	s29 =	simm.s32 $0x9;
	_ =	strace $0x80000048  }
0xb3: {  	_ =	swait.ge [sflag:s29], $0x1  }
0xb4: {  	[sflag:s29] =	ssyncadd.s32 $0xFFFFFFFF  }
0xb5: {  	_ =	strace $0x90000048  }
0xb6: {  	_ =	sfence  }
0xb7: {  	s30 =	sld [smem:$0x0];
	_ =	sdelay $0x2  }
0xb8: {  	s31 =	sshll.u32 s1, $0xD;
	s1 =	sshrl.u32 s1, $0x2  }
0xb9: {  	s3 =	sand.u32 $0x4000, s31;
	s1 =	sadd.s32 s1, s30  }
0xba: {  	s0 =	sor.u32 s3, s0;
	s1 =	sshll.u32 s1, $0x11  }
0xbb: {  	s0 =	sor.u32 s1, s0  }
0xbc: {  	s0 =	sadd.s32 $0x8F2B, s0  }
0xbd: {  	[sflag:s0] =	ssyncadd.remote.s32 $0x1  }
0xbe: {  	_ =	sfence.sel $0xFFFF  }
0xbf: {  	[dreg:$0x0] =	wrdreg $0xFFFFFFFF;
	(pc) =	sbr.abs _section_cstart, $3  }
0xc0: {  	[dreg:$0x1] =	wrdreg $0xFFFFFFFF  }
0xc1: {  	_ =	task.clear_ibuf [dreg:s6], $0x2FFFF;
	_ =	strace $0x9FFFFFFF  }
0xc2: {  	(tm) =	ssettm $0x7FFFFFFF  }
0xc3: {  	_ =	shalt  }
tec
execute0_lowered:
.L_overlay_start_1:
0x0: {  	(tag) =	ssettag $0x1  }
0x1: {  	s0 =	srdreg.scid  }
0x2: {  	s10 =	stileid.u32;
	s4 =	rddreg [dreg:$0x0]  }
0x3: {  	s2 =	rddreg [dreg:$0x1];
	s11 =	simm.s32 $0x7D;
	s12 =	simm.s32 $0x1400  }
0x4: {  	s18 =	simm.s32 $0xC80;
	s19 =	simm.s32 $0xD00;
	s20 =	simm.s32 $0xD80  }
0x5: {  	s21 =	simm.s32 $0xE00;
	s22 =	simm.s32 $0xE80;
	s23 =	simm.s32 $0xF00  }
0x6: {  	s28 =	simm.s32 $0x1100;
	s29 =	simm.s32 $0x1180;
	s30 =	simm.s32 $0x1200  }
0x7: {  	s31 =	simm.s32 $0x1280;
	s13 =	simm.s32 $0x1380;
	s14 =	simm.s32 $0x10  }
0x8: {  	s15 =	simm.s32 $0x0;
	s0 =	sand.u32 $0x1, s0;
	s6 =	smul.u32 $0x13C00, s10  }
0x9: {  	s7 =	smul.u32 $0x2780, s10;
	s26 =	sshll.u32 s10, $0x6;
	s1 =	sshll.u32 s0, $0x4  }
0xa: {  	s0 =	ssub.s32 $0x2, s0;
	s3 =	sor.u32 s10, s1;
	s1 =	sor.u32 s1, s6  }
0xb: {  	s24 =	sshrl.u32 s7, $0x3;
	s25 =	sshrl.u32 s0, $0x1;
	s9 =	sadd.s32 s7, s2  }
0xc: {  	s10 =	simm.s32 $0x2;
	s5 =	smul.u32 $0x280, s3;
	s3 =	simm.s32 $0x0  }
0xd: {  	s1 =	sshrl.u32 s1, $0x3;
	s0 =	ssub.s32 s0, s25;
	s9 =	sshrl.u32 s9, $0x3  }
0xe: {  	s25 =	simm.s32 $0x1000;
	[smem:$0x7FF] =	sst s3;
	s1 =	sadd.s32 s1, s4  }
0xf: {  	_ =	strace $0x80000047;
	s8 =	sadd.s32 s5, s4;
	s5 =	sadd.s32 s24, s4  }
0x10: {  	s7 =	sadd.s32 $0x16800, s1;
	s24 =	simm.s32 $0xF80;
	s1 =	simm.s32 $0x1300  }
0x11: {  	s4 =	sadd.s32 $0x11800, s5;
	s5 =	sor.u32 $0x1C02, s26;
	s6 =	sadd.s32 $0xC800, s8  }
0x12: {  	v0 =	vimm.f32 $1.000000000e+00;
	s8 =	smax.u32 s0, $0x1;
	s0 =	simm.s32 $0x1;
	s26 =	simm.s32 $0x1080  }
.LBB2_1:
0x13: {  	[spmem:s9], [sflag:s5] =	dma.local [hbm:s4], $0x4F0  }
0x14: {  	_ =	swait.ge [sflag:s10], $0x4F0  }
0x15: {  	[sflag:s10] =	ssyncset.done $0x0  }
0x16: {  	[sflag:s10] =	ssyncadd.s32 $0xFFFFFB10  }
0x17: {  	[tilespmem:s3], [sflag:$0x2] =	stream.linear.gather [hbm4b:s6+s3], $0x1400, $0x38;
	[tilespmem:$0x4350] =	vst v63  }
0x18: {  	_ =	swait.ge [sflag:s10], $0x1400  }
0x19: {  	[sflag:s10] =	ssyncset.done $0x0  }
0x1a: {  	s16 =	simm.s32 $0x40;
	s17 =	simm.s32 $0x0;
	[sflag:s10] =	ssyncadd.s32 $0xFFFFEC00  }
.LBB2_2:
0x1b: {  	p0 =	sne.s32 s16, $0x1F00;
	[tilespmem:s17+$0x1400] =	vst v0;
	s17 =	smov.u32 s16;
	s16 =	sadd.s32 $0x40, s16  }
.Ltmp0:
0x1c: {  	(pc) =	sbr.rel @p0 .LBB2_2-.Ltmp0, $2  }
0x1d: {  	_ =	sdelay $0x2  }
0x1e: {  	s17 =	sshra.s32 s17, $0x2  }
0x1f: {  	[tilespmem:s17+$0x1400] =	vst v0  }
0x20: {  	[bflag:$0x0] =	sbarrier.arrive $0xFFFF  }
0x21: {  	[spmem:s2] =	stream.indirect.scatter.add.f32 [tilespmem:s12], [sflag:$0x1], $0x10, s3, s11, $0xb8;
	[tilespmem:$0x4350] =	vst v63  }
0x22: {  	s16 =	simm.s32 $0x80  }
0x23: {  	[spmem:s2] =	stream.indirect.scatter.add.f32 [tilespmem:s12], [sflag:$0x1], $0x10, s16, s11, $0xb8;
	[tilespmem:$0x4350] =	vst v63  }
0x24: {  	s17 =	simm.s32 $0x100  }
0x25: {  	[spmem:s2] =	stream.indirect.scatter.add.f32 [tilespmem:s12], [sflag:$0x1], $0x10, s17, s11, $0xb8;
	[tilespmem:$0x4350] =	vst v63  }
0x26: {  	s17 =	simm.s32 $0x180  }
0x27: {  	[spmem:s2] =	stream.indirect.scatter.add.f32 [tilespmem:s12], [sflag:$0x1], $0x10, s17, s11, $0xb8;
	[tilespmem:$0x4350] =	vst v63  }
0x28: {  	s17 =	simm.s32 $0x200  }
0x29: {  	[spmem:s2] =	stream.indirect.scatter.add.f32 [tilespmem:s12], [sflag:$0x1], $0x10, s17, s11, $0xb8;
	[tilespmem:$0x4350] =	vst v63  }
0x2a: {  	s17 =	simm.s32 $0x280  }
0x2b: {  	[spmem:s2] =	stream.indirect.scatter.add.f32 [tilespmem:s12], [sflag:$0x1], $0x10, s17, s11, $0xb8;
	[tilespmem:$0x4350] =	vst v63  }
0x2c: {  	s17 =	simm.s32 $0x300  }
0x2d: {  	[spmem:s2] =	stream.indirect.scatter.add.f32 [tilespmem:s12], [sflag:$0x1], $0x10, s17, s11, $0xb8;
	[tilespmem:$0x4350] =	vst v63  }
0x2e: {  	s17 =	simm.s32 $0x380  }
0x2f: {  	[spmem:s2] =	stream.indirect.scatter.add.f32 [tilespmem:s12], [sflag:$0x1], $0x10, s17, s11, $0xb8;
	[tilespmem:$0x4350] =	vst v63  }
0x30: {  	s17 =	simm.s32 $0x400  }
0x31: {  	[spmem:s2] =	stream.indirect.scatter.add.f32 [tilespmem:s12], [sflag:$0x1], $0x10, s17, s11, $0xb8;
	[tilespmem:$0x4350] =	vst v63  }
0x32: {  	s17 =	simm.s32 $0x480  }
0x33: {  	[spmem:s2] =	stream.indirect.scatter.add.f32 [tilespmem:s12], [sflag:$0x1], $0x10, s17, s11, $0xb8;
	[tilespmem:$0x4350] =	vst v63  }
0x34: {  	s17 =	simm.s32 $0x500  }
0x35: {  	[spmem:s2] =	stream.indirect.scatter.add.f32 [tilespmem:s12], [sflag:$0x1], $0x10, s17, s11, $0xb8;
	[tilespmem:$0x4350] =	vst v63  }
0x36: {  	s17 =	simm.s32 $0x580  }
0x37: {  	[spmem:s2] =	stream.indirect.scatter.add.f32 [tilespmem:s12], [sflag:$0x1], $0x10, s17, s11, $0xb8;
	[tilespmem:$0x4350] =	vst v63  }
0x38: {  	s17 =	simm.s32 $0x600  }
0x39: {  	[spmem:s2] =	stream.indirect.scatter.add.f32 [tilespmem:s12], [sflag:$0x1], $0x10, s17, s11, $0xb8;
	[tilespmem:$0x4350] =	vst v63  }
0x3a: {  	s17 =	simm.s32 $0x680  }
0x3b: {  	[spmem:s2] =	stream.indirect.scatter.add.f32 [tilespmem:s12], [sflag:$0x1], $0x10, s17, s11, $0xb8;
	[tilespmem:$0x4350] =	vst v63  }
0x3c: {  	s17 =	simm.s32 $0x700  }
0x3d: {  	[spmem:s2] =	stream.indirect.scatter.add.f32 [tilespmem:s12], [sflag:$0x1], $0x10, s17, s11, $0xb8;
	[tilespmem:$0x4350] =	vst v63  }
0x3e: {  	s17 =	simm.s32 $0x780  }
0x3f: {  	[spmem:s2] =	stream.indirect.scatter.add.f32 [tilespmem:s12], [sflag:$0x1], $0x10, s17, s11, $0xb8;
	[tilespmem:$0x4350] =	vst v63  }
0x40: {  	s17 =	simm.s32 $0x800  }
0x41: {  	[spmem:s2] =	stream.indirect.scatter.add.f32 [tilespmem:s12], [sflag:$0x1], $0x10, s17, s11, $0xb8;
	[tilespmem:$0x4350] =	vst v63  }
0x42: {  	s17 =	simm.s32 $0x880  }
0x43: {  	[spmem:s2] =	stream.indirect.scatter.add.f32 [tilespmem:s12], [sflag:$0x1], $0x10, s17, s11, $0xb8;
	[tilespmem:$0x4350] =	vst v63  }
0x44: {  	s17 =	simm.s32 $0x900  }
0x45: {  	[spmem:s2] =	stream.indirect.scatter.add.f32 [tilespmem:s12], [sflag:$0x1], $0x10, s17, s11, $0xb8;
	[tilespmem:$0x4350] =	vst v63  }
0x46: {  	s17 =	simm.s32 $0x980  }
0x47: {  	[spmem:s2] =	stream.indirect.scatter.add.f32 [tilespmem:s12], [sflag:$0x1], $0x10, s17, s11, $0xb8;
	[tilespmem:$0x4350] =	vst v63  }
0x48: {  	_ =	swait.ge [sflag:s0], $0x7D0  }
0x49: {  	[sflag:s0] =	ssyncset.done $0x0  }
0x4a: {  	[sflag:s0] =	ssyncadd.s32 $0xFFFFF830  }
0x4b: {  	_ =	swait.ge [sflag:s0], $0x7D0  }
0x4c: {  	[sflag:s0] =	ssyncset.done $0x0  }
0x4d: {  	[sflag:s0] =	ssyncadd.s32 $0xFFFFF830  }
0x4e: {  	_ =	swait.ge [sflag:s0], $0x7D0  }
0x4f: {  	[sflag:s0] =	ssyncset.done $0x0  }
0x50: {  	[sflag:s0] =	ssyncadd.s32 $0xFFFFF830  }
0x51: {  	_ =	swait.ge [sflag:s0], $0x7D0  }
0x52: {  	[sflag:s0] =	ssyncset.done $0x0  }
0x53: {  	[sflag:s0] =	ssyncadd.s32 $0xFFFFF830  }
0x54: {  	_ =	swait.ge [sflag:s0], $0x7D0  }
0x55: {  	[sflag:s0] =	ssyncset.done $0x0  }
0x56: {  	[sflag:s0] =	ssyncadd.s32 $0xFFFFF830  }
0x57: {  	_ =	swait.ge [sflag:s0], $0x7D0  }
0x58: {  	[sflag:s0] =	ssyncset.done $0x0  }
0x59: {  	[sflag:s0] =	ssyncadd.s32 $0xFFFFF830  }
0x5a: {  	_ =	swait.ge [sflag:s0], $0x7D0  }
0x5b: {  	[sflag:s0] =	ssyncset.done $0x0  }
0x5c: {  	[sflag:s0] =	ssyncadd.s32 $0xFFFFF830  }
0x5d: {  	_ =	swait.ge [sflag:s0], $0x7D0  }
0x5e: {  	[sflag:s0] =	ssyncset.done $0x0  }
0x5f: {  	[sflag:s0] =	ssyncadd.s32 $0xFFFFF830  }
0x60: {  	_ =	swait.ge [sflag:s0], $0x7D0  }
0x61: {  	[sflag:s0] =	ssyncset.done $0x0  }
0x62: {  	[sflag:s0] =	ssyncadd.s32 $0xFFFFF830  }
0x63: {  	_ =	swait.ge [sflag:s0], $0x7D0  }
0x64: {  	[sflag:s0] =	ssyncset.done $0x0  }
0x65: {  	[sflag:s0] =	ssyncadd.s32 $0xFFFFF830  }
0x66: {  	_ =	swait.ge [sflag:s0], $0x7D0  }
0x67: {  	[sflag:s0] =	ssyncset.done $0x0  }
0x68: {  	[sflag:s0] =	ssyncadd.s32 $0xFFFFF830  }
0x69: {  	_ =	swait.ge [sflag:s0], $0x7D0  }
0x6a: {  	[sflag:s0] =	ssyncset.done $0x0  }
0x6b: {  	[sflag:s0] =	ssyncadd.s32 $0xFFFFF830  }
0x6c: {  	_ =	swait.ge [sflag:s0], $0x7D0  }
0x6d: {  	[sflag:s0] =	ssyncset.done $0x0  }
0x6e: {  	[sflag:s0] =	ssyncadd.s32 $0xFFFFF830  }
0x6f: {  	_ =	swait.ge [sflag:s0], $0x7D0  }
0x70: {  	[sflag:s0] =	ssyncset.done $0x0  }
0x71: {  	[sflag:s0] =	ssyncadd.s32 $0xFFFFF830  }
0x72: {  	_ =	swait.ge [sflag:s0], $0x7D0  }
0x73: {  	[sflag:s0] =	ssyncset.done $0x0  }
0x74: {  	[sflag:s0] =	ssyncadd.s32 $0xFFFFF830  }
0x75: {  	_ =	swait.ge [sflag:s0], $0x7D0  }
0x76: {  	[sflag:s0] =	ssyncset.done $0x0  }
0x77: {  	[sflag:s0] =	ssyncadd.s32 $0xFFFFF830  }
0x78: {  	_ =	swait.ge [sflag:s0], $0x7D0  }
0x79: {  	[sflag:s0] =	ssyncset.done $0x0  }
0x7a: {  	[sflag:s0] =	ssyncadd.s32 $0xFFFFF830  }
0x7b: {  	_ =	swait.ge [sflag:s0], $0x7D0  }
0x7c: {  	[sflag:s0] =	ssyncset.done $0x0  }
0x7d: {  	[sflag:s0] =	ssyncadd.s32 $0xFFFFF830  }
0x7e: {  	_ =	swait.ge [sflag:s0], $0x7D0  }
0x7f: {  	[sflag:s0] =	ssyncset.done $0x0  }
0x80: {  	[sflag:s0] =	ssyncadd.s32 $0xFFFFF830  }
0x81: {  	_ =	swait.ge [sflag:s0], $0x7D0  }
0x82: {  	[sflag:s0] =	ssyncset.done $0x0  }
0x83: {  	s17 =	simm.s32 $0xA00;
	[sflag:s0] =	ssyncadd.s32 $0xFFFFF830  }
0x84: {  	[spmem:s2] =	stream.indirect.scatter.add.f32 [tilespmem:s12], [sflag:$0x1], $0x10, s17, s11, $0xb8;
	[tilespmem:$0x4350] =	vst v63  }
0x85: {  	s17 =	simm.s32 $0xA80  }
0x86: {  	[spmem:s2] =	stream.indirect.scatter.add.f32 [tilespmem:s12], [sflag:$0x1], $0x10, s17, s11, $0xb8;
	[tilespmem:$0x4350] =	vst v63  }
0x87: {  	s17 =	simm.s32 $0xB00  }
0x88: {  	[spmem:s2] =	stream.indirect.scatter.add.f32 [tilespmem:s12], [sflag:$0x1], $0x10, s17, s11, $0xb8;
	[tilespmem:$0x4350] =	vst v63  }
0x89: {  	s17 =	simm.s32 $0xB80  }
0x8a: {  	[spmem:s2] =	stream.indirect.scatter.add.f32 [tilespmem:s12], [sflag:$0x1], $0x10, s17, s11, $0xb8;
	[tilespmem:$0x4350] =	vst v63  }
0x8b: {  	s17 =	simm.s32 $0xC00  }
0x8c: {  	[spmem:s2] =	stream.indirect.scatter.add.f32 [tilespmem:s12], [sflag:$0x1], $0x10, s17, s11, $0xb8;
	[tilespmem:$0x4350] =	vst v63  }
0x8d: {  	_ = 	snop  }
0x8e: {  	[spmem:s2] =	stream.indirect.scatter.add.f32 [tilespmem:s12], [sflag:$0x1], $0x10, s18, s11, $0xb8;
	[tilespmem:$0x4350] =	vst v63  }
0x8f: {  	_ = 	snop  }
0x90: {  	[spmem:s2] =	stream.indirect.scatter.add.f32 [tilespmem:s12], [sflag:$0x1], $0x10, s19, s11, $0xb8;
	[tilespmem:$0x4350] =	vst v63  }
0x91: {  	_ = 	snop  }
0x92: {  	[spmem:s2] =	stream.indirect.scatter.add.f32 [tilespmem:s12], [sflag:$0x1], $0x10, s20, s11, $0xb8;
	[tilespmem:$0x4350] =	vst v63  }
0x93: {  	_ = 	snop  }
0x94: {  	[spmem:s2] =	stream.indirect.scatter.add.f32 [tilespmem:s12], [sflag:$0x1], $0x10, s21, s11, $0xb8;
	[tilespmem:$0x4350] =	vst v63  }
0x95: {  	_ = 	snop  }
0x96: {  	[spmem:s2] =	stream.indirect.scatter.add.f32 [tilespmem:s12], [sflag:$0x1], $0x10, s22, s11, $0xb8;
	[tilespmem:$0x4350] =	vst v63  }
0x97: {  	_ = 	snop  }
0x98: {  	[spmem:s2] =	stream.indirect.scatter.add.f32 [tilespmem:s12], [sflag:$0x1], $0x10, s23, s11, $0xb8;
	[tilespmem:$0x4350] =	vst v63  }
0x99: {  	_ = 	snop  }
0x9a: {  	[spmem:s2] =	stream.indirect.scatter.add.f32 [tilespmem:s12], [sflag:$0x1], $0x10, s24, s11, $0xb8;
	[tilespmem:$0x4350] =	vst v63  }
0x9b: {  	_ = 	snop  }
0x9c: {  	[spmem:s2] =	stream.indirect.scatter.add.f32 [tilespmem:s12], [sflag:$0x1], $0x10, s25, s11, $0xb8;
	[tilespmem:$0x4350] =	vst v63  }
0x9d: {  	_ = 	snop  }
0x9e: {  	[spmem:s2] =	stream.indirect.scatter.add.f32 [tilespmem:s12], [sflag:$0x1], $0x10, s26, s11, $0xb8;
	[tilespmem:$0x4350] =	vst v63  }
0x9f: {  	_ = 	snop  }
0xa0: {  	[spmem:s2] =	stream.indirect.scatter.add.f32 [tilespmem:s12], [sflag:$0x1], $0x10, s28, s11, $0xb8;
	[tilespmem:$0x4350] =	vst v63  }
0xa1: {  	_ = 	snop  }
0xa2: {  	[spmem:s2] =	stream.indirect.scatter.add.f32 [tilespmem:s12], [sflag:$0x1], $0x10, s29, s11, $0xb8;
	[tilespmem:$0x4350] =	vst v63  }
0xa3: {  	_ = 	snop  }
0xa4: {  	[spmem:s2] =	stream.indirect.scatter.add.f32 [tilespmem:s12], [sflag:$0x1], $0x10, s30, s11, $0xb8;
	[tilespmem:$0x4350] =	vst v63  }
0xa5: {  	_ = 	snop  }
0xa6: {  	[spmem:s2] =	stream.indirect.scatter.add.f32 [tilespmem:s12], [sflag:$0x1], $0x10, s31, s11, $0xb8;
	[tilespmem:$0x4350] =	vst v63  }
0xa7: {  	_ = 	snop  }
0xa8: {  	[spmem:s2] =	stream.indirect.scatter.add.f32 [tilespmem:s12], [sflag:$0x1], $0x10, s1, s11, $0xb8;
	[tilespmem:$0x4350] =	vst v63  }
0xa9: {  	_ = 	snop  }
0xaa: {  	[spmem:s2] =	stream.indirect.scatter.add.f32 [tilespmem:s12], [sflag:$0x1], $0x10, s13, s11, $0xb8;
	[tilespmem:$0x4350] =	vst v63  }
0xab: {  	_ =	swait.ge [sflag:s0], $0x7D0  }
0xac: {  	[sflag:s0] =	ssyncset.done $0x0  }
0xad: {  	[sflag:s0] =	ssyncadd.s32 $0xFFFFF830  }
0xae: {  	_ =	swait.ge [sflag:s0], $0x7D0  }
0xaf: {  	[sflag:s0] =	ssyncset.done $0x0  }
0xb0: {  	[sflag:s0] =	ssyncadd.s32 $0xFFFFF830  }
0xb1: {  	_ =	swait.ge [sflag:s0], $0x7D0  }
0xb2: {  	[sflag:s0] =	ssyncset.done $0x0  }
0xb3: {  	[sflag:s0] =	ssyncadd.s32 $0xFFFFF830  }
0xb4: {  	_ =	swait.ge [sflag:s0], $0x7D0  }
0xb5: {  	[sflag:s0] =	ssyncset.done $0x0  }
0xb6: {  	[sflag:s0] =	ssyncadd.s32 $0xFFFFF830  }
0xb7: {  	_ =	swait.ge [sflag:s0], $0x7D0  }
0xb8: {  	[sflag:s0] =	ssyncset.done $0x0  }
0xb9: {  	[sflag:s0] =	ssyncadd.s32 $0xFFFFF830  }
0xba: {  	_ =	swait.ge [sflag:s0], $0x7D0  }
0xbb: {  	[sflag:s0] =	ssyncset.done $0x0  }
0xbc: {  	[sflag:s0] =	ssyncadd.s32 $0xFFFFF830  }
0xbd: {  	_ =	swait.ge [sflag:s0], $0x7D0  }
0xbe: {  	[sflag:s0] =	ssyncset.done $0x0  }
0xbf: {  	[sflag:s0] =	ssyncadd.s32 $0xFFFFF830  }
0xc0: {  	_ =	swait.ge [sflag:s0], $0x7D0  }
0xc1: {  	[sflag:s0] =	ssyncset.done $0x0  }
0xc2: {  	[sflag:s0] =	ssyncadd.s32 $0xFFFFF830  }
0xc3: {  	_ =	swait.ge [sflag:s0], $0x7D0  }
0xc4: {  	[sflag:s0] =	ssyncset.done $0x0  }
0xc5: {  	[sflag:s0] =	ssyncadd.s32 $0xFFFFF830  }
0xc6: {  	_ =	swait.ge [sflag:s0], $0x7D0  }
0xc7: {  	[sflag:s0] =	ssyncset.done $0x0  }
0xc8: {  	[sflag:s0] =	ssyncadd.s32 $0xFFFFF830  }
0xc9: {  	_ =	swait.ge [sflag:s0], $0x7D0  }
0xca: {  	[sflag:s0] =	ssyncset.done $0x0  }
0xcb: {  	[sflag:s0] =	ssyncadd.s32 $0xFFFFF830  }
0xcc: {  	_ =	swait.ge [sflag:s0], $0x7D0  }
0xcd: {  	[sflag:s0] =	ssyncset.done $0x0  }
0xce: {  	[sflag:s0] =	ssyncadd.s32 $0xFFFFF830  }
0xcf: {  	_ =	swait.ge [sflag:s0], $0x7D0  }
0xd0: {  	[sflag:s0] =	ssyncset.done $0x0  }
0xd1: {  	[sflag:s0] =	ssyncadd.s32 $0xFFFFF830  }
0xd2: {  	_ =	swait.ge [sflag:s0], $0x7D0  }
0xd3: {  	[sflag:s0] =	ssyncset.done $0x0  }
0xd4: {  	[sflag:s0] =	ssyncadd.s32 $0xFFFFF830  }
0xd5: {  	_ =	swait.ge [sflag:s0], $0x7D0  }
0xd6: {  	[sflag:s0] =	ssyncset.done $0x0  }
0xd7: {  	[sflag:s0] =	ssyncadd.s32 $0xFFFFF830  }
0xd8: {  	_ =	swait.ge [sflag:s0], $0x7D0  }
0xd9: {  	[sflag:s0] =	ssyncset.done $0x0  }
0xda: {  	[sflag:s0] =	ssyncadd.s32 $0xFFFFF830  }
0xdb: {  	_ =	swait.ge [sflag:s0], $0x7D0  }
0xdc: {  	[sflag:s0] =	ssyncset.done $0x0  }
0xdd: {  	[sflag:s0] =	ssyncadd.s32 $0xFFFFF830  }
0xde: {  	_ =	swait.ge [sflag:s0], $0x7D0  }
0xdf: {  	[sflag:s0] =	ssyncset.done $0x0  }
0xe0: {  	[sflag:s0] =	ssyncadd.s32 $0xFFFFF830  }
0xe1: {  	_ =	swait.ge [sflag:s0], $0x7D0  }
0xe2: {  	[sflag:s0] =	ssyncset.done $0x0  }
0xe3: {  	[sflag:s0] =	ssyncadd.s32 $0xFFFFF830  }
0xe4: {  	_ =	swait.ge [sflag:s0], $0x7D0  }
0xe5: {  	s15 =	sadd.s32 $0x1, s15;
	[sflag:s0] =	ssyncset.done $0x0  }
0xe6: {  	p0 =	sne.s32 s15, s8;
	[sflag:s0] =	ssyncadd.s32 $0xFFFFF830  }
.Ltmp1:
0xe7: {  	[bflag:$0x0] =	sbarrier.arrive $0xFFFF;
	(pc) =	sbr.rel @p0 .LBB2_1-.Ltmp1, $4  }
0xe8: {  	[hbm:s7@s14], [sflag:s5] =	dma.strided [spmem:s9@s10], $0x4F0, s0, $0x2   }
0xe9: {  	_ =	swait.ge [sflag:s10], $0x4F0  }
0xea: {  	[sflag:s10] =	ssyncset.done $0x0  }
0xeb: {  	[sflag:s10] =	ssyncadd.s32 $0xFFFFFB10  }
0xec: {  	_ =	sfence.sel $0x180000  }
0xed: {  	[bflag:$0x0] =	sbarrier.arrive $0xFFFF  }
0xee: {  	_ =	strace $0x90000047  }
0xef: {  	s0 =	stileid.u32;
	[bflag:$0x2] =	sbarrier.arrive $0xFFFF  }
0xf0: {  	p0 =	sne.s32 s0, $0x0;
	s0 =	rddreg [dreg:$0x2]  }
0xf1: {  	s0 =	sadd.s32 @!p0 $0x100000, s0  }
0xf2: {  	[sflag:s0] =	ssyncadd.tile.s32 @!p0 $0x1;
	_ =	shalt  }
.Lfunc_end2:
_tile_overlayer_lowered:
.L_overlay_start_2:
0xf3: {  	(tag) =	ssettag $0x2  }
0xf4: {  	s0 =	rddreg [dreg:$0x0];
	s2 =	stileid.u32  }
0xf5: {  	s1 =	rddreg [dreg:$0x1];
	p0 =	sne.s32 s2, $0x0  }
0xf6: {  	s3 =	rddreg [dreg:$0x2];
	[bflag:$0x3] =	sbarrier.arrive $0xFFFF;
	s2 =	simm.s32 @!p0 $0x1C02  }
0xf7: {  	[timem:s3], [sflag:s2] =	dma.local @!p0 [hbm:s0], s1  }
0xf8: {  	s0 =	simm.s32 @!p0 $0x2  }
0xf9: {  	_ =	swait.ge @!p0 [sflag:s0], s1  }
0xfa: {  	s1 =	ssub.s32 @!p0 $0x0, s1;
	[sflag:s0] =	ssyncset.done @!p0 $0x0  }
0xfb: {  	[sflag:s0] =	ssyncadd.s32 @!p0 s1  }
0xfc: {  	[bflag:$0x3] =	sbarrier.arrive $0xFFFF  }
0xfd: {  	_ =	shalt  }

</sc_bundles>
